<compile_context>
chip_gen: v7x
topology: tpu7x:2x2x1
jax: 0.10.2.dev20260603
libtpu: 0.0.44.dev20260713+nightly
codegen_flags: <defaults>
</compile_context>

<pallas_src>
import functools

import jax
import jax.numpy as jnp
from jax import lax
from jax.experimental import pallas as pl
from jax.experimental.pallas import tpu as pltpu
from jax.experimental.pallas import tpu_sc as plsc

N = 10000
E = 320000
D = 128
G = 128

NC = 2
NS = 16
NW = NC * NS
K = 128
NP = 10240
RPT = NP // NW
SROWS = NS * RPT + 256
CAP = 10752
C2 = CAP // K

CAPG = 512
GPT = G // NW
CG2 = CAPG // K


def _sc_segment_sum(h, src4, dst4, zrows):
    mesh = plsc.VectorSubcoreMesh(core_axis_name="c", subcore_axis_name="s")

    @functools.partial(
        pl.kernel,
        out_type=jax.ShapeDtypeStruct((NP, D), jnp.float32),
        mesh=mesh,
        scratch_types=[
            pltpu.VMEM((C2, K), jnp.int32),
            pltpu.VMEM((C2, K), jnp.int32),
            pltpu.VMEM((K, D), jnp.float32),
            pltpu.VMEM((K, D), jnp.float32),
            pltpu.VMEM_SHARED((SROWS, D), jnp.float32),
            pltpu.SemaphoreType.DMA,
            pltpu.SemaphoreType.DMA,
        ],
    )
    def seg_sum(h_hbm, src_hbm, dst_hbm, z_hbm, out_hbm,
                src_v, dst_v, buf0, buf1, agg_sh, sem0, sem1):
        c = lax.axis_index("c")
        s = lax.axis_index("s")

        pltpu.sync_copy(z_hbm, agg_sh.at[pl.ds(s * RPT, RPT)])
        pltpu.sync_copy(src_hbm.at[c, s], src_v)
        pltpu.sync_copy(dst_hbm.at[c, s], dst_v)
        plsc.subcore_barrier()

        def body(i, carry):
            c0 = 2 * i
            c1 = 2 * i + 1
            d0 = pltpu.async_copy(h_hbm.at[src_v.at[c0]], buf0, sem0)
            d1 = pltpu.async_copy(h_hbm.at[src_v.at[c1]], buf1, sem1)
            d0.wait()
            pltpu.sync_copy(buf0, agg_sh.at[dst_v.at[c0]], add=True)
            d1.wait()
            pltpu.sync_copy(buf1, agg_sh.at[dst_v.at[c1]], add=True)
            return carry
        lax.fori_loop(0, C2 // 2, body, 0)
        plsc.subcore_barrier()

        pltpu.sync_copy(agg_sh.at[pl.ds(s * RPT, RPT)],
                        out_hbm.at[pl.ds((c * NS + s) * RPT, RPT)])

    return seg_sum(h, src4, dst4, zrows)


def _sc_pool(h, row4, gdst4, zrows):
    mesh = plsc.VectorSubcoreMesh(core_axis_name="c", subcore_axis_name="s")
    BLK = 2 * GPT

    @functools.partial(
        pl.kernel,
        out_type=jax.ShapeDtypeStruct((NW, BLK, D), jnp.float32),
        mesh=mesh,
        scratch_types=[
            pltpu.VMEM((CG2, K), jnp.int32),
            pltpu.VMEM((CG2, K), jnp.int32),
            pltpu.VMEM((K, D), jnp.float32),
            pltpu.VMEM((K, D), jnp.float32),
            pltpu.VMEM_SHARED((NS * BLK, D), jnp.float32),
            pltpu.SemaphoreType.DMA,
            pltpu.SemaphoreType.DMA,
        ],
    )
    def pool(h_hbm, row_hbm, gdst_hbm, z_hbm, out_hbm,
             row_v, gdst_v, buf0, buf1, agg_sh, sem0, sem1):
        c = lax.axis_index("c")
        s = lax.axis_index("s")

        pltpu.sync_copy(z_hbm.at[pl.ds(0, BLK)],
                        agg_sh.at[pl.ds(s * BLK, BLK)])
        pltpu.sync_copy(row_hbm.at[c, s], row_v)
        pltpu.sync_copy(gdst_hbm.at[c, s], gdst_v)
        plsc.subcore_barrier()

        def body(i, carry):
            c0 = 2 * i
            c1 = 2 * i + 1
            d0 = pltpu.async_copy(h_hbm.at[row_v.at[c0]], buf0, sem0)
            d1 = pltpu.async_copy(h_hbm.at[row_v.at[c1]], buf1, sem1)
            d0.wait()
            pltpu.sync_copy(buf0, agg_sh.at[gdst_v.at[c0]], add=True)
            d1.wait()
            pltpu.sync_copy(buf1, agg_sh.at[gdst_v.at[c1]], add=True)
            return carry
        lax.fori_loop(0, CG2 // 2, body, 0)
        plsc.subcore_barrier()

        pltpu.sync_copy(agg_sh.at[pl.ds(s * BLK, BLK)],
                        out_hbm.at[c * NS + s])

    return pool(h, row4, gdst4, zrows)


def _mm_gin(h, agg, wt, b, e11):
    def body(h_ref, a_ref, w_ref, b_ref, e_ref, o_ref):
        xb = e_ref[0, 0] * h_ref[...] + a_ref[:N]
        o_ref[...] = jnp.dot(
            xb, w_ref[...], preferred_element_type=jnp.float32) + b_ref[...]

    return pl.pallas_call(
        body,
        out_shape=jax.ShapeDtypeStruct((N, wt.shape[1]), jnp.float32),
    )(h, agg, wt, b, e11)


def _mm_bias(x, wt, b):
    def body(x_ref, w_ref, b_ref, o_ref):
        o_ref[...] = jnp.dot(
            x_ref[...], w_ref[...],
            preferred_element_type=jnp.float32) + b_ref[...]

    return pl.pallas_call(
        body,
        out_shape=jax.ShapeDtypeStruct((x.shape[0], wt.shape[1]), jnp.float32),
    )(x, wt, b)


def _bn_act(x, g, b):
    m = jnp.mean(x, axis=0)
    v = jnp.var(x, axis=0)
    return jax.nn.relu(g * (x - m) / jnp.sqrt(v + 1e-5) + b)


def kernel(x, edge_index, batch, params, mlp_params):
    src = edge_index[0]
    dst = edge_index[1]

    owner = dst // RPT
    perm = jnp.argsort(owner, stable=True)
    packed = src * 16384 + dst
    packedp = packed[perm]
    owner_sorted = owner[perm]
    bids = jnp.arange(NW, dtype=jnp.int32)
    starts = jnp.searchsorted(owner_sorted, bids, side='left').astype(jnp.int32)
    ends = jnp.concatenate([starts[1:], jnp.array([E], jnp.int32)])
    slots = jnp.arange(CAP, dtype=jnp.int32)[None, :]
    idxm = starts[:, None] + slots
    valid = idxm < ends[:, None]
    idxc = jnp.minimum(idxm, E - 1)
    pp = packedp[idxc]
    ppsrc = pp // 16384
    ppdst = pp - ppsrc * 16384
    sc_of_b = (bids // NS)[:, None]
    psrc = jnp.where(valid, ppsrc, (idxm * 61) % N)
    pdst = jnp.where(valid, ppdst - sc_of_b * (NS * RPT),
                     NS * RPT + (idxm % 256))
    src4 = psrc.reshape(NC, NS, C2, K)
    dst4 = pdst.reshape(NC, NS, C2, K)

    gstarts = jnp.searchsorted(
        batch, (bids * GPT).astype(jnp.int32), side='left').astype(jnp.int32)
    gends = jnp.concatenate([gstarts[1:], jnp.array([N], jnp.int32)])
    gslots = jnp.arange(CAPG, dtype=jnp.int32)[None, :]
    gidx = gstarts[:, None] + gslots
    gvalid = gidx < gends[:, None]
    gidxc = jnp.minimum(gidx, N - 1)
    bloc = (bids % NS)[:, None] * (2 * GPT)
    prow = jnp.where(gvalid, gidxc, (gidx * 61) % N)
    pgdst = jnp.where(gvalid, batch[gidxc] - bids[:, None] * GPT + bloc,
                      bloc + GPT + (gidx % GPT))
    row4 = prow.reshape(NC, NS, CG2, K)
    gdst4 = pgdst.reshape(NC, NS, CG2, K)

    zrows = jnp.zeros((RPT, D), jnp.float32)

    h = x
    for p in params:
        agg = _sc_segment_sum(h, src4, dst4, zrows)
        z = _mm_gin(h, agg, p['W1'].T, p['b1'].reshape(1, -1),
                    (1.0 + p['eps']).reshape(1, 1))
        z = _bn_act(z, p['g1'], p['be1'])
        z = _mm_bias(z, p['W2'].T, p['b2'].reshape(1, -1))
        h = _bn_act(z, p['g2'], p['be2'])

    pooled = _sc_pool(h, row4, gdst4, zrows)[:, :GPT, :].reshape(G, D)
    z = _mm_bias(pooled, mlp_params['W1'].T, mlp_params['b1'].reshape(1, -1))
    z = _bn_act(z, mlp_params['g'], mlp_params['be'])
    return _mm_bias(z, mlp_params['W2'].T, mlp_params['b2'].reshape(1, -1))

# --- scband reference (transcript-rebuilt; emitter-appended) ---
"""Pipeline reference for scband-gin-77661598646384 (READ-ONLY COPY).

The authoritative reference and input builder live on the scoring server;
editing this copy changes nothing except your own understanding.
"""

import jax, jax.numpy as jnp
import numpy as np

N = 10000
E = 320000
D = 128
H = 128
OUT = 10
L = 3
G = 128

def _bn(x, g, b):
    m = jnp.mean(x, axis=0)
    v = jnp.var(x, axis=0)
    return g * (x - m) / jnp.sqrt(v + 1e-5) + b

def setup_inputs(seed: int = 0):
    key = jax.random.key(seed)
    ks = jax.random.split(key, 8 + L)
    x = jax.random.normal(ks[0], (N, D), dtype=jnp.float32)
    edge_index = jax.random.randint(ks[1], (2, E), 0, N, dtype=jnp.int32)
    batch = jnp.sort(jax.random.randint(ks[2], (N,), 0, G, dtype=jnp.int32))
    params = []
    cin = D
    for l in range(L):
        k1, k2 = jax.random.split(ks[3 + l])
        params.append({
            'W1': jax.random.normal(k1, (2 * H, cin), dtype=jnp.float32) * 0.05,
            'b1': jnp.zeros((2 * H,), dtype=jnp.float32),
            'g1': jnp.ones((2 * H,), dtype=jnp.float32),
            'be1': jnp.zeros((2 * H,), dtype=jnp.float32),
            'W2': jax.random.normal(k2, (H, 2 * H), dtype=jnp.float32) * 0.05,
            'b2': jnp.zeros((H,), dtype=jnp.float32),
            'eps': jnp.zeros((), dtype=jnp.float32),
            'g2': jnp.ones((H,), dtype=jnp.float32),
            'be2': jnp.zeros((H,), dtype=jnp.float32),
        })
        cin = H
    k3, k4 = jax.random.split(ks[3 + L])
    mlp_params = {
        'W1': jax.random.normal(k3, (H, H), dtype=jnp.float32) * 0.05,
        'b1': jnp.zeros((H,), dtype=jnp.float32),
        'g': jnp.ones((H,), dtype=jnp.float32),
        'be': jnp.zeros((H,), dtype=jnp.float32),
        'W2': jax.random.normal(k4, (OUT, H), dtype=jnp.float32) * 0.05,
        'b2': jnp.zeros((OUT,), dtype=jnp.float32),
    }
    return {'x': x, 'edge_index': edge_index, 'batch': batch, 'params': params, 'mlp_params': mlp_params}

def reference(x, edge_index, batch, params, mlp_params):
    src = edge_index[0]
    dst = edge_index[1]
    h = x
    for p in params:
        agg = jax.ops.segment_sum(h[src], dst, num_segments=N)
        z = (1.0 + p['eps']) * h + agg
        z = z @ p['W1'].T + p['b1']
        z = _bn(z, p['g1'], p['be1'])
        z = jax.nn.relu(z)
        z = z @ p['W2'].T + p['b2']
        z = _bn(z, p['g2'], p['be2'])
        h = jax.nn.relu(z)
    graph = jax.ops.segment_sum(h, batch, num_segments=G)
    z = graph @ mlp_params['W1'].T + mlp_params['b1']
    z = _bn(z, mlp_params['g'], mlp_params['be'])
    z = jax.nn.relu(z)
    out = z @ mlp_params['W2'].T + mlp_params['b2']
    return out

if __name__ == "__main__":
    import jax
    _d = setup_inputs()
    print(jax.jit(kernel)(*tuple(_d.values())))

</pallas_src>

<mosaic_0001>
#map = affine_map<(d0, d1) -> (0, 0)>
#map1 = affine_map<(d0, d1) -> (0, 0, 0, 0)>
module attributes {stable_mosaic.version = 14 : i64} {
  func.func @seg_sum(%arg0: i32, %arg1: i32, %arg2: memref<10000x128xf32, #tpu.memory_space<hbm>>, %arg3: memref<2x16x84x128xi32, #tpu.memory_space<hbm>>, %arg4: memref<2x16x84x128xi32, #tpu.memory_space<hbm>>, %arg5: memref<320x128xf32, #tpu.memory_space<hbm>>, %arg6: memref<10240x128xf32, #tpu.memory_space<hbm>>, %arg7: memref<84x128xi32, #tpu.memory_space<vmem>>, %arg8: memref<84x128xi32, #tpu.memory_space<vmem>>, %arg9: memref<128x128xf32, #tpu.memory_space<vmem>>, %arg10: memref<128x128xf32, #tpu.memory_space<vmem>>, %arg11: memref<5376x128xf32, #tpu.memory_space<vmem_shared>>, %arg12: memref<!tpu.dma_semaphore, #tpu.memory_space<semaphore_mem>>, %arg13: memref<!tpu.dma_semaphore, #tpu.memory_space<semaphore_mem>>) attributes {dimension_semantics = [#tpu.dimension_semantics<core_parallel>, #tpu.dimension_semantics<subcore_parallel>], iteration_bounds = array<i64: 2, 16>, scalar_prefetch = 0 : i64, scratch_operands = 7 : i64, tpu.core_type = #tpu.core_type<sc_vector_subcore>, window_params = [{transform_indices = #map}, {transform_indices = #map1}, {transform_indices = #map1}, {transform_indices = #map}, {transform_indices = #map}]} {
    %mul3A = arith.constant 320 : i32
    %mul3A_0 = arith.muli %arg1, %mul3A : i32
    "tpu.region"() ({
      %run_scoped3A = tpu.sem_alloc : memref<!tpu.dma_semaphore, #tpu.memory_space<semaphore_mem>>
      %dma_start3A = arith.constant 0 : i32
      %dma_start3A_13 = tpu.memref_slice %arg11[%mul3A_0, %dma_start3A] : memref<5376x128xf32, #tpu.memory_space<vmem_shared>> -> memref<320x128xf32, #tpu.memory_space<vmem_shared>>
      tpu.enqueue_dma source(%arg5 : memref<320x128xf32, #tpu.memory_space<hbm>>) target(%dma_start3A_13 : memref<320x128xf32, #tpu.memory_space<vmem_shared>>) target_semaphore(%run_scoped3A : memref<!tpu.dma_semaphore, #tpu.memory_space<semaphore_mem>>)
      %dma_wait3A = arith.constant 0 : i32
      %dma_wait3A_14 = tpu.memref_slice %arg11[%mul3A_0, %dma_wait3A] : memref<5376x128xf32, #tpu.memory_space<vmem_shared>> -> memref<320x128xf32, #tpu.memory_space<vmem_shared>>
      tpu.wait_dma2 semaphore(%run_scoped3A : memref<!tpu.dma_semaphore, #tpu.memory_space<semaphore_mem>>) src(%arg5 : memref<320x128xf32, #tpu.memory_space<hbm>>) dst(%dma_wait3A_14 : memref<320x128xf32, #tpu.memory_space<vmem_shared>>)
      tpu.yield
    }) : () -> ()
    "tpu.region"() ({
      %run_scoped3A = tpu.sem_alloc : memref<!tpu.dma_semaphore, #tpu.memory_space<semaphore_mem>>
      %dma_start3A = arith.constant 0 : i32
      %dma_start3A_13 = arith.constant 0 : i32
      %dma_start3A_14 = tpu.memref_slice %arg3[%arg0, %arg1, %dma_start3A, %dma_start3A_13] : memref<2x16x84x128xi32, #tpu.memory_space<hbm>> -> memref<1x1x84x128xi32, #tpu.memory_space<hbm>>
      %dma_start3A_15 = tpu.memref_squeeze %dma_start3A_14 : memref<1x1x84x128xi32, #tpu.memory_space<hbm>> -> memref<84x128xi32, #tpu.memory_space<hbm>>
      %dma_start3A_16 = arith.constant 0 : i32
      %dma_start3A_17 = arith.constant 0 : i32
      %dma_start3A_18 = tpu.memref_slice %arg3[%arg0, %arg1, %dma_start3A_16, %dma_start3A_17] : memref<2x16x84x128xi32, #tpu.memory_space<hbm>> -> memref<1x1x84x128xi32, #tpu.memory_space<hbm>>
      %dma_start3A_19 = tpu.memref_squeeze %dma_start3A_18 : memref<1x1x84x128xi32, #tpu.memory_space<hbm>> -> memref<84x128xi32, #tpu.memory_space<hbm>>
      tpu.enqueue_dma source(%dma_start3A_19 : memref<84x128xi32, #tpu.memory_space<hbm>>) target(%arg7 : memref<84x128xi32, #tpu.memory_space<vmem>>) target_semaphore(%run_scoped3A : memref<!tpu.dma_semaphore, #tpu.memory_space<semaphore_mem>>)
      %dma_wait3A = arith.constant 0 : i32
      %dma_wait3A_20 = arith.constant 0 : i32
      %dma_wait3A_21 = tpu.memref_slice %arg3[%arg0, %arg1, %dma_wait3A, %dma_wait3A_20] : memref<2x16x84x128xi32, #tpu.memory_space<hbm>> -> memref<1x1x84x128xi32, #tpu.memory_space<hbm>>
      %dma_wait3A_22 = tpu.memref_squeeze %dma_wait3A_21 : memref<1x1x84x128xi32, #tpu.memory_space<hbm>> -> memref<84x128xi32, #tpu.memory_space<hbm>>
      %dma_wait3A_23 = arith.constant 0 : i32
      %dma_wait3A_24 = arith.constant 0 : i32
      %dma_wait3A_25 = tpu.memref_slice %arg3[%arg0, %arg1, %dma_wait3A_23, %dma_wait3A_24] : memref<2x16x84x128xi32, #tpu.memory_space<hbm>> -> memref<1x1x84x128xi32, #tpu.memory_space<hbm>>
      %dma_wait3A_26 = tpu.memref_squeeze %dma_wait3A_25 : memref<1x1x84x128xi32, #tpu.memory_space<hbm>> -> memref<84x128xi32, #tpu.memory_space<hbm>>
      tpu.wait_dma2 semaphore(%run_scoped3A : memref<!tpu.dma_semaphore, #tpu.memory_space<semaphore_mem>>) src(%dma_wait3A_26 : memref<84x128xi32, #tpu.memory_space<hbm>>) dst(%arg7 : memref<84x128xi32, #tpu.memory_space<vmem>>)
      tpu.yield
    }) : () -> ()
    "tpu.region"() ({
      %run_scoped3A = tpu.sem_alloc : memref<!tpu.dma_semaphore, #tpu.memory_space<semaphore_mem>>
      %dma_start3A = arith.constant 0 : i32
      %dma_start3A_13 = arith.constant 0 : i32
      %dma_start3A_14 = tpu.memref_slice %arg4[%arg0, %arg1, %dma_start3A, %dma_start3A_13] : memref<2x16x84x128xi32, #tpu.memory_space<hbm>> -> memref<1x1x84x128xi32, #tpu.memory_space<hbm>>
      %dma_start3A_15 = tpu.memref_squeeze %dma_start3A_14 : memref<1x1x84x128xi32, #tpu.memory_space<hbm>> -> memref<84x128xi32, #tpu.memory_space<hbm>>
      %dma_start3A_16 = arith.constant 0 : i32
      %dma_start3A_17 = arith.constant 0 : i32
      %dma_start3A_18 = tpu.memref_slice %arg4[%arg0, %arg1, %dma_start3A_16, %dma_start3A_17] : memref<2x16x84x128xi32, #tpu.memory_space<hbm>> -> memref<1x1x84x128xi32, #tpu.memory_space<hbm>>
      %dma_start3A_19 = tpu.memref_squeeze %dma_start3A_18 : memref<1x1x84x128xi32, #tpu.memory_space<hbm>> -> memref<84x128xi32, #tpu.memory_space<hbm>>
      tpu.enqueue_dma source(%dma_start3A_19 : memref<84x128xi32, #tpu.memory_space<hbm>>) target(%arg8 : memref<84x128xi32, #tpu.memory_space<vmem>>) target_semaphore(%run_scoped3A : memref<!tpu.dma_semaphore, #tpu.memory_space<semaphore_mem>>)
      %dma_wait3A = arith.constant 0 : i32
      %dma_wait3A_20 = arith.constant 0 : i32
      %dma_wait3A_21 = tpu.memref_slice %arg4[%arg0, %arg1, %dma_wait3A, %dma_wait3A_20] : memref<2x16x84x128xi32, #tpu.memory_space<hbm>> -> memref<1x1x84x128xi32, #tpu.memory_space<hbm>>
      %dma_wait3A_22 = tpu.memref_squeeze %dma_wait3A_21 : memref<1x1x84x128xi32, #tpu.memory_space<hbm>> -> memref<84x128xi32, #tpu.memory_space<hbm>>
      %dma_wait3A_23 = arith.constant 0 : i32
      %dma_wait3A_24 = arith.constant 0 : i32
      %dma_wait3A_25 = tpu.memref_slice %arg4[%arg0, %arg1, %dma_wait3A_23, %dma_wait3A_24] : memref<2x16x84x128xi32, #tpu.memory_space<hbm>> -> memref<1x1x84x128xi32, #tpu.memory_space<hbm>>
      %dma_wait3A_26 = tpu.memref_squeeze %dma_wait3A_25 : memref<1x1x84x128xi32, #tpu.memory_space<hbm>> -> memref<84x128xi32, #tpu.memory_space<hbm>>
      tpu.wait_dma2 semaphore(%run_scoped3A : memref<!tpu.dma_semaphore, #tpu.memory_space<semaphore_mem>>) src(%dma_wait3A_26 : memref<84x128xi32, #tpu.memory_space<hbm>>) dst(%arg8 : memref<84x128xi32, #tpu.memory_space<vmem>>)
      tpu.yield
    }) : () -> ()
    %barrier3A = arith.constant 0 : index
    tpu.barrier barrier_id(%barrier3A)
    %scan3A = arith.constant 0 : i32
    %scan3A_1 = arith.constant 0 : i32
    %scan3A_2 = arith.constant 42 : i32
    %scan3A_3 = arith.addi %scan3A_1, %scan3A_2 : i32
    %scan3A_4 = arith.constant 1 : i32
    scf.for %scan3A_13 = %scan3A_1 to %scan3A_3 step %scan3A_4  : i32 {
      %mul3A_14 = arith.constant 2 : i32
      %mul3A_15 = arith.muli %mul3A_14, %scan3A_13 : i32
      %mul3A_16 = arith.constant 2 : i32
      %mul3A_17 = arith.muli %mul3A_16, %scan3A_13 : i32
      %add3A_18 = arith.constant 1 : i32
      %add3A_19 = arith.addi %mul3A_17, %add3A_18 : i32
      %dma_start3A = arith.constant 0 : i32
      %dma_start3A_20 = tpu.memref_slice %arg7[%mul3A_15, %dma_start3A] : memref<84x128xi32, #tpu.memory_space<vmem>> -> memref<1x128xi32, #tpu.memory_space<vmem>>
      %dma_start3A_21 = tpu.memref_squeeze %dma_start3A_20 : memref<1x128xi32, #tpu.memory_space<vmem>> -> memref<128xi32, #tpu.memory_space<vmem>>
      %dma_start3A_22 = arith.constant 0 : i32
      %dma_start3A_23 = arith.constant 0 : i32
      %dma_start3A_24 = tpu.memref_slice %arg2[%dma_start3A_22, %dma_start3A_23] : memref<10000x128xf32, #tpu.memory_space<hbm>> -> memref<10000x128xf32, #tpu.memory_space<hbm>>
      tpu.enqueue_indirect_dma source(%dma_start3A_24 : memref<10000x128xf32, #tpu.memory_space<hbm>>) target(%arg9 : memref<128x128xf32, #tpu.memory_space<vmem>>) offsets(%dma_start3A_21 : memref<128xi32, #tpu.memory_space<vmem>>) semaphore(%arg12 : memref<!tpu.dma_semaphore, #tpu.memory_space<semaphore_mem>>)
      %dma_start3A_25 = arith.constant 0 : i32
      %dma_start3A_26 = tpu.memref_slice %arg7[%add3A_19, %dma_start3A_25] : memref<84x128xi32, #tpu.memory_space<vmem>> -> memref<1x128xi32, #tpu.memory_space<vmem>>
      %dma_start3A_27 = tpu.memref_squeeze %dma_start3A_26 : memref<1x128xi32, #tpu.memory_space<vmem>> -> memref<128xi32, #tpu.memory_space<vmem>>
      %dma_start3A_28 = arith.constant 0 : i32
      %dma_start3A_29 = arith.constant 0 : i32
      %dma_start3A_30 = tpu.memref_slice %arg2[%dma_start3A_28, %dma_start3A_29] : memref<10000x128xf32, #tpu.memory_space<hbm>> -> memref<10000x128xf32, #tpu.memory_space<hbm>>
      tpu.enqueue_indirect_dma source(%dma_start3A_30 : memref<10000x128xf32, #tpu.memory_space<hbm>>) target(%arg10 : memref<128x128xf32, #tpu.memory_space<vmem>>) offsets(%dma_start3A_27 : memref<128xi32, #tpu.memory_space<vmem>>) semaphore(%arg13 : memref<!tpu.dma_semaphore, #tpu.memory_space<semaphore_mem>>)
      %dma_wait3A = arith.constant 0 : i32
      %dma_wait3A_31 = tpu.memref_slice %arg7[%mul3A_15, %dma_wait3A] : memref<84x128xi32, #tpu.memory_space<vmem>> -> memref<1x128xi32, #tpu.memory_space<vmem>>
      %dma_wait3A_32 = tpu.memref_squeeze %dma_wait3A_31 : memref<1x128xi32, #tpu.memory_space<vmem>> -> memref<128xi32, #tpu.memory_space<vmem>>
      %dma_wait3A_33 = arith.constant 0 : i32
      %dma_wait3A_34 = arith.constant 0 : i32
      %dma_wait3A_35 = tpu.memref_slice %arg2[%dma_wait3A_33, %dma_wait3A_34] : memref<10000x128xf32, #tpu.memory_space<hbm>> -> memref<10000x128xf32, #tpu.memory_space<hbm>>
      tpu.wait_indirect_dma semaphore(%arg12 : memref<!tpu.dma_semaphore, #tpu.memory_space<semaphore_mem>>) src(%dma_wait3A_35 : memref<10000x128xf32, #tpu.memory_space<hbm>>) dst(%arg9 : memref<128x128xf32, #tpu.memory_space<vmem>>)
      "tpu.region"() ({
        %run_scoped3A = tpu.sem_alloc : memref<!tpu.dma_semaphore, #tpu.memory_space<semaphore_mem>>
        %dma_start3A_42 = arith.constant 0 : i32
        %dma_start3A_43 = tpu.memref_slice %arg8[%mul3A_15, %dma_start3A_42] : memref<84x128xi32, #tpu.memory_space<vmem>> -> memref<1x128xi32, #tpu.memory_space<vmem>>
        %dma_start3A_44 = tpu.memref_squeeze %dma_start3A_43 : memref<1x128xi32, #tpu.memory_space<vmem>> -> memref<128xi32, #tpu.memory_space<vmem>>
        %dma_start3A_45 = arith.constant 0 : i32
        %dma_start3A_46 = arith.constant 0 : i32
        %dma_start3A_47 = tpu.memref_slice %arg11[%dma_start3A_45, %dma_start3A_46] : memref<5376x128xf32, #tpu.memory_space<vmem_shared>> -> memref<5376x128xf32, #tpu.memory_space<vmem_shared>>
        tpu.enqueue_indirect_dma source(%arg9 : memref<128x128xf32, #tpu.memory_space<vmem>>) target(%dma_start3A_47 : memref<5376x128xf32, #tpu.memory_space<vmem_shared>>) offsets(%dma_start3A_44 : memref<128xi32, #tpu.memory_space<vmem>>) semaphore(%run_scoped3A : memref<!tpu.dma_semaphore, #tpu.memory_space<semaphore_mem>>) {add = true}
        %dma_wait3A_48 = arith.constant 0 : i32
        %dma_wait3A_49 = tpu.memref_slice %arg8[%mul3A_15, %dma_wait3A_48] : memref<84x128xi32, #tpu.memory_space<vmem>> -> memref<1x128xi32, #tpu.memory_space<vmem>>
        %dma_wait3A_50 = tpu.memref_squeeze %dma_wait3A_49 : memref<1x128xi32, #tpu.memory_space<vmem>> -> memref<128xi32, #tpu.memory_space<vmem>>
        %dma_wait3A_51 = arith.constant 0 : i32
        %dma_wait3A_52 = arith.constant 0 : i32
        %dma_wait3A_53 = tpu.memref_slice %arg11[%dma_wait3A_51, %dma_wait3A_52] : memref<5376x128xf32, #tpu.memory_space<vmem_shared>> -> memref<5376x128xf32, #tpu.memory_space<vmem_shared>>
        tpu.wait_indirect_dma semaphore(%run_scoped3A : memref<!tpu.dma_semaphore, #tpu.memory_space<semaphore_mem>>) src(%arg9 : memref<128x128xf32, #tpu.memory_space<vmem>>) dst(%dma_wait3A_53 : memref<5376x128xf32, #tpu.memory_space<vmem_shared>>)
        tpu.yield
      }) : () -> ()
      %dma_wait3A_36 = arith.constant 0 : i32
      %dma_wait3A_37 = tpu.memref_slice %arg7[%add3A_19, %dma_wait3A_36] : memref<84x128xi32, #tpu.memory_space<vmem>> -> memref<1x128xi32, #tpu.memory_space<vmem>>
      %dma_wait3A_38 = tpu.memref_squeeze %dma_wait3A_37 : memref<1x128xi32, #tpu.memory_space<vmem>> -> memref<128xi32, #tpu.memory_space<vmem>>
      %dma_wait3A_39 = arith.constant 0 : i32
      %dma_wait3A_40 = arith.constant 0 : i32
      %dma_wait3A_41 = tpu.memref_slice %arg2[%dma_wait3A_39, %dma_wait3A_40] : memref<10000x128xf32, #tpu.memory_space<hbm>> -> memref<10000x128xf32, #tpu.memory_space<hbm>>
      tpu.wait_indirect_dma semaphore(%arg13 : memref<!tpu.dma_semaphore, #tpu.memory_space<semaphore_mem>>) src(%dma_wait3A_41 : memref<10000x128xf32, #tpu.memory_space<hbm>>) dst(%arg10 : memref<128x128xf32, #tpu.memory_space<vmem>>)
      "tpu.region"() ({
        %run_scoped3A = tpu.sem_alloc : memref<!tpu.dma_semaphore, #tpu.memory_space<semaphore_mem>>
        %dma_start3A_42 = arith.constant 0 : i32
        %dma_start3A_43 = tpu.memref_slice %arg8[%add3A_19, %dma_start3A_42] : memref<84x128xi32, #tpu.memory_space<vmem>> -> memref<1x128xi32, #tpu.memory_space<vmem>>
        %dma_start3A_44 = tpu.memref_squeeze %dma_start3A_43 : memref<1x128xi32, #tpu.memory_space<vmem>> -> memref<128xi32, #tpu.memory_space<vmem>>
        %dma_start3A_45 = arith.constant 0 : i32
        %dma_start3A_46 = arith.constant 0 : i32
        %dma_start3A_47 = tpu.memref_slice %arg11[%dma_start3A_45, %dma_start3A_46] : memref<5376x128xf32, #tpu.memory_space<vmem_shared>> -> memref<5376x128xf32, #tpu.memory_space<vmem_shared>>
        tpu.enqueue_indirect_dma source(%arg10 : memref<128x128xf32, #tpu.memory_space<vmem>>) target(%dma_start3A_47 : memref<5376x128xf32, #tpu.memory_space<vmem_shared>>) offsets(%dma_start3A_44 : memref<128xi32, #tpu.memory_space<vmem>>) semaphore(%run_scoped3A : memref<!tpu.dma_semaphore, #tpu.memory_space<semaphore_mem>>) {add = true}
        %dma_wait3A_48 = arith.constant 0 : i32
        %dma_wait3A_49 = tpu.memref_slice %arg8[%add3A_19, %dma_wait3A_48] : memref<84x128xi32, #tpu.memory_space<vmem>> -> memref<1x128xi32, #tpu.memory_space<vmem>>
        %dma_wait3A_50 = tpu.memref_squeeze %dma_wait3A_49 : memref<1x128xi32, #tpu.memory_space<vmem>> -> memref<128xi32, #tpu.memory_space<vmem>>
        %dma_wait3A_51 = arith.constant 0 : i32
        %dma_wait3A_52 = arith.constant 0 : i32
        %dma_wait3A_53 = tpu.memref_slice %arg11[%dma_wait3A_51, %dma_wait3A_52] : memref<5376x128xf32, #tpu.memory_space<vmem_shared>> -> memref<5376x128xf32, #tpu.memory_space<vmem_shared>>
        tpu.wait_indirect_dma semaphore(%run_scoped3A : memref<!tpu.dma_semaphore, #tpu.memory_space<semaphore_mem>>) src(%arg10 : memref<128x128xf32, #tpu.memory_space<vmem>>) dst(%dma_wait3A_53 : memref<5376x128xf32, #tpu.memory_space<vmem_shared>>)
        tpu.yield
      }) : () -> ()
    }
    %scan3A_5 = arith.constant 42 : i32
    %barrier3A_6 = arith.constant 0 : index
    tpu.barrier barrier_id(%barrier3A_6)
    %mul3A_7 = arith.constant 320 : i32
    %mul3A_8 = arith.muli %arg1, %mul3A_7 : i32
    %mul3A_9 = arith.constant 16 : i32
    %mul3A_10 = arith.muli %arg0, %mul3A_9 : i32
    %add3A = arith.addi %mul3A_10, %arg1 : i32
    %mul3A_11 = arith.constant 320 : i32
    %mul3A_12 = arith.muli %add3A, %mul3A_11 : i32
    "tpu.region"() ({
      %run_scoped3A = tpu.sem_alloc : memref<!tpu.dma_semaphore, #tpu.memory_space<semaphore_mem>>
      %dma_start3A = arith.constant 0 : i32
      %dma_start3A_13 = tpu.memref_slice %arg6[%mul3A_12, %dma_start3A] : memref<10240x128xf32, #tpu.memory_space<hbm>> -> memref<320x128xf32, #tpu.memory_space<hbm>>
      %dma_start3A_14 = arith.constant 0 : i32
      %dma_start3A_15 = tpu.memref_slice %arg11[%mul3A_8, %dma_start3A_14] : memref<5376x128xf32, #tpu.memory_space<vmem_shared>> -> memref<320x128xf32, #tpu.memory_space<vmem_shared>>
      tpu.enqueue_dma source(%dma_start3A_15 : memref<320x128xf32, #tpu.memory_space<vmem_shared>>) target(%dma_start3A_13 : memref<320x128xf32, #tpu.memory_space<hbm>>) target_semaphore(%run_scoped3A : memref<!tpu.dma_semaphore, #tpu.memory_space<semaphore_mem>>)
      %dma_wait3A = arith.constant 0 : i32
      %dma_wait3A_16 = tpu.memref_slice %arg6[%mul3A_12, %dma_wait3A] : memref<10240x128xf32, #tpu.memory_space<hbm>> -> memref<320x128xf32, #tpu.memory_space<hbm>>
      %dma_wait3A_17 = arith.constant 0 : i32
      %dma_wait3A_18 = tpu.memref_slice %arg11[%mul3A_8, %dma_wait3A_17] : memref<5376x128xf32, #tpu.memory_space<vmem_shared>> -> memref<320x128xf32, #tpu.memory_space<vmem_shared>>
      tpu.wait_dma2 semaphore(%run_scoped3A : memref<!tpu.dma_semaphore, #tpu.memory_space<semaphore_mem>>) src(%dma_wait3A_18 : memref<320x128xf32, #tpu.memory_space<vmem_shared>>) dst(%dma_wait3A_16 : memref<320x128xf32, #tpu.memory_space<hbm>>)
      tpu.yield
    }) : () -> ()
    return
  }
}

#map = affine_map<(d0, d1) -> (0, 0)>
#map1 = affine_map<(d0, d1) -> (0, 0, 0, 0)>
module attributes {stable_mosaic.version = 14 : i64} {
  func.func @seg_sum(%arg0: i32, %arg1: i32, %arg2: memref<10000x128xf32, #tpu.memory_space<hbm>>, %arg3: memref<2x16x84x128xi32, #tpu.memory_space<hbm>>, %arg4: memref<2x16x84x128xi32, #tpu.memory_space<hbm>>, %arg5: memref<320x128xf32, #tpu.memory_space<hbm>>, %arg6: memref<10240x128xf32, #tpu.memory_space<hbm>>, %arg7: memref<84x128xi32, #tpu.memory_space<vmem>>, %arg8: memref<84x128xi32, #tpu.memory_space<vmem>>, %arg9: memref<128x128xf32, #tpu.memory_space<vmem>>, %arg10: memref<128x128xf32, #tpu.memory_space<vmem>>, %arg11: memref<5376x128xf32, #tpu.memory_space<vmem_shared>>, %arg12: memref<!tpu.dma_semaphore, #tpu.memory_space<semaphore_mem>>, %arg13: memref<!tpu.dma_semaphore, #tpu.memory_space<semaphore_mem>>) attributes {dimension_semantics = [#tpu.dimension_semantics<core_parallel>, #tpu.dimension_semantics<subcore_parallel>], iteration_bounds = array<i64: 2, 16>, scalar_prefetch = 0 : i64, scratch_operands = 7 : i64, tpu.core_type = #tpu.core_type<sc_vector_subcore>, window_params = [{transform_indices = #map}, {transform_indices = #map1}, {transform_indices = #map1}, {transform_indices = #map}, {transform_indices = #map}]} {
    %mul3A = arith.constant 320 : i32
    %mul3A_0 = arith.muli %arg1, %mul3A : i32
    "tpu.region"() ({
      %run_scoped3A = tpu.sem_alloc : memref<!tpu.dma_semaphore, #tpu.memory_space<semaphore_mem>>
      %dma_start3A = arith.constant 0 : i32
      %dma_start3A_13 = tpu.memref_slice %arg11[%mul3A_0, %dma_start3A] : memref<5376x128xf32, #tpu.memory_space<vmem_shared>> -> memref<320x128xf32, #tpu.memory_space<vmem_shared>>
      tpu.enqueue_dma source(%arg5 : memref<320x128xf32, #tpu.memory_space<hbm>>) target(%dma_start3A_13 : memref<320x128xf32, #tpu.memory_space<vmem_shared>>) target_semaphore(%run_scoped3A : memref<!tpu.dma_semaphore, #tpu.memory_space<semaphore_mem>>)
      %dma_wait3A = arith.constant 0 : i32
      %dma_wait3A_14 = tpu.memref_slice %arg11[%mul3A_0, %dma_wait3A] : memref<5376x128xf32, #tpu.memory_space<vmem_shared>> -> memref<320x128xf32, #tpu.memory_space<vmem_shared>>
      tpu.wait_dma2 semaphore(%run_scoped3A : memref<!tpu.dma_semaphore, #tpu.memory_space<semaphore_mem>>) src(%arg5 : memref<320x128xf32, #tpu.memory_space<hbm>>) dst(%dma_wait3A_14 : memref<320x128xf32, #tpu.memory_space<vmem_shared>>)
      tpu.yield
    }) : () -> ()
    "tpu.region"() ({
      %run_scoped3A = tpu.sem_alloc : memref<!tpu.dma_semaphore, #tpu.memory_space<semaphore_mem>>
      %dma_start3A = arith.constant 0 : i32
      %dma_start3A_13 = arith.constant 0 : i32
      %dma_start3A_14 = tpu.memref_slice %arg3[%arg0, %arg1, %dma_start3A, %dma_start3A_13] : memref<2x16x84x128xi32, #tpu.memory_space<hbm>> -> memref<1x1x84x128xi32, #tpu.memory_space<hbm>>
      %dma_start3A_15 = tpu.memref_squeeze %dma_start3A_14 : memref<1x1x84x128xi32, #tpu.memory_space<hbm>> -> memref<84x128xi32, #tpu.memory_space<hbm>>
      %dma_start3A_16 = arith.constant 0 : i32
      %dma_start3A_17 = arith.constant 0 : i32
      %dma_start3A_18 = tpu.memref_slice %arg3[%arg0, %arg1, %dma_start3A_16, %dma_start3A_17] : memref<2x16x84x128xi32, #tpu.memory_space<hbm>> -> memref<1x1x84x128xi32, #tpu.memory_space<hbm>>
      %dma_start3A_19 = tpu.memref_squeeze %dma_start3A_18 : memref<1x1x84x128xi32, #tpu.memory_space<hbm>> -> memref<84x128xi32, #tpu.memory_space<hbm>>
      tpu.enqueue_dma source(%dma_start3A_19 : memref<84x128xi32, #tpu.memory_space<hbm>>) target(%arg7 : memref<84x128xi32, #tpu.memory_space<vmem>>) target_semaphore(%run_scoped3A : memref<!tpu.dma_semaphore, #tpu.memory_space<semaphore_mem>>)
      %dma_wait3A = arith.constant 0 : i32
      %dma_wait3A_20 = arith.constant 0 : i32
      %dma_wait3A_21 = tpu.memref_slice %arg3[%arg0, %arg1, %dma_wait3A, %dma_wait3A_20] : memref<2x16x84x128xi32, #tpu.memory_space<hbm>> -> memref<1x1x84x128xi32, #tpu.memory_space<hbm>>
      %dma_wait3A_22 = tpu.memref_squeeze %dma_wait3A_21 : memref<1x1x84x128xi32, #tpu.memory_space<hbm>> -> memref<84x128xi32, #tpu.memory_space<hbm>>
      %dma_wait3A_23 = arith.constant 0 : i32
      %dma_wait3A_24 = arith.constant 0 : i32
      %dma_wait3A_25 = tpu.memref_slice %arg3[%arg0, %arg1, %dma_wait3A_23, %dma_wait3A_24] : memref<2x16x84x128xi32, #tpu.memory_space<hbm>> -> memref<1x1x84x128xi32, #tpu.memory_space<hbm>>
      %dma_wait3A_26 = tpu.memref_squeeze %dma_wait3A_25 : memref<1x1x84x128xi32, #tpu.memory_space<hbm>> -> memref<84x128xi32, #tpu.memory_space<hbm>>
      tpu.wait_dma2 semaphore(%run_scoped3A : memref<!tpu.dma_semaphore, #tpu.memory_space<semaphore_mem>>) src(%dma_wait3A_26 : memref<84x128xi32, #tpu.memory_space<hbm>>) dst(%arg7 : memref<84x128xi32, #tpu.memory_space<vmem>>)
      tpu.yield
    }) : () -> ()
    "tpu.region"() ({
      %run_scoped3A = tpu.sem_alloc : memref<!tpu.dma_semaphore, #tpu.memory_space<semaphore_mem>>
      %dma_start3A = arith.constant 0 : i32
      %dma_start3A_13 = arith.constant 0 : i32
      %dma_start3A_14 = tpu.memref_slice %arg4[%arg0, %arg1, %dma_start3A, %dma_start3A_13] : memref<2x16x84x128xi32, #tpu.memory_space<hbm>> -> memref<1x1x84x128xi32, #tpu.memory_space<hbm>>
      %dma_start3A_15 = tpu.memref_squeeze %dma_start3A_14 : memref<1x1x84x128xi32, #tpu.memory_space<hbm>> -> memref<84x128xi32, #tpu.memory_space<hbm>>
      %dma_start3A_16 = arith.constant 0 : i32
      %dma_start3A_17 = arith.constant 0 : i32
      %dma_start3A_18 = tpu.memref_slice %arg4[%arg0, %arg1, %dma_start3A_16, %dma_start3A_17] : memref<2x16x84x128xi32, #tpu.memory_space<hbm>> -> memref<1x1x84x128xi32, #tpu.memory_space<hbm>>
      %dma_start3A_19 = tpu.memref_squeeze %dma_start3A_18 : memref<1x1x84x128xi32, #tpu.memory_space<hbm>> -> memref<84x128xi32, #tpu.memory_space<hbm>>
      tpu.enqueue_dma source(%dma_start3A_19 : memref<84x128xi32, #tpu.memory_space<hbm>>) target(%arg8 : memref<84x128xi32, #tpu.memory_space<vmem>>) target_semaphore(%run_scoped3A : memref<!tpu.dma_semaphore, #tpu.memory_space<semaphore_mem>>)
      %dma_wait3A = arith.constant 0 : i32
      %dma_wait3A_20 = arith.constant 0 : i32
      %dma_wait3A_21 = tpu.memref_slice %arg4[%arg0, %arg1, %dma_wait3A, %dma_wait3A_20] : memref<2x16x84x128xi32, #tpu.memory_space<hbm>> -> memref<1x1x84x128xi32, #tpu.memory_space<hbm>>
      %dma_wait3A_22 = tpu.memref_squeeze %dma_wait3A_21 : memref<1x1x84x128xi32, #tpu.memory_space<hbm>> -> memref<84x128xi32, #tpu.memory_space<hbm>>
      %dma_wait3A_23 = arith.constant 0 : i32
      %dma_wait3A_24 = arith.constant 0 : i32
      %dma_wait3A_25 = tpu.memref_slice %arg4[%arg0, %arg1, %dma_wait3A_23, %dma_wait3A_24] : memref<2x16x84x128xi32, #tpu.memory_space<hbm>> -> memref<1x1x84x128xi32, #tpu.memory_space<hbm>>
      %dma_wait3A_26 = tpu.memref_squeeze %dma_wait3A_25 : memref<1x1x84x128xi32, #tpu.memory_space<hbm>> -> memref<84x128xi32, #tpu.memory_space<hbm>>
      tpu.wait_dma2 semaphore(%run_scoped3A : memref<!tpu.dma_semaphore, #tpu.memory_space<semaphore_mem>>) src(%dma_wait3A_26 : memref<84x128xi32, #tpu.memory_space<hbm>>) dst(%arg8 : memref<84x128xi32, #tpu.memory_space<vmem>>)
      tpu.yield
    }) : () -> ()
    %barrier3A = arith.constant 0 : index
    tpu.barrier barrier_id(%barrier3A)
    %scan3A = arith.constant 0 : i32
    %scan3A_1 = arith.constant 0 : i32
    %scan3A_2 = arith.constant 42 : i32
    %scan3A_3 = arith.addi %scan3A_1, %scan3A_2 : i32
    %scan3A_4 = arith.constant 1 : i32
    scf.for %scan3A_13 = %scan3A_1 to %scan3A_3 step %scan3A_4  : i32 {
      %mul3A_14 = arith.constant 2 : i32
      %mul3A_15 = arith.muli %mul3A_14, %scan3A_13 : i32
      %mul3A_16 = arith.constant 2 : i32
      %mul3A_17 = arith.muli %mul3A_16, %scan3A_13 : i32
      %add3A_18 = arith.constant 1 : i32
      %add3A_19 = arith.addi %mul3A_17, %add3A_18 : i32
      %dma_start3A = arith.constant 0 : i32
      %dma_start3A_20 = tpu.memref_slice %arg7[%mul3A_15, %dma_start3A] : memref<84x128xi32, #tpu.memory_space<vmem>> -> memref<1x128xi32, #tpu.memory_space<vmem>>
      %dma_start3A_21 = tpu.memref_squeeze %dma_start3A_20 : memref<1x128xi32, #tpu.memory_space<vmem>> -> memref<128xi32, #tpu.memory_space<vmem>>
      %dma_start3A_22 = arith.constant 0 : i32
      %dma_start3A_23 = arith.constant 0 : i32
      %dma_start3A_24 = tpu.memref_slice %arg2[%dma_start3A_22, %dma_start3A_23] : memref<10000x128xf32, #tpu.memory_space<hbm>> -> memref<10000x128xf32, #tpu.memory_space<hbm>>
      tpu.enqueue_indirect_dma source(%dma_start3A_24 : memref<10000x128xf32, #tpu.memory_space<hbm>>) target(%arg9 : memref<128x128xf32, #tpu.memory_space<vmem>>) offsets(%dma_start3A_21 : memref<128xi32, #tpu.memory_space<vmem>>) semaphore(%arg12 : memref<!tpu.dma_semaphore, #tpu.memory_space<semaphore_mem>>)
      %dma_start3A_25 = arith.constant 0 : i32
      %dma_start3A_26 = tpu.memref_slice %arg7[%add3A_19, %dma_start3A_25] : memref<84x128xi32, #tpu.memory_space<vmem>> -> memref<1x128xi32, #tpu.memory_space<vmem>>
      %dma_start3A_27 = tpu.memref_squeeze %dma_start3A_26 : memref<1x128xi32, #tpu.memory_space<vmem>> -> memref<128xi32, #tpu.memory_space<vmem>>
      %dma_start3A_28 = arith.constant 0 : i32
      %dma_start3A_29 = arith.constant 0 : i32
      %dma_start3A_30 = tpu.memref_slice %arg2[%dma_start3A_28, %dma_start3A_29] : memref<10000x128xf32, #tpu.memory_space<hbm>> -> memref<10000x128xf32, #tpu.memory_space<hbm>>
      tpu.enqueue_indirect_dma source(%dma_start3A_30 : memref<10000x128xf32, #tpu.memory_space<hbm>>) target(%arg10 : memref<128x128xf32, #tpu.memory_space<vmem>>) offsets(%dma_start3A_27 : memref<128xi32, #tpu.memory_space<vmem>>) semaphore(%arg13 : memref<!tpu.dma_semaphore, #tpu.memory_space<semaphore_mem>>)
      %dma_wait3A = arith.constant 0 : i32
      %dma_wait3A_31 = tpu.memref_slice %arg7[%mul3A_15, %dma_wait3A] : memref<84x128xi32, #tpu.memory_space<vmem>> -> memref<1x128xi32, #tpu.memory_space<vmem>>
      %dma_wait3A_32 = tpu.memref_squeeze %dma_wait3A_31 : memref<1x128xi32, #tpu.memory_space<vmem>> -> memref<128xi32, #tpu.memory_space<vmem>>
      %dma_wait3A_33 = arith.constant 0 : i32
      %dma_wait3A_34 = arith.constant 0 : i32
      %dma_wait3A_35 = tpu.memref_slice %arg2[%dma_wait3A_33, %dma_wait3A_34] : memref<10000x128xf32, #tpu.memory_space<hbm>> -> memref<10000x128xf32, #tpu.memory_space<hbm>>
      tpu.wait_indirect_dma semaphore(%arg12 : memref<!tpu.dma_semaphore, #tpu.memory_space<semaphore_mem>>) src(%dma_wait3A_35 : memref<10000x128xf32, #tpu.memory_space<hbm>>) dst(%arg9 : memref<128x128xf32, #tpu.memory_space<vmem>>)
      "tpu.region"() ({
        %run_scoped3A = tpu.sem_alloc : memref<!tpu.dma_semaphore, #tpu.memory_space<semaphore_mem>>
        %dma_start3A_42 = arith.constant 0 : i32
        %dma_start3A_43 = tpu.memref_slice %arg8[%mul3A_15, %dma_start3A_42] : memref<84x128xi32, #tpu.memory_space<vmem>> -> memref<1x128xi32, #tpu.memory_space<vmem>>
        %dma_start3A_44 = tpu.memref_squeeze %dma_start3A_43 : memref<1x128xi32, #tpu.memory_space<vmem>> -> memref<128xi32, #tpu.memory_space<vmem>>
        %dma_start3A_45 = arith.constant 0 : i32
        %dma_start3A_46 = arith.constant 0 : i32
        %dma_start3A_47 = tpu.memref_slice %arg11[%dma_start3A_45, %dma_start3A_46] : memref<5376x128xf32, #tpu.memory_space<vmem_shared>> -> memref<5376x128xf32, #tpu.memory_space<vmem_shared>>
        tpu.enqueue_indirect_dma source(%arg9 : memref<128x128xf32, #tpu.memory_space<vmem>>) target(%dma_start3A_47 : memref<5376x128xf32, #tpu.memory_space<vmem_shared>>) offsets(%dma_start3A_44 : memref<128xi32, #tpu.memory_space<vmem>>) semaphore(%run_scoped3A : memref<!tpu.dma_semaphore, #tpu.memory_space<semaphore_mem>>) {add = true}
        %dma_wait3A_48 = arith.constant 0 : i32
        %dma_wait3A_49 = tpu.memref_slice %arg8[%mul3A_15, %dma_wait3A_48] : memref<84x128xi32, #tpu.memory_space<vmem>> -> memref<1x128xi32, #tpu.memory_space<vmem>>
        %dma_wait3A_50 = tpu.memref_squeeze %dma_wait3A_49 : memref<1x128xi32, #tpu.memory_space<vmem>> -> memref<128xi32, #tpu.memory_space<vmem>>
        %dma_wait3A_51 = arith.constant 0 : i32
        %dma_wait3A_52 = arith.constant 0 : i32
        %dma_wait3A_53 = tpu.memref_slice %arg11[%dma_wait3A_51, %dma_wait3A_52] : memref<5376x128xf32, #tpu.memory_space<vmem_shared>> -> memref<5376x128xf32, #tpu.memory_space<vmem_shared>>
        tpu.wait_indirect_dma semaphore(%run_scoped3A : memref<!tpu.dma_semaphore, #tpu.memory_space<semaphore_mem>>) src(%arg9 : memref<128x128xf32, #tpu.memory_space<vmem>>) dst(%dma_wait3A_53 : memref<5376x128xf32, #tpu.memory_space<vmem_shared>>)
        tpu.yield
      }) : () -> ()
      %dma_wait3A_36 = arith.constant 0 : i32
      %dma_wait3A_37 = tpu.memref_slice %arg7[%add3A_19, %dma_wait3A_36] : memref<84x128xi32, #tpu.memory_space<vmem>> -> memref<1x128xi32, #tpu.memory_space<vmem>>
      %dma_wait3A_38 = tpu.memref_squeeze %dma_wait3A_37 : memref<1x128xi32, #tpu.memory_space<vmem>> -> memref<128xi32, #tpu.memory_space<vmem>>
      %dma_wait3A_39 = arith.constant 0 : i32
      %dma_wait3A_40 = arith.constant 0 : i32
      %dma_wait3A_41 = tpu.memref_slice %arg2[%dma_wait3A_39, %dma_wait3A_40] : memref<10000x128xf32, #tpu.memory_space<hbm>> -> memref<10000x128xf32, #tpu.memory_space<hbm>>
      tpu.wait_indirect_dma semaphore(%arg13 : memref<!tpu.dma_semaphore, #tpu.memory_space<semaphore_mem>>) src(%dma_wait3A_41 : memref<10000x128xf32, #tpu.memory_space<hbm>>) dst(%arg10 : memref<128x128xf32, #tpu.memory_space<vmem>>)
      "tpu.region"() ({
        %run_scoped3A = tpu.sem_alloc : memref<!tpu.dma_semaphore, #tpu.memory_space<semaphore_mem>>
        %dma_start3A_42 = arith.constant 0 : i32
        %dma_start3A_43 = tpu.memref_slice %arg8[%add3A_19, %dma_start3A_42] : memref<84x128xi32, #tpu.memory_space<vmem>> -> memref<1x128xi32, #tpu.memory_space<vmem>>
        %dma_start3A_44 = tpu.memref_squeeze %dma_start3A_43 : memref<1x128xi32, #tpu.memory_space<vmem>> -> memref<128xi32, #tpu.memory_space<vmem>>
        %dma_start3A_45 = arith.constant 0 : i32
        %dma_start3A_46 = arith.constant 0 : i32
        %dma_start3A_47 = tpu.memref_slice %arg11[%dma_start3A_45, %dma_start3A_46] : memref<5376x128xf32, #tpu.memory_space<vmem_shared>> -> memref<5376x128xf32, #tpu.memory_space<vmem_shared>>
        tpu.enqueue_indirect_dma source(%arg10 : memref<128x128xf32, #tpu.memory_space<vmem>>) target(%dma_start3A_47 : memref<5376x128xf32, #tpu.memory_space<vmem_shared>>) offsets(%dma_start3A_44 : memref<128xi32, #tpu.memory_space<vmem>>) semaphore(%run_scoped3A : memref<!tpu.dma_semaphore, #tpu.memory_space<semaphore_mem>>) {add = true}
        %dma_wait3A_48 = arith.constant 0 : i32
        %dma_wait3A_49 = tpu.memref_slice %arg8[%add3A_19, %dma_wait3A_48] : memref<84x128xi32, #tpu.memory_space<vmem>> -> memref<1x128xi32, #tpu.memory_space<vmem>>
        %dma_wait3A_50 = tpu.memref_squeeze %dma_wait3A_49 : memref<1x128xi32, #tpu.memory_space<vmem>> -> memref<128xi32, #tpu.memory_space<vmem>>
        %dma_wait3A_51 = arith.constant 0 : i32
        %dma_wait3A_52 = arith.constant 0 : i32
        %dma_wait3A_53 = tpu.memref_slice %arg11[%dma_wait3A_51, %dma_wait3A_52] : memref<5376x128xf32, #tpu.memory_space<vmem_shared>> -> memref<5376x128xf32, #tpu.memory_space<vmem_shared>>
        tpu.wait_indirect_dma semaphore(%run_scoped3A : memref<!tpu.dma_semaphore, #tpu.memory_space<semaphore_mem>>) src(%arg10 : memref<128x128xf32, #tpu.memory_space<vmem>>) dst(%dma_wait3A_53 : memref<5376x128xf32, #tpu.memory_space<vmem_shared>>)
        tpu.yield
      }) : () -> ()
    }
    %scan3A_5 = arith.constant 42 : i32
    %barrier3A_6 = arith.constant 0 : index
    tpu.barrier barrier_id(%barrier3A_6)
    %mul3A_7 = arith.constant 320 : i32
    %mul3A_8 = arith.muli %arg1, %mul3A_7 : i32
    %mul3A_9 = arith.constant 16 : i32
    %mul3A_10 = arith.muli %arg0, %mul3A_9 : i32
    %add3A = arith.addi %mul3A_10, %arg1 : i32
    %mul3A_11 = arith.constant 320 : i32
    %mul3A_12 = arith.muli %add3A, %mul3A_11 : i32
    "tpu.region"() ({
      %run_scoped3A = tpu.sem_alloc : memref<!tpu.dma_semaphore, #tpu.memory_space<semaphore_mem>>
      %dma_start3A = arith.constant 0 : i32
      %dma_start3A_13 = tpu.memref_slice %arg6[%mul3A_12, %dma_start3A] : memref<10240x128xf32, #tpu.memory_space<hbm>> -> memref<320x128xf32, #tpu.memory_space<hbm>>
      %dma_start3A_14 = arith.constant 0 : i32
      %dma_start3A_15 = tpu.memref_slice %arg11[%mul3A_8, %dma_start3A_14] : memref<5376x128xf32, #tpu.memory_space<vmem_shared>> -> memref<320x128xf32, #tpu.memory_space<vmem_shared>>
      tpu.enqueue_dma source(%dma_start3A_15 : memref<320x128xf32, #tpu.memory_space<vmem_shared>>) target(%dma_start3A_13 : memref<320x128xf32, #tpu.memory_space<hbm>>) target_semaphore(%run_scoped3A : memref<!tpu.dma_semaphore, #tpu.memory_space<semaphore_mem>>)
      %dma_wait3A = arith.constant 0 : i32
      %dma_wait3A_16 = tpu.memref_slice %arg6[%mul3A_12, %dma_wait3A] : memref<10240x128xf32, #tpu.memory_space<hbm>> -> memref<320x128xf32, #tpu.memory_space<hbm>>
      %dma_wait3A_17 = arith.constant 0 : i32
      %dma_wait3A_18 = tpu.memref_slice %arg11[%mul3A_8, %dma_wait3A_17] : memref<5376x128xf32, #tpu.memory_space<vmem_shared>> -> memref<320x128xf32, #tpu.memory_space<vmem_shared>>
      tpu.wait_dma2 semaphore(%run_scoped3A : memref<!tpu.dma_semaphore, #tpu.memory_space<semaphore_mem>>) src(%dma_wait3A_18 : memref<320x128xf32, #tpu.memory_space<vmem_shared>>) dst(%dma_wait3A_16 : memref<320x128xf32, #tpu.memory_space<hbm>>)
      tpu.yield
    }) : () -> ()
    return
  }
}

#map = affine_map<(d0, d1) -> (0, 0)>
#map1 = affine_map<(d0, d1) -> (0, 0, 0, 0)>
module attributes {stable_mosaic.version = 14 : i64} {
  func.func @seg_sum(%arg0: i32, %arg1: i32, %arg2: memref<10000x128xf32, #tpu.memory_space<hbm>>, %arg3: memref<2x16x84x128xi32, #tpu.memory_space<hbm>>, %arg4: memref<2x16x84x128xi32, #tpu.memory_space<hbm>>, %arg5: memref<320x128xf32, #tpu.memory_space<hbm>>, %arg6: memref<10240x128xf32, #tpu.memory_space<hbm>>, %arg7: memref<84x128xi32, #tpu.memory_space<vmem>>, %arg8: memref<84x128xi32, #tpu.memory_space<vmem>>, %arg9: memref<128x128xf32, #tpu.memory_space<vmem>>, %arg10: memref<128x128xf32, #tpu.memory_space<vmem>>, %arg11: memref<5376x128xf32, #tpu.memory_space<vmem_shared>>, %arg12: memref<!tpu.dma_semaphore, #tpu.memory_space<semaphore_mem>>, %arg13: memref<!tpu.dma_semaphore, #tpu.memory_space<semaphore_mem>>) attributes {dimension_semantics = [#tpu.dimension_semantics<core_parallel>, #tpu.dimension_semantics<subcore_parallel>], iteration_bounds = array<i64: 2, 16>, scalar_prefetch = 0 : i64, scratch_operands = 7 : i64, tpu.core_type = #tpu.core_type<sc_vector_subcore>, window_params = [{transform_indices = #map}, {transform_indices = #map1}, {transform_indices = #map1}, {transform_indices = #map}, {transform_indices = #map}]} {
    %mul3A = arith.constant 320 : i32
    %mul3A_0 = arith.muli %arg1, %mul3A : i32
    "tpu.region"() ({
      %run_scoped3A = tpu.sem_alloc : memref<!tpu.dma_semaphore, #tpu.memory_space<semaphore_mem>>
      %dma_start3A = arith.constant 0 : i32
      %dma_start3A_13 = tpu.memref_slice %arg11[%mul3A_0, %dma_start3A] : memref<5376x128xf32, #tpu.memory_space<vmem_shared>> -> memref<320x128xf32, #tpu.memory_space<vmem_shared>>
      tpu.enqueue_dma source(%arg5 : memref<320x128xf32, #tpu.memory_space<hbm>>) target(%dma_start3A_13 : memref<320x128xf32, #tpu.memory_space<vmem_shared>>) target_semaphore(%run_scoped3A : memref<!tpu.dma_semaphore, #tpu.memory_space<semaphore_mem>>)
      %dma_wait3A = arith.constant 0 : i32
      %dma_wait3A_14 = tpu.memref_slice %arg11[%mul3A_0, %dma_wait3A] : memref<5376x128xf32, #tpu.memory_space<vmem_shared>> -> memref<320x128xf32, #tpu.memory_space<vmem_shared>>
      tpu.wait_dma2 semaphore(%run_scoped3A : memref<!tpu.dma_semaphore, #tpu.memory_space<semaphore_mem>>) src(%arg5 : memref<320x128xf32, #tpu.memory_space<hbm>>) dst(%dma_wait3A_14 : memref<320x128xf32, #tpu.memory_space<vmem_shared>>)
      tpu.yield
    }) : () -> ()
    "tpu.region"() ({
      %run_scoped3A = tpu.sem_alloc : memref<!tpu.dma_semaphore, #tpu.memory_space<semaphore_mem>>
      %dma_start3A = arith.constant 0 : i32
      %dma_start3A_13 = arith.constant 0 : i32
      %dma_start3A_14 = tpu.memref_slice %arg3[%arg0, %arg1, %dma_start3A, %dma_start3A_13] : memref<2x16x84x128xi32, #tpu.memory_space<hbm>> -> memref<1x1x84x128xi32, #tpu.memory_space<hbm>>
      %dma_start3A_15 = tpu.memref_squeeze %dma_start3A_14 : memref<1x1x84x128xi32, #tpu.memory_space<hbm>> -> memref<84x128xi32, #tpu.memory_space<hbm>>
      %dma_start3A_16 = arith.constant 0 : i32
      %dma_start3A_17 = arith.constant 0 : i32
      %dma_start3A_18 = tpu.memref_slice %arg3[%arg0, %arg1, %dma_start3A_16, %dma_start3A_17] : memref<2x16x84x128xi32, #tpu.memory_space<hbm>> -> memref<1x1x84x128xi32, #tpu.memory_space<hbm>>
      %dma_start3A_19 = tpu.memref_squeeze %dma_start3A_18 : memref<1x1x84x128xi32, #tpu.memory_space<hbm>> -> memref<84x128xi32, #tpu.memory_space<hbm>>
      tpu.enqueue_dma source(%dma_start3A_19 : memref<84x128xi32, #tpu.memory_space<hbm>>) target(%arg7 : memref<84x128xi32, #tpu.memory_space<vmem>>) target_semaphore(%run_scoped3A : memref<!tpu.dma_semaphore, #tpu.memory_space<semaphore_mem>>)
      %dma_wait3A = arith.constant 0 : i32
      %dma_wait3A_20 = arith.constant 0 : i32
      %dma_wait3A_21 = tpu.memref_slice %arg3[%arg0, %arg1, %dma_wait3A, %dma_wait3A_20] : memref<2x16x84x128xi32, #tpu.memory_space<hbm>> -> memref<1x1x84x128xi32, #tpu.memory_space<hbm>>
      %dma_wait3A_22 = tpu.memref_squeeze %dma_wait3A_21 : memref<1x1x84x128xi32, #tpu.memory_space<hbm>> -> memref<84x128xi32, #tpu.memory_space<hbm>>
      %dma_wait3A_23 = arith.constant 0 : i32
      %dma_wait3A_24 = arith.constant 0 : i32
      %dma_wait3A_25 = tpu.memref_slice %arg3[%arg0, %arg1, %dma_wait3A_23, %dma_wait3A_24] : memref<2x16x84x128xi32, #tpu.memory_space<hbm>> -> memref<1x1x84x128xi32, #tpu.memory_space<hbm>>
      %dma_wait3A_26 = tpu.memref_squeeze %dma_wait3A_25 : memref<1x1x84x128xi32, #tpu.memory_space<hbm>> -> memref<84x128xi32, #tpu.memory_space<hbm>>
      tpu.wait_dma2 semaphore(%run_scoped3A : memref<!tpu.dma_semaphore, #tpu.memory_space<semaphore_mem>>) src(%dma_wait3A_26 : memref<84x128xi32, #tpu.memory_space<hbm>>) dst(%arg7 : memref<84x128xi32, #tpu.memory_space<vmem>>)
      tpu.yield
    }) : () -> ()
    "tpu.region"() ({
      %run_scoped3A = tpu.sem_alloc : memref<!tpu.dma_semaphore, #tpu.memory_space<semaphore_mem>>
      %dma_start3A = arith.constant 0 : i32
      %dma_start3A_13 = arith.constant 0 : i32
      %dma_start3A_14 = tpu.memref_slice %arg4[%arg0, %arg1, %dma_start3A, %dma_start3A_13] : memref<2x16x84x128xi32, #tpu.memory_space<hbm>> -> memref<1x1x84x128xi32, #tpu.memory_space<hbm>>
      %dma_start3A_15 = tpu.memref_squeeze %dma_start3A_14 : memref<1x1x84x128xi32, #tpu.memory_space<hbm>> -> memref<84x128xi32, #tpu.memory_space<hbm>>
      %dma_start3A_16 = arith.constant 0 : i32
      %dma_start3A_17 = arith.constant 0 : i32
      %dma_start3A_18 = tpu.memref_slice %arg4[%arg0, %arg1, %dma_start3A_16, %dma_start3A_17] : memref<2x16x84x128xi32, #tpu.memory_space<hbm>> -> memref<1x1x84x128xi32, #tpu.memory_space<hbm>>
      %dma_start3A_19 = tpu.memref_squeeze %dma_start3A_18 : memref<1x1x84x128xi32, #tpu.memory_space<hbm>> -> memref<84x128xi32, #tpu.memory_space<hbm>>
      tpu.enqueue_dma source(%dma_start3A_19 : memref<84x128xi32, #tpu.memory_space<hbm>>) target(%arg8 : memref<84x128xi32, #tpu.memory_space<vmem>>) target_semaphore(%run_scoped3A : memref<!tpu.dma_semaphore, #tpu.memory_space<semaphore_mem>>)
      %dma_wait3A = arith.constant 0 : i32
      %dma_wait3A_20 = arith.constant 0 : i32
      %dma_wait3A_21 = tpu.memref_slice %arg4[%arg0, %arg1, %dma_wait3A, %dma_wait3A_20] : memref<2x16x84x128xi32, #tpu.memory_space<hbm>> -> memref<1x1x84x128xi32, #tpu.memory_space<hbm>>
      %dma_wait3A_22 = tpu.memref_squeeze %dma_wait3A_21 : memref<1x1x84x128xi32, #tpu.memory_space<hbm>> -> memref<84x128xi32, #tpu.memory_space<hbm>>
      %dma_wait3A_23 = arith.constant 0 : i32
      %dma_wait3A_24 = arith.constant 0 : i32
      %dma_wait3A_25 = tpu.memref_slice %arg4[%arg0, %arg1, %dma_wait3A_23, %dma_wait3A_24] : memref<2x16x84x128xi32, #tpu.memory_space<hbm>> -> memref<1x1x84x128xi32, #tpu.memory_space<hbm>>
      %dma_wait3A_26 = tpu.memref_squeeze %dma_wait3A_25 : memref<1x1x84x128xi32, #tpu.memory_space<hbm>> -> memref<84x128xi32, #tpu.memory_space<hbm>>
      tpu.wait_dma2 semaphore(%run_scoped3A : memref<!tpu.dma_semaphore, #tpu.memory_space<semaphore_mem>>) src(%dma_wait3A_26 : memref<84x128xi32, #tpu.memory_space<hbm>>) dst(%arg8 : memref<84x128xi32, #tpu.memory_space<vmem>>)
      tpu.yield
    }) : () -> ()
    %barrier3A = arith.constant 0 : index
    tpu.barrier barrier_id(%barrier3A)
    %scan3A = arith.constant 0 : i32
    %scan3A_1 = arith.constant 0 : i32
    %scan3A_2 = arith.constant 42 : i32
    %scan3A_3 = arith.addi %scan3A_1, %scan3A_2 : i32
    %scan3A_4 = arith.constant 1 : i32
    scf.for %scan3A_13 = %scan3A_1 to %scan3A_3 step %scan3A_4  : i32 {
      %mul3A_14 = arith.constant 2 : i32
      %mul3A_15 = arith.muli %mul3A_14, %scan3A_13 : i32
      %mul3A_16 = arith.constant 2 : i32
      %mul3A_17 = arith.muli %mul3A_16, %scan3A_13 : i32
      %add3A_18 = arith.constant 1 : i32
      %add3A_19 = arith.addi %mul3A_17, %add3A_18 : i32
      %dma_start3A = arith.constant 0 : i32
      %dma_start3A_20 = tpu.memref_slice %arg7[%mul3A_15, %dma_start3A] : memref<84x128xi32, #tpu.memory_space<vmem>> -> memref<1x128xi32, #tpu.memory_space<vmem>>
      %dma_start3A_21 = tpu.memref_squeeze %dma_start3A_20 : memref<1x128xi32, #tpu.memory_space<vmem>> -> memref<128xi32, #tpu.memory_space<vmem>>
      %dma_start3A_22 = arith.constant 0 : i32
      %dma_start3A_23 = arith.constant 0 : i32
      %dma_start3A_24 = tpu.memref_slice %arg2[%dma_start3A_22, %dma_start3A_23] : memref<10000x128xf32, #tpu.memory_space<hbm>> -> memref<10000x128xf32, #tpu.memory_space<hbm>>
      tpu.enqueue_indirect_dma source(%dma_start3A_24 : memref<10000x128xf32, #tpu.memory_space<hbm>>) target(%arg9 : memref<128x128xf32, #tpu.memory_space<vmem>>) offsets(%dma_start3A_21 : memref<128xi32, #tpu.memory_space<vmem>>) semaphore(%arg12 : memref<!tpu.dma_semaphore, #tpu.memory_space<semaphore_mem>>)
      %dma_start3A_25 = arith.constant 0 : i32
      %dma_start3A_26 = tpu.memref_slice %arg7[%add3A_19, %dma_start3A_25] : memref<84x128xi32, #tpu.memory_space<vmem>> -> memref<1x128xi32, #tpu.memory_space<vmem>>
      %dma_start3A_27 = tpu.memref_squeeze %dma_start3A_26 : memref<1x128xi32, #tpu.memory_space<vmem>> -> memref<128xi32, #tpu.memory_space<vmem>>
      %dma_start3A_28 = arith.constant 0 : i32
      %dma_start3A_29 = arith.constant 0 : i32
      %dma_start3A_30 = tpu.memref_slice %arg2[%dma_start3A_28, %dma_start3A_29] : memref<10000x128xf32, #tpu.memory_space<hbm>> -> memref<10000x128xf32, #tpu.memory_space<hbm>>
      tpu.enqueue_indirect_dma source(%dma_start3A_30 : memref<10000x128xf32, #tpu.memory_space<hbm>>) target(%arg10 : memref<128x128xf32, #tpu.memory_space<vmem>>) offsets(%dma_start3A_27 : memref<128xi32, #tpu.memory_space<vmem>>) semaphore(%arg13 : memref<!tpu.dma_semaphore, #tpu.memory_space<semaphore_mem>>)
      %dma_wait3A = arith.constant 0 : i32
      %dma_wait3A_31 = tpu.memref_slice %arg7[%mul3A_15, %dma_wait3A] : memref<84x128xi32, #tpu.memory_space<vmem>> -> memref<1x128xi32, #tpu.memory_space<vmem>>
      %dma_wait3A_32 = tpu.memref_squeeze %dma_wait3A_31 : memref<1x128xi32, #tpu.memory_space<vmem>> -> memref<128xi32, #tpu.memory_space<vmem>>
      %dma_wait3A_33 = arith.constant 0 : i32
      %dma_wait3A_34 = arith.constant 0 : i32
      %dma_wait3A_35 = tpu.memref_slice %arg2[%dma_wait3A_33, %dma_wait3A_34] : memref<10000x128xf32, #tpu.memory_space<hbm>> -> memref<10000x128xf32, #tpu.memory_space<hbm>>
      tpu.wait_indirect_dma semaphore(%arg12 : memref<!tpu.dma_semaphore, #tpu.memory_space<semaphore_mem>>) src(%dma_wait3A_35 : memref<10000x128xf32, #tpu.memory_space<hbm>>) dst(%arg9 : memref<128x128xf32, #tpu.memory_space<vmem>>)
      "tpu.region"() ({
        %run_scoped3A = tpu.sem_alloc : memref<!tpu.dma_semaphore, #tpu.memory_space<semaphore_mem>>
        %dma_start3A_42 = arith.constant 0 : i32
        %dma_start3A_43 = tpu.memref_slice %arg8[%mul3A_15, %dma_start3A_42] : memref<84x128xi32, #tpu.memory_space<vmem>> -> memref<1x128xi32, #tpu.memory_space<vmem>>
        %dma_start3A_44 = tpu.memref_squeeze %dma_start3A_43 : memref<1x128xi32, #tpu.memory_space<vmem>> -> memref<128xi32, #tpu.memory_space<vmem>>
        %dma_start3A_45 = arith.constant 0 : i32
        %dma_start3A_46 = arith.constant 0 : i32
        %dma_start3A_47 = tpu.memref_slice %arg11[%dma_start3A_45, %dma_start3A_46] : memref<5376x128xf32, #tpu.memory_space<vmem_shared>> -> memref<5376x128xf32, #tpu.memory_space<vmem_shared>>
        tpu.enqueue_indirect_dma source(%arg9 : memref<128x128xf32, #tpu.memory_space<vmem>>) target(%dma_start3A_47 : memref<5376x128xf32, #tpu.memory_space<vmem_shared>>) offsets(%dma_start3A_44 : memref<128xi32, #tpu.memory_space<vmem>>) semaphore(%run_scoped3A : memref<!tpu.dma_semaphore, #tpu.memory_space<semaphore_mem>>) {add = true}
        %dma_wait3A_48 = arith.constant 0 : i32
        %dma_wait3A_49 = tpu.memref_slice %arg8[%mul3A_15, %dma_wait3A_48] : memref<84x128xi32, #tpu.memory_space<vmem>> -> memref<1x128xi32, #tpu.memory_space<vmem>>
        %dma_wait3A_50 = tpu.memref_squeeze %dma_wait3A_49 : memref<1x128xi32, #tpu.memory_space<vmem>> -> memref<128xi32, #tpu.memory_space<vmem>>
        %dma_wait3A_51 = arith.constant 0 : i32
        %dma_wait3A_52 = arith.constant 0 : i32
        %dma_wait3A_53 = tpu.memref_slice %arg11[%dma_wait3A_51, %dma_wait3A_52] : memref<5376x128xf32, #tpu.memory_space<vmem_shared>> -> memref<5376x128xf32, #tpu.memory_space<vmem_shared>>
        tpu.wait_indirect_dma semaphore(%run_scoped3A : memref<!tpu.dma_semaphore, #tpu.memory_space<semaphore_mem>>) src(%arg9 : memref<128x128xf32, #tpu.memory_space<vmem>>) dst(%dma_wait3A_53 : memref<5376x128xf32, #tpu.memory_space<vmem_shared>>)
        tpu.yield
      }) : () -> ()
      %dma_wait3A_36 = arith.constant 0 : i32
      %dma_wait3A_37 = tpu.memref_slice %arg7[%add3A_19, %dma_wait3A_36] : memref<84x128xi32, #tpu.memory_space<vmem>> -> memref<1x128xi32, #tpu.memory_space<vmem>>
      %dma_wait3A_38 = tpu.memref_squeeze %dma_wait3A_37 : memref<1x128xi32, #tpu.memory_space<vmem>> -> memref<128xi32, #tpu.memory_space<vmem>>
      %dma_wait3A_39 = arith.constant 0 : i32
      %dma_wait3A_40 = arith.constant 0 : i32
      %dma_wait3A_41 = tpu.memref_slice %arg2[%dma_wait3A_39, %dma_wait3A_40] : memref<10000x128xf32, #tpu.memory_space<hbm>> -> memref<10000x128xf32, #tpu.memory_space<hbm>>
      tpu.wait_indirect_dma semaphore(%arg13 : memref<!tpu.dma_semaphore, #tpu.memory_space<semaphore_mem>>) src(%dma_wait3A_41 : memref<10000x128xf32, #tpu.memory_space<hbm>>) dst(%arg10 : memref<128x128xf32, #tpu.memory_space<vmem>>)
      "tpu.region"() ({
        %run_scoped3A = tpu.sem_alloc : memref<!tpu.dma_semaphore, #tpu.memory_space<semaphore_mem>>
        %dma_start3A_42 = arith.constant 0 : i32
        %dma_start3A_43 = tpu.memref_slice %arg8[%add3A_19, %dma_start3A_42] : memref<84x128xi32, #tpu.memory_space<vmem>> -> memref<1x128xi32, #tpu.memory_space<vmem>>
        %dma_start3A_44 = tpu.memref_squeeze %dma_start3A_43 : memref<1x128xi32, #tpu.memory_space<vmem>> -> memref<128xi32, #tpu.memory_space<vmem>>
        %dma_start3A_45 = arith.constant 0 : i32
        %dma_start3A_46 = arith.constant 0 : i32
        %dma_start3A_47 = tpu.memref_slice %arg11[%dma_start3A_45, %dma_start3A_46] : memref<5376x128xf32, #tpu.memory_space<vmem_shared>> -> memref<5376x128xf32, #tpu.memory_space<vmem_shared>>
        tpu.enqueue_indirect_dma source(%arg10 : memref<128x128xf32, #tpu.memory_space<vmem>>) target(%dma_start3A_47 : memref<5376x128xf32, #tpu.memory_space<vmem_shared>>) offsets(%dma_start3A_44 : memref<128xi32, #tpu.memory_space<vmem>>) semaphore(%run_scoped3A : memref<!tpu.dma_semaphore, #tpu.memory_space<semaphore_mem>>) {add = true}
        %dma_wait3A_48 = arith.constant 0 : i32
        %dma_wait3A_49 = tpu.memref_slice %arg8[%add3A_19, %dma_wait3A_48] : memref<84x128xi32, #tpu.memory_space<vmem>> -> memref<1x128xi32, #tpu.memory_space<vmem>>
        %dma_wait3A_50 = tpu.memref_squeeze %dma_wait3A_49 : memref<1x128xi32, #tpu.memory_space<vmem>> -> memref<128xi32, #tpu.memory_space<vmem>>
        %dma_wait3A_51 = arith.constant 0 : i32
        %dma_wait3A_52 = arith.constant 0 : i32
        %dma_wait3A_53 = tpu.memref_slice %arg11[%dma_wait3A_51, %dma_wait3A_52] : memref<5376x128xf32, #tpu.memory_space<vmem_shared>> -> memref<5376x128xf32, #tpu.memory_space<vmem_shared>>
        tpu.wait_indirect_dma semaphore(%run_scoped3A : memref<!tpu.dma_semaphore, #tpu.memory_space<semaphore_mem>>) src(%arg10 : memref<128x128xf32, #tpu.memory_space<vmem>>) dst(%dma_wait3A_53 : memref<5376x128xf32, #tpu.memory_space<vmem_shared>>)
        tpu.yield
      }) : () -> ()
    }
    %scan3A_5 = arith.constant 42 : i32
    %barrier3A_6 = arith.constant 0 : index
    tpu.barrier barrier_id(%barrier3A_6)
    %mul3A_7 = arith.constant 320 : i32
    %mul3A_8 = arith.muli %arg1, %mul3A_7 : i32
    %mul3A_9 = arith.constant 16 : i32
    %mul3A_10 = arith.muli %arg0, %mul3A_9 : i32
    %add3A = arith.addi %mul3A_10, %arg1 : i32
    %mul3A_11 = arith.constant 320 : i32
    %mul3A_12 = arith.muli %add3A, %mul3A_11 : i32
    "tpu.region"() ({
      %run_scoped3A = tpu.sem_alloc : memref<!tpu.dma_semaphore, #tpu.memory_space<semaphore_mem>>
      %dma_start3A = arith.constant 0 : i32
      %dma_start3A_13 = tpu.memref_slice %arg6[%mul3A_12, %dma_start3A] : memref<10240x128xf32, #tpu.memory_space<hbm>> -> memref<320x128xf32, #tpu.memory_space<hbm>>
      %dma_start3A_14 = arith.constant 0 : i32
      %dma_start3A_15 = tpu.memref_slice %arg11[%mul3A_8, %dma_start3A_14] : memref<5376x128xf32, #tpu.memory_space<vmem_shared>> -> memref<320x128xf32, #tpu.memory_space<vmem_shared>>
      tpu.enqueue_dma source(%dma_start3A_15 : memref<320x128xf32, #tpu.memory_space<vmem_shared>>) target(%dma_start3A_13 : memref<320x128xf32, #tpu.memory_space<hbm>>) target_semaphore(%run_scoped3A : memref<!tpu.dma_semaphore, #tpu.memory_space<semaphore_mem>>)
      %dma_wait3A = arith.constant 0 : i32
      %dma_wait3A_16 = tpu.memref_slice %arg6[%mul3A_12, %dma_wait3A] : memref<10240x128xf32, #tpu.memory_space<hbm>> -> memref<320x128xf32, #tpu.memory_space<hbm>>
      %dma_wait3A_17 = arith.constant 0 : i32
      %dma_wait3A_18 = tpu.memref_slice %arg11[%mul3A_8, %dma_wait3A_17] : memref<5376x128xf32, #tpu.memory_space<vmem_shared>> -> memref<320x128xf32, #tpu.memory_space<vmem_shared>>
      tpu.wait_dma2 semaphore(%run_scoped3A : memref<!tpu.dma_semaphore, #tpu.memory_space<semaphore_mem>>) src(%dma_wait3A_18 : memref<320x128xf32, #tpu.memory_space<vmem_shared>>) dst(%dma_wait3A_16 : memref<320x128xf32, #tpu.memory_space<hbm>>)
      tpu.yield
    }) : () -> ()
    return
  }
}

#map = affine_map<(d0, d1) -> (0, 0)>
#map1 = affine_map<(d0, d1) -> (0, 0, 0, 0)>
#map2 = affine_map<(d0, d1) -> (0, 0, 0)>
module attributes {stable_mosaic.version = 14 : i64} {
  func.func @pool(%arg0: i32, %arg1: i32, %arg2: memref<10000x128xf32, #tpu.memory_space<hbm>>, %arg3: memref<2x16x4x128xi32, #tpu.memory_space<hbm>>, %arg4: memref<2x16x4x128xi32, #tpu.memory_space<hbm>>, %arg5: memref<320x128xf32, #tpu.memory_space<hbm>>, %arg6: memref<32x8x128xf32, #tpu.memory_space<hbm>>, %arg7: memref<4x128xi32, #tpu.memory_space<vmem>>, %arg8: memref<4x128xi32, #tpu.memory_space<vmem>>, %arg9: memref<128x128xf32, #tpu.memory_space<vmem>>, %arg10: memref<128x128xf32, #tpu.memory_space<vmem>>, %arg11: memref<128x128xf32, #tpu.memory_space<vmem_shared>>, %arg12: memref<!tpu.dma_semaphore, #tpu.memory_space<semaphore_mem>>, %arg13: memref<!tpu.dma_semaphore, #tpu.memory_space<semaphore_mem>>) attributes {dimension_semantics = [#tpu.dimension_semantics<core_parallel>, #tpu.dimension_semantics<subcore_parallel>], iteration_bounds = array<i64: 2, 16>, scalar_prefetch = 0 : i64, scratch_operands = 7 : i64, tpu.core_type = #tpu.core_type<sc_vector_subcore>, window_params = [{transform_indices = #map}, {transform_indices = #map1}, {transform_indices = #map1}, {transform_indices = #map}, {transform_indices = #map2}]} {
    %mul3A = arith.constant 8 : i32
    %mul3A_0 = arith.muli %arg1, %mul3A : i32
    "tpu.region"() ({
      %run_scoped3A = tpu.sem_alloc : memref<!tpu.dma_semaphore, #tpu.memory_space<semaphore_mem>>
      %dma_start3A = arith.constant 0 : i32
      %dma_start3A_11 = tpu.memref_slice %arg11[%mul3A_0, %dma_start3A] : memref<128x128xf32, #tpu.memory_space<vmem_shared>> -> memref<8x128xf32, #tpu.memory_space<vmem_shared>>
      %dma_start3A_12 = arith.constant 0 : i32
      %dma_start3A_13 = arith.constant 0 : i32
      %dma_start3A_14 = tpu.memref_slice %arg5[%dma_start3A_12, %dma_start3A_13] : memref<320x128xf32, #tpu.memory_space<hbm>> -> memref<8x128xf32, #tpu.memory_space<hbm>>
      tpu.enqueue_dma source(%dma_start3A_14 : memref<8x128xf32, #tpu.memory_space<hbm>>) target(%dma_start3A_11 : memref<8x128xf32, #tpu.memory_space<vmem_shared>>) target_semaphore(%run_scoped3A : memref<!tpu.dma_semaphore, #tpu.memory_space<semaphore_mem>>)
      %dma_wait3A = arith.constant 0 : i32
      %dma_wait3A_15 = tpu.memref_slice %arg11[%mul3A_0, %dma_wait3A] : memref<128x128xf32, #tpu.memory_space<vmem_shared>> -> memref<8x128xf32, #tpu.memory_space<vmem_shared>>
      %dma_wait3A_16 = arith.constant 0 : i32
      %dma_wait3A_17 = arith.constant 0 : i32
      %dma_wait3A_18 = tpu.memref_slice %arg5[%dma_wait3A_16, %dma_wait3A_17] : memref<320x128xf32, #tpu.memory_space<hbm>> -> memref<8x128xf32, #tpu.memory_space<hbm>>
      tpu.wait_dma2 semaphore(%run_scoped3A : memref<!tpu.dma_semaphore, #tpu.memory_space<semaphore_mem>>) src(%dma_wait3A_18 : memref<8x128xf32, #tpu.memory_space<hbm>>) dst(%dma_wait3A_15 : memref<8x128xf32, #tpu.memory_space<vmem_shared>>)
      tpu.yield
    }) : () -> ()
    "tpu.region"() ({
      %run_scoped3A = tpu.sem_alloc : memref<!tpu.dma_semaphore, #tpu.memory_space<semaphore_mem>>
      %dma_start3A = arith.constant 0 : i32
      %dma_start3A_11 = arith.constant 0 : i32
      %dma_start3A_12 = tpu.memref_slice %arg3[%arg0, %arg1, %dma_start3A, %dma_start3A_11] : memref<2x16x4x128xi32, #tpu.memory_space<hbm>> -> memref<1x1x4x128xi32, #tpu.memory_space<hbm>>
      %dma_start3A_13 = tpu.memref_squeeze %dma_start3A_12 : memref<1x1x4x128xi32, #tpu.memory_space<hbm>> -> memref<4x128xi32, #tpu.memory_space<hbm>>
      %dma_start3A_14 = arith.constant 0 : i32
      %dma_start3A_15 = arith.constant 0 : i32
      %dma_start3A_16 = tpu.memref_slice %arg3[%arg0, %arg1, %dma_start3A_14, %dma_start3A_15] : memref<2x16x4x128xi32, #tpu.memory_space<hbm>> -> memref<1x1x4x128xi32, #tpu.memory_space<hbm>>
      %dma_start3A_17 = tpu.memref_squeeze %dma_start3A_16 : memref<1x1x4x128xi32, #tpu.memory_space<hbm>> -> memref<4x128xi32, #tpu.memory_space<hbm>>
      tpu.enqueue_dma source(%dma_start3A_17 : memref<4x128xi32, #tpu.memory_space<hbm>>) target(%arg7 : memref<4x128xi32, #tpu.memory_space<vmem>>) target_semaphore(%run_scoped3A : memref<!tpu.dma_semaphore, #tpu.memory_space<semaphore_mem>>)
      %dma_wait3A = arith.constant 0 : i32
      %dma_wait3A_18 = arith.constant 0 : i32
      %dma_wait3A_19 = tpu.memref_slice %arg3[%arg0, %arg1, %dma_wait3A, %dma_wait3A_18] : memref<2x16x4x128xi32, #tpu.memory_space<hbm>> -> memref<1x1x4x128xi32, #tpu.memory_space<hbm>>
      %dma_wait3A_20 = tpu.memref_squeeze %dma_wait3A_19 : memref<1x1x4x128xi32, #tpu.memory_space<hbm>> -> memref<4x128xi32, #tpu.memory_space<hbm>>
      %dma_wait3A_21 = arith.constant 0 : i32
      %dma_wait3A_22 = arith.constant 0 : i32
      %dma_wait3A_23 = tpu.memref_slice %arg3[%arg0, %arg1, %dma_wait3A_21, %dma_wait3A_22] : memref<2x16x4x128xi32, #tpu.memory_space<hbm>> -> memref<1x1x4x128xi32, #tpu.memory_space<hbm>>
      %dma_wait3A_24 = tpu.memref_squeeze %dma_wait3A_23 : memref<1x1x4x128xi32, #tpu.memory_space<hbm>> -> memref<4x128xi32, #tpu.memory_space<hbm>>
      tpu.wait_dma2 semaphore(%run_scoped3A : memref<!tpu.dma_semaphore, #tpu.memory_space<semaphore_mem>>) src(%dma_wait3A_24 : memref<4x128xi32, #tpu.memory_space<hbm>>) dst(%arg7 : memref<4x128xi32, #tpu.memory_space<vmem>>)
      tpu.yield
    }) : () -> ()
    "tpu.region"() ({
      %run_scoped3A = tpu.sem_alloc : memref<!tpu.dma_semaphore, #tpu.memory_space<semaphore_mem>>
      %dma_start3A = arith.constant 0 : i32
      %dma_start3A_11 = arith.constant 0 : i32
      %dma_start3A_12 = tpu.memref_slice %arg4[%arg0, %arg1, %dma_start3A, %dma_start3A_11] : memref<2x16x4x128xi32, #tpu.memory_space<hbm>> -> memref<1x1x4x128xi32, #tpu.memory_space<hbm>>
      %dma_start3A_13 = tpu.memref_squeeze %dma_start3A_12 : memref<1x1x4x128xi32, #tpu.memory_space<hbm>> -> memref<4x128xi32, #tpu.memory_space<hbm>>
      %dma_start3A_14 = arith.constant 0 : i32
      %dma_start3A_15 = arith.constant 0 : i32
      %dma_start3A_16 = tpu.memref_slice %arg4[%arg0, %arg1, %dma_start3A_14, %dma_start3A_15] : memref<2x16x4x128xi32, #tpu.memory_space<hbm>> -> memref<1x1x4x128xi32, #tpu.memory_space<hbm>>
      %dma_start3A_17 = tpu.memref_squeeze %dma_start3A_16 : memref<1x1x4x128xi32, #tpu.memory_space<hbm>> -> memref<4x128xi32, #tpu.memory_space<hbm>>
      tpu.enqueue_dma source(%dma_start3A_17 : memref<4x128xi32, #tpu.memory_space<hbm>>) target(%arg8 : memref<4x128xi32, #tpu.memory_space<vmem>>) target_semaphore(%run_scoped3A : memref<!tpu.dma_semaphore, #tpu.memory_space<semaphore_mem>>)
      %dma_wait3A = arith.constant 0 : i32
      %dma_wait3A_18 = arith.constant 0 : i32
      %dma_wait3A_19 = tpu.memref_slice %arg4[%arg0, %arg1, %dma_wait3A, %dma_wait3A_18] : memref<2x16x4x128xi32, #tpu.memory_space<hbm>> -> memref<1x1x4x128xi32, #tpu.memory_space<hbm>>
      %dma_wait3A_20 = tpu.memref_squeeze %dma_wait3A_19 : memref<1x1x4x128xi32, #tpu.memory_space<hbm>> -> memref<4x128xi32, #tpu.memory_space<hbm>>
      %dma_wait3A_21 = arith.constant 0 : i32
      %dma_wait3A_22 = arith.constant 0 : i32
      %dma_wait3A_23 = tpu.memref_slice %arg4[%arg0, %arg1, %dma_wait3A_21, %dma_wait3A_22] : memref<2x16x4x128xi32, #tpu.memory_space<hbm>> -> memref<1x1x4x128xi32, #tpu.memory_space<hbm>>
      %dma_wait3A_24 = tpu.memref_squeeze %dma_wait3A_23 : memref<1x1x4x128xi32, #tpu.memory_space<hbm>> -> memref<4x128xi32, #tpu.memory_space<hbm>>
      tpu.wait_dma2 semaphore(%run_scoped3A : memref<!tpu.dma_semaphore, #tpu.memory_space<semaphore_mem>>) src(%dma_wait3A_24 : memref<4x128xi32, #tpu.memory_space<hbm>>) dst(%arg8 : memref<4x128xi32, #tpu.memory_space<vmem>>)
      tpu.yield
    }) : () -> ()
    %barrier3A = arith.constant 0 : index
    tpu.barrier barrier_id(%barrier3A)
    %scan3A = arith.constant 0 : i32
    %scan3A_1 = arith.constant 0 : i32
    %scan3A_2 = arith.constant 2 : i32
    %scan3A_3 = arith.addi %scan3A_1, %scan3A_2 : i32
    %scan3A_4 = arith.constant 1 : i32
    scf.for %scan3A_11 = %scan3A_1 to %scan3A_3 step %scan3A_4  : i32 {
      %mul3A_12 = arith.constant 2 : i32
      %mul3A_13 = arith.muli %mul3A_12, %scan3A_11 : i32
      %mul3A_14 = arith.constant 2 : i32
      %mul3A_15 = arith.muli %mul3A_14, %scan3A_11 : i32
      %add3A_16 = arith.constant 1 : i32
      %add3A_17 = arith.addi %mul3A_15, %add3A_16 : i32
      %dma_start3A = arith.constant 0 : i32
      %dma_start3A_18 = tpu.memref_slice %arg7[%mul3A_13, %dma_start3A] : memref<4x128xi32, #tpu.memory_space<vmem>> -> memref<1x128xi32, #tpu.memory_space<vmem>>
      %dma_start3A_19 = tpu.memref_squeeze %dma_start3A_18 : memref<1x128xi32, #tpu.memory_space<vmem>> -> memref<128xi32, #tpu.memory_space<vmem>>
      %dma_start3A_20 = arith.constant 0 : i32
      %dma_start3A_21 = arith.constant 0 : i32
      %dma_start3A_22 = tpu.memref_slice %arg2[%dma_start3A_20, %dma_start3A_21] : memref<10000x128xf32, #tpu.memory_space<hbm>> -> memref<10000x128xf32, #tpu.memory_space<hbm>>
      tpu.enqueue_indirect_dma source(%dma_start3A_22 : memref<10000x128xf32, #tpu.memory_space<hbm>>) target(%arg9 : memref<128x128xf32, #tpu.memory_space<vmem>>) offsets(%dma_start3A_19 : memref<128xi32, #tpu.memory_space<vmem>>) semaphore(%arg12 : memref<!tpu.dma_semaphore, #tpu.memory_space<semaphore_mem>>)
      %dma_start3A_23 = arith.constant 0 : i32
      %dma_start3A_24 = tpu.memref_slice %arg7[%add3A_17, %dma_start3A_23] : memref<4x128xi32, #tpu.memory_space<vmem>> -> memref<1x128xi32, #tpu.memory_space<vmem>>
      %dma_start3A_25 = tpu.memref_squeeze %dma_start3A_24 : memref<1x128xi32, #tpu.memory_space<vmem>> -> memref<128xi32, #tpu.memory_space<vmem>>
      %dma_start3A_26 = arith.constant 0 : i32
      %dma_start3A_27 = arith.constant 0 : i32
      %dma_start3A_28 = tpu.memref_slice %arg2[%dma_start3A_26, %dma_start3A_27] : memref<10000x128xf32, #tpu.memory_space<hbm>> -> memref<10000x128xf32, #tpu.memory_space<hbm>>
      tpu.enqueue_indirect_dma source(%dma_start3A_28 : memref<10000x128xf32, #tpu.memory_space<hbm>>) target(%arg10 : memref<128x128xf32, #tpu.memory_space<vmem>>) offsets(%dma_start3A_25 : memref<128xi32, #tpu.memory_space<vmem>>) semaphore(%arg13 : memref<!tpu.dma_semaphore, #tpu.memory_space<semaphore_mem>>)
      %dma_wait3A = arith.constant 0 : i32
      %dma_wait3A_29 = tpu.memref_slice %arg7[%mul3A_13, %dma_wait3A] : memref<4x128xi32, #tpu.memory_space<vmem>> -> memref<1x128xi32, #tpu.memory_space<vmem>>
      %dma_wait3A_30 = tpu.memref_squeeze %dma_wait3A_29 : memref<1x128xi32, #tpu.memory_space<vmem>> -> memref<128xi32, #tpu.memory_space<vmem>>
      %dma_wait3A_31 = arith.constant 0 : i32
      %dma_wait3A_32 = arith.constant 0 : i32
      %dma_wait3A_33 = tpu.memref_slice %arg2[%dma_wait3A_31, %dma_wait3A_32] : memref<10000x128xf32, #tpu.memory_space<hbm>> -> memref<10000x128xf32, #tpu.memory_space<hbm>>
      tpu.wait_indirect_dma semaphore(%arg12 : memref<!tpu.dma_semaphore, #tpu.memory_space<semaphore_mem>>) src(%dma_wait3A_33 : memref<10000x128xf32, #tpu.memory_space<hbm>>) dst(%arg9 : memref<128x128xf32, #tpu.memory_space<vmem>>)
      "tpu.region"() ({
        %run_scoped3A = tpu.sem_alloc : memref<!tpu.dma_semaphore, #tpu.memory_space<semaphore_mem>>
        %dma_start3A_40 = arith.constant 0 : i32
        %dma_start3A_41 = tpu.memref_slice %arg8[%mul3A_13, %dma_start3A_40] : memref<4x128xi32, #tpu.memory_space<vmem>> -> memref<1x128xi32, #tpu.memory_space<vmem>>
        %dma_start3A_42 = tpu.memref_squeeze %dma_start3A_41 : memref<1x128xi32, #tpu.memory_space<vmem>> -> memref<128xi32, #tpu.memory_space<vmem>>
        %dma_start3A_43 = arith.constant 0 : i32
        %dma_start3A_44 = arith.constant 0 : i32
        %dma_start3A_45 = tpu.memref_slice %arg11[%dma_start3A_43, %dma_start3A_44] : memref<128x128xf32, #tpu.memory_space<vmem_shared>> -> memref<128x128xf32, #tpu.memory_space<vmem_shared>>
        tpu.enqueue_indirect_dma source(%arg9 : memref<128x128xf32, #tpu.memory_space<vmem>>) target(%dma_start3A_45 : memref<128x128xf32, #tpu.memory_space<vmem_shared>>) offsets(%dma_start3A_42 : memref<128xi32, #tpu.memory_space<vmem>>) semaphore(%run_scoped3A : memref<!tpu.dma_semaphore, #tpu.memory_space<semaphore_mem>>) {add = true}
        %dma_wait3A_46 = arith.constant 0 : i32
        %dma_wait3A_47 = tpu.memref_slice %arg8[%mul3A_13, %dma_wait3A_46] : memref<4x128xi32, #tpu.memory_space<vmem>> -> memref<1x128xi32, #tpu.memory_space<vmem>>
        %dma_wait3A_48 = tpu.memref_squeeze %dma_wait3A_47 : memref<1x128xi32, #tpu.memory_space<vmem>> -> memref<128xi32, #tpu.memory_space<vmem>>
        %dma_wait3A_49 = arith.constant 0 : i32
        %dma_wait3A_50 = arith.constant 0 : i32
        %dma_wait3A_51 = tpu.memref_slice %arg11[%dma_wait3A_49, %dma_wait3A_50] : memref<128x128xf32, #tpu.memory_space<vmem_shared>> -> memref<128x128xf32, #tpu.memory_space<vmem_shared>>
        tpu.wait_indirect_dma semaphore(%run_scoped3A : memref<!tpu.dma_semaphore, #tpu.memory_space<semaphore_mem>>) src(%arg9 : memref<128x128xf32, #tpu.memory_space<vmem>>) dst(%dma_wait3A_51 : memref<128x128xf32, #tpu.memory_space<vmem_shared>>)
        tpu.yield
      }) : () -> ()
      %dma_wait3A_34 = arith.constant 0 : i32
      %dma_wait3A_35 = tpu.memref_slice %arg7[%add3A_17, %dma_wait3A_34] : memref<4x128xi32, #tpu.memory_space<vmem>> -> memref<1x128xi32, #tpu.memory_space<vmem>>
      %dma_wait3A_36 = tpu.memref_squeeze %dma_wait3A_35 : memref<1x128xi32, #tpu.memory_space<vmem>> -> memref<128xi32, #tpu.memory_space<vmem>>
      %dma_wait3A_37 = arith.constant 0 : i32
      %dma_wait3A_38 = arith.constant 0 : i32
      %dma_wait3A_39 = tpu.memref_slice %arg2[%dma_wait3A_37, %dma_wait3A_38] : memref<10000x128xf32, #tpu.memory_space<hbm>> -> memref<10000x128xf32, #tpu.memory_space<hbm>>
      tpu.wait_indirect_dma semaphore(%arg13 : memref<!tpu.dma_semaphore, #tpu.memory_space<semaphore_mem>>) src(%dma_wait3A_39 : memref<10000x128xf32, #tpu.memory_space<hbm>>) dst(%arg10 : memref<128x128xf32, #tpu.memory_space<vmem>>)
      "tpu.region"() ({
        %run_scoped3A = tpu.sem_alloc : memref<!tpu.dma_semaphore, #tpu.memory_space<semaphore_mem>>
        %dma_start3A_40 = arith.constant 0 : i32
        %dma_start3A_41 = tpu.memref_slice %arg8[%add3A_17, %dma_start3A_40] : memref<4x128xi32, #tpu.memory_space<vmem>> -> memref<1x128xi32, #tpu.memory_space<vmem>>
        %dma_start3A_42 = tpu.memref_squeeze %dma_start3A_41 : memref<1x128xi32, #tpu.memory_space<vmem>> -> memref<128xi32, #tpu.memory_space<vmem>>
        %dma_start3A_43 = arith.constant 0 : i32
        %dma_start3A_44 = arith.constant 0 : i32
        %dma_start3A_45 = tpu.memref_slice %arg11[%dma_start3A_43, %dma_start3A_44] : memref<128x128xf32, #tpu.memory_space<vmem_shared>> -> memref<128x128xf32, #tpu.memory_space<vmem_shared>>
        tpu.enqueue_indirect_dma source(%arg10 : memref<128x128xf32, #tpu.memory_space<vmem>>) target(%dma_start3A_45 : memref<128x128xf32, #tpu.memory_space<vmem_shared>>) offsets(%dma_start3A_42 : memref<128xi32, #tpu.memory_space<vmem>>) semaphore(%run_scoped3A : memref<!tpu.dma_semaphore, #tpu.memory_space<semaphore_mem>>) {add = true}
        %dma_wait3A_46 = arith.constant 0 : i32
        %dma_wait3A_47 = tpu.memref_slice %arg8[%add3A_17, %dma_wait3A_46] : memref<4x128xi32, #tpu.memory_space<vmem>> -> memref<1x128xi32, #tpu.memory_space<vmem>>
        %dma_wait3A_48 = tpu.memref_squeeze %dma_wait3A_47 : memref<1x128xi32, #tpu.memory_space<vmem>> -> memref<128xi32, #tpu.memory_space<vmem>>
        %dma_wait3A_49 = arith.constant 0 : i32
        %dma_wait3A_50 = arith.constant 0 : i32
        %dma_wait3A_51 = tpu.memref_slice %arg11[%dma_wait3A_49, %dma_wait3A_50] : memref<128x128xf32, #tpu.memory_space<vmem_shared>> -> memref<128x128xf32, #tpu.memory_space<vmem_shared>>
        tpu.wait_indirect_dma semaphore(%run_scoped3A : memref<!tpu.dma_semaphore, #tpu.memory_space<semaphore_mem>>) src(%arg10 : memref<128x128xf32, #tpu.memory_space<vmem>>) dst(%dma_wait3A_51 : memref<128x128xf32, #tpu.memory_space<vmem_shared>>)
        tpu.yield
      }) : () -> ()
    }
    %scan3A_5 = arith.constant 2 : i32
    %barrier3A_6 = arith.constant 0 : index
    tpu.barrier barrier_id(%barrier3A_6)
    %mul3A_7 = arith.constant 8 : i32
    %mul3A_8 = arith.muli %arg1, %mul3A_7 : i32
    %mul3A_9 = arith.constant 16 : i32
    %mul3A_10 = arith.muli %arg0, %mul3A_9 : i32
    %add3A = arith.addi %mul3A_10, %arg1 : i32
    "tpu.region"() ({
      %run_scoped3A = tpu.sem_alloc : memref<!tpu.dma_semaphore, #tpu.memory_space<semaphore_mem>>
      %dma_start3A = arith.constant 0 : i32
      %dma_start3A_11 = arith.constant 0 : i32
      %dma_start3A_12 = tpu.memref_slice %arg6[%add3A, %dma_start3A, %dma_start3A_11] : memref<32x8x128xf32, #tpu.memory_space<hbm>> -> memref<1x8x128xf32, #tpu.memory_space<hbm>>
      %dma_start3A_13 = tpu.memref_squeeze %dma_start3A_12 : memref<1x8x128xf32, #tpu.memory_space<hbm>> -> memref<8x128xf32, #tpu.memory_space<hbm>>
      %dma_start3A_14 = arith.constant 0 : i32
      %dma_start3A_15 = tpu.memref_slice %arg11[%mul3A_8, %dma_start3A_14] : memref<128x128xf32, #tpu.memory_space<vmem_shared>> -> memref<8x128xf32, #tpu.memory_space<vmem_shared>>
      tpu.enqueue_dma source(%dma_start3A_15 : memref<8x128xf32, #tpu.memory_space<vmem_shared>>) target(%dma_start3A_13 : memref<8x128xf32, #tpu.memory_space<hbm>>) target_semaphore(%run_scoped3A : memref<!tpu.dma_semaphore, #tpu.memory_space<semaphore_mem>>)
      %dma_wait3A = arith.constant 0 : i32
      %dma_wait3A_16 = arith.constant 0 : i32
      %dma_wait3A_17 = tpu.memref_slice %arg6[%add3A, %dma_wait3A, %dma_wait3A_16] : memref<32x8x128xf32, #tpu.memory_space<hbm>> -> memref<1x8x128xf32, #tpu.memory_space<hbm>>
      %dma_wait3A_18 = tpu.memref_squeeze %dma_wait3A_17 : memref<1x8x128xf32, #tpu.memory_space<hbm>> -> memref<8x128xf32, #tpu.memory_space<hbm>>
      %dma_wait3A_19 = arith.constant 0 : i32
      %dma_wait3A_20 = tpu.memref_slice %arg11[%mul3A_8, %dma_wait3A_19] : memref<128x128xf32, #tpu.memory_space<vmem_shared>> -> memref<8x128xf32, #tpu.memory_space<vmem_shared>>
      tpu.wait_dma2 semaphore(%run_scoped3A : memref<!tpu.dma_semaphore, #tpu.memory_space<semaphore_mem>>) src(%dma_wait3A_20 : memref<8x128xf32, #tpu.memory_space<vmem_shared>>) dst(%dma_wait3A_18 : memref<8x128xf32, #tpu.memory_space<hbm>>)
      tpu.yield
    }) : () -> ()
    return
  }
}

module attributes {stable_mosaic.version = 14 : i64} {
  func.func @body(%arg0: memref<10000x128xf32, #tpu.memory_space<vmem>>, %arg1: memref<10240x128xf32, #tpu.memory_space<vmem>>, %arg2: memref<128x256xf32, #tpu.memory_space<vmem>>, %arg3: memref<1x256xf32, #tpu.memory_space<vmem>>, %arg4: memref<1x1xf32, #tpu.memory_space<vmem>>, %arg5: memref<10000x256xf32, #tpu.memory_space<vmem>>) attributes {dimension_semantics = [], scalar_prefetch = 0 : i64, scratch_operands = 0 : i64, tpu.core_type = #tpu.core_type<tc>} {
    %get3A = arith.constant 0 : index
    %get3A_0 = arith.constant 0 : index
    %get3A_1 = vector.load %arg4[%get3A, %get3A_0] : memref<1x1xf32, #tpu.memory_space<vmem>>, vector<1x1xf32>
    %get3A_2 = vector.extract %get3A_1[0, 0] : f32 from vector<1x1xf32>
    %get3A_3 = arith.constant 0 : index
    %get3A_4 = arith.constant 0 : index
    %get3A_5 = vector.load %arg0[%get3A_3, %get3A_4] : memref<10000x128xf32, #tpu.memory_space<vmem>>, vector<10000x128xf32>
    %mul3A = vector.broadcast %get3A_2 : f32 to vector<10000x128xf32>
    %mul3A_6 = arith.mulf %mul3A, %get3A_5 : vector<10000x128xf32>
    %get3A_7 = arith.constant 0 : index
    %get3A_8 = arith.constant 0 : index
    %get3A_9 = vector.load %arg1[%get3A_7, %get3A_8] : memref<10240x128xf32, #tpu.memory_space<vmem>>, vector<10000x128xf32>
    %add3A = arith.addf %mul3A_6, %get3A_9 : vector<10000x128xf32>
    %get3A_10 = arith.constant 0 : index
    %get3A_11 = arith.constant 0 : index
    %get3A_12 = vector.load %arg2[%get3A_10, %get3A_11] : memref<128x256xf32, #tpu.memory_space<vmem>>, vector<128x256xf32>
    %dot_general3A = arith.constant dense<0.000000e+00> : vector<10000x256xf32>
    %dot_general3A_13 = tpu.matmul %add3A, %get3A_12, %dot_general3A {dimension_numbers = #tpu.dot_dimension_numbers<[1], [0], [0], [1], [0, 0, 1, 1], [], []>, transpose_lhs_hint = false} : vector<10000x128xf32>, vector<128x256xf32>, vector<10000x256xf32> -> vector<10000x256xf32>
    %get3A_14 = arith.constant 0 : index
    %get3A_15 = arith.constant 0 : index
    %get3A_16 = vector.load %arg3[%get3A_14, %get3A_15] : memref<1x256xf32, #tpu.memory_space<vmem>>, vector<1x256xf32>
    %add3A_17 = vector.broadcast %get3A_16 : vector<1x256xf32> to vector<10000x256xf32>
    %add3A_18 = arith.addf %dot_general3A_13, %add3A_17 : vector<10000x256xf32>
    %swap3A = arith.constant 0 : index
    %swap3A_19 = arith.constant 0 : index
    %swap3A_20 = vector.load %arg5[%swap3A, %swap3A_19] : memref<10000x256xf32, #tpu.memory_space<vmem>>, vector<10000x256xf32>
    tpu.vector_store %arg5[%swap3A, %swap3A_19], %add3A_18 {strides = array<i32>} : memref<10000x256xf32, #tpu.memory_space<vmem>>, vector<10000x256xf32>,
    return
  }
}

module attributes {stable_mosaic.version = 14 : i64} {
  func.func @body(%arg0: memref<10000x256xf32, #tpu.memory_space<vmem>>, %arg1: memref<256x128xf32, #tpu.memory_space<vmem>>, %arg2: memref<1x128xf32, #tpu.memory_space<vmem>>, %arg3: memref<10000x128xf32, #tpu.memory_space<vmem>>) attributes {dimension_semantics = [], scalar_prefetch = 0 : i64, scratch_operands = 0 : i64, tpu.core_type = #tpu.core_type<tc>} {
    %get3A = arith.constant 0 : index
    %get3A_0 = arith.constant 0 : index
    %get3A_1 = vector.load %arg0[%get3A, %get3A_0] : memref<10000x256xf32, #tpu.memory_space<vmem>>, vector<10000x256xf32>
    %get3A_2 = arith.constant 0 : index
    %get3A_3 = arith.constant 0 : index
    %get3A_4 = vector.load %arg1[%get3A_2, %get3A_3] : memref<256x128xf32, #tpu.memory_space<vmem>>, vector<256x128xf32>
    %dot_general3A = arith.constant dense<0.000000e+00> : vector<10000x128xf32>
    %dot_general3A_5 = tpu.matmul %get3A_1, %get3A_4, %dot_general3A {dimension_numbers = #tpu.dot_dimension_numbers<[1], [0], [0], [1], [0, 0, 1, 1], [], []>, transpose_lhs_hint = false} : vector<10000x256xf32>, vector<256x128xf32>, vector<10000x128xf32> -> vector<10000x128xf32>
    %get3A_6 = arith.constant 0 : index
    %get3A_7 = arith.constant 0 : index
    %get3A_8 = vector.load %arg2[%get3A_6, %get3A_7] : memref<1x128xf32, #tpu.memory_space<vmem>>, vector<1x128xf32>
    %add3A = vector.broadcast %get3A_8 : vector<1x128xf32> to vector<10000x128xf32>
    %add3A_9 = arith.addf %dot_general3A_5, %add3A : vector<10000x128xf32>
    %swap3A = arith.constant 0 : index
    %swap3A_10 = arith.constant 0 : index
    %swap3A_11 = vector.load %arg3[%swap3A, %swap3A_10] : memref<10000x128xf32, #tpu.memory_space<vmem>>, vector<10000x128xf32>
    tpu.vector_store %arg3[%swap3A, %swap3A_10], %add3A_9 {strides = array<i32>} : memref<10000x128xf32, #tpu.memory_space<vmem>>, vector<10000x128xf32>,
    return
  }
}

module attributes {stable_mosaic.version = 14 : i64} {
  func.func @body(%arg0: memref<128x128xf32, #tpu.memory_space<vmem>>, %arg1: memref<128x128xf32, #tpu.memory_space<vmem>>, %arg2: memref<1x128xf32, #tpu.memory_space<vmem>>, %arg3: memref<128x128xf32, #tpu.memory_space<vmem>>) attributes {dimension_semantics = [], scalar_prefetch = 0 : i64, scratch_operands = 0 : i64, tpu.core_type = #tpu.core_type<tc>} {
    %get3A = arith.constant 0 : index
    %get3A_0 = arith.constant 0 : index
    %get3A_1 = vector.load %arg0[%get3A, %get3A_0] : memref<128x128xf32, #tpu.memory_space<vmem>>, vector<128x128xf32>
    %get3A_2 = arith.constant 0 : index
    %get3A_3 = arith.constant 0 : index
    %get3A_4 = vector.load %arg1[%get3A_2, %get3A_3] : memref<128x128xf32, #tpu.memory_space<vmem>>, vector<128x128xf32>
    %dot_general3A = arith.constant dense<0.000000e+00> : vector<128x128xf32>
    %dot_general3A_5 = tpu.matmul %get3A_1, %get3A_4, %dot_general3A {dimension_numbers = #tpu.dot_dimension_numbers<[1], [0], [0], [1], [0, 0, 1, 1], [], []>, transpose_lhs_hint = false} : vector<128x128xf32>, vector<128x128xf32>, vector<128x128xf32> -> vector<128x128xf32>
    %get3A_6 = arith.constant 0 : index
    %get3A_7 = arith.constant 0 : index
    %get3A_8 = vector.load %arg2[%get3A_6, %get3A_7] : memref<1x128xf32, #tpu.memory_space<vmem>>, vector<1x128xf32>
    %add3A = vector.broadcast %get3A_8 : vector<1x128xf32> to vector<128x128xf32>
    %add3A_9 = arith.addf %dot_general3A_5, %add3A : vector<128x128xf32>
    %swap3A = arith.constant 0 : index
    %swap3A_10 = arith.constant 0 : index
    %swap3A_11 = vector.load %arg3[%swap3A, %swap3A_10] : memref<128x128xf32, #tpu.memory_space<vmem>>, vector<128x128xf32>
    tpu.vector_store %arg3[%swap3A, %swap3A_10], %add3A_9 {strides = array<i32>} : memref<128x128xf32, #tpu.memory_space<vmem>>, vector<128x128xf32>,
    return
  }
}

module attributes {stable_mosaic.version = 14 : i64} {
  func.func @body(%arg0: memref<128x128xf32, #tpu.memory_space<vmem>>, %arg1: memref<128x10xf32, #tpu.memory_space<vmem>>, %arg2: memref<1x10xf32, #tpu.memory_space<vmem>>, %arg3: memref<128x10xf32, #tpu.memory_space<vmem>>) attributes {dimension_semantics = [], scalar_prefetch = 0 : i64, scratch_operands = 0 : i64, tpu.core_type = #tpu.core_type<tc>} {
    %get3A = arith.constant 0 : index
    %get3A_0 = arith.constant 0 : index
    %get3A_1 = vector.load %arg0[%get3A, %get3A_0] : memref<128x128xf32, #tpu.memory_space<vmem>>, vector<128x128xf32>
    %get3A_2 = arith.constant 0 : index
    %get3A_3 = arith.constant 0 : index
    %get3A_4 = vector.load %arg1[%get3A_2, %get3A_3] : memref<128x10xf32, #tpu.memory_space<vmem>>, vector<128x10xf32>
    %dot_general3A = arith.constant dense<0.000000e+00> : vector<128x10xf32>
    %dot_general3A_5 = tpu.matmul %get3A_1, %get3A_4, %dot_general3A {dimension_numbers = #tpu.dot_dimension_numbers<[1], [0], [0], [1], [0, 0, 1, 1], [], []>, transpose_lhs_hint = false} : vector<128x128xf32>, vector<128x10xf32>, vector<128x10xf32> -> vector<128x10xf32>
    %get3A_6 = arith.constant 0 : index
    %get3A_7 = arith.constant 0 : index
    %get3A_8 = vector.load %arg2[%get3A_6, %get3A_7] : memref<1x10xf32, #tpu.memory_space<vmem>>, vector<1x10xf32>
    %add3A = vector.broadcast %get3A_8 : vector<1x10xf32> to vector<128x10xf32>
    %add3A_9 = arith.addf %dot_general3A_5, %add3A : vector<128x10xf32>
    %swap3A = arith.constant 0 : index
    %swap3A_10 = arith.constant 0 : index
    %swap3A_11 = vector.load %arg3[%swap3A, %swap3A_10] : memref<128x10xf32, #tpu.memory_space<vmem>>, vector<128x10xf32>
    tpu.vector_store %arg3[%swap3A, %swap3A_10], %add3A_9 {strides = array<i32>} : memref<128x10xf32, #tpu.memory_space<vmem>>, vector<128x10xf32>,
    return
  }
}

</mosaic_0001>

<sc_bundles>
// kernel: gather_offload_async_start.1
scs
__scs_entry_jumppad:
0x0: {  	(pc) =	sbr.rel $0x88, $3  }
0x1: {  	(tag) =	ssettag $0x0;
	lr =	simm.s32 $0x1  }
0x2: {  	[smem:$0x3F7D] =	sst lr;
	_ =	strace $0xD0000000  }
0x3: {  	_ = 	snop  }
0x4: {  	_ = 	snop  }
0x5: {  	_ = 	snop  }
0x6: {  	_ = 	snop  }
0x7: {  	_ = 	snop  }
__scs_overlays_trampoline_lowered:
0x8: {  	[smem:$0x3F8C] =	sst s0  }
0x9: {  	[smem:$0x3F8D] =	sst s1  }
0xa: {  	[smem:$0x3F8E] =	sst s2  }
0xb: {  	[smem:$0x3F8F] =	sst s3  }
0xc: {  	[smem:$0x3F90] =	sst s4  }
0xd: {  	[smem:$0x3F91] =	sst s5  }
0xe: {  	[smem:$0x3F92] =	sst s6  }
0xf: {  	[smem:$0x3F93] =	sst s7  }
0x10: {  	[smem:$0x3F94] =	sst s8  }
0x11: {  	[smem:$0x3F95] =	sst s9;
	s0 =	simm.s32 @!p0 $0x0  }
0x12: {  	s1 =	sld [smem:$0x3F7B];
	s0 =	simm.s32 @p0 $0x1  }
0x13: {  	[smem:$0x3F96] =	sst s0;
	s0 =	simm.s32 @!p1 $0x0  }
0x14: {  	s2 =	sld [smem:$0x3F7A];
	s0 =	simm.s32 @p1 $0x1  }
0x15: {  	[smem:$0x3F97] =	sst s0;
	s0 =	simm.s32 @!p2 $0x0  }
0x16: {  	s3 =	sld [smem:$0x3FDB];
	s0 =	simm.s32 @p2 $0x1  }
0x17: {  	s4 =	simm.s32 $0x1BF5;
	[smem:$0x3F99] =	sst s0  }
0x18: {  	s0 =	sld [smem:$0x3F7C];
	_ =	swait.ge [sflag:s4], $0x0  }
0x19: {  	s7 =	sld [smem:$0x3F7D]  }
0x1a: {  	s8 =	sadd.s32 $0xFFFFE003, lr  }
0x1b: {  	s9 =	sadd.s32 $0xFFFFFEF7, lr;
	s5 =	simm.s32 $0xFFFFFFFF;
	p2 =	slt.u32 s8, $0xFFFFF086  }
0x1c: {  	p1 =	slt.u32 s9, $0xF7A;
	s5 =	simm.s32 @!p2 $0x0  }
0x1d: {  	s5 =	simm.s32 @p1 $0x1;
	p0 =	seq.s32 s7, s2  }
0x1e: {  	s7 =	smul.u32 @!p0 $0xF7A, s2;
	p2 =	seq.s32 @!p0 s5, $0x0  }
0x1f: {  	s9 =	smul.u32 $0xF7A, s1;
	s8 =	simm.s32 @!p0 $0x1BF5;
	p2 =	por !p2, p0  }
0x20: {  	[sflag:s8] =	ssyncset.s32 @!p0 $0xFFFFF086;
	s6 =	sadd.s32 @!p0 s3, s7;
	s7 =	simm.s32 @!p0 $0x108  }
0x21: {  	s3 =	sadd.s32 s3, s9;
	s6 =	sadd.s32 @!p0 $0x88, s6;
	s7 =	simm.s32 @p2 $0x1082  }
0x22: {  	[simem:s7], [sflag:s8] =	dma.local @!p0 [hbm:s6], $0xF7A  }
0x23: {  	s9 =	sor.u32 $0xD0000000, s2;
	s6 =	simm.s32 $0x108;
	_ =	swait.ge @!p0 [sflag:s8], $0x0  }
0x24: {  	s3 =	sadd.s32 $0x88, s3;
	s6 =	simm.s32 @!p1 $0x1082;
	[sflag:s4] =	ssyncset.s32 $0xFFFFF086  }
0x25: {  	[simem:s6], [sflag:s4] =	dma.local [hbm:s3], $0xF7A  }
0x26: {  	[smem:$0x3F7D] =	sst s1;
	(tag) =	ssettag s2;
	_ =	strace s9  }
0x27: {  	s1 =	sld [smem:$0x3F8D]  }
0x28: {  	s2 =	sld [smem:$0x3F8E]  }
0x29: {  	s4 =	sld [smem:$0x3F90]  }
0x2a: {  	p0 =	seq.s32 s5, $0x0;
	s5 =	sld [smem:$0x3F91]  }
0x2b: {  	s6 =	sld [smem:$0x3F92]  }
0x2c: {  	s7 =	sld [smem:$0x3F93]  }
0x2d: {  	s3 =	simm.s32 $0x108;
	s8 =	sld [smem:$0x3F94]  }
0x2e: {  	s3 =	simm.s32 @!p0 $0x1082;
	s9 =	sld [smem:$0x3F95]  }
0x2f: {  	lr =	sadd.s32 s0, s3;
	s0 =	sld [smem:$0x3F8C]  }
0x30: {  	s3 =	sld [smem:$0x3F8F]  }
0x31: {  	[smem:$0x3F98] =	sst s10  }
0x32: {  	s10 =	sld [smem:$0x3F96];
	_ =	sdelay $0x3  }
0x33: {  	p0 =	seq.s32 s10, $0x1;
	s10 =	sld [smem:$0x3F98];
	_ =	sdelay $0x3  }
0x34: {  	[smem:$0x3F98] =	sst s10  }
0x35: {  	s10 =	sld [smem:$0x3F97];
	_ =	sdelay $0x3  }
0x36: {  	p1 =	seq.s32 s10, $0x1;
	s10 =	sld [smem:$0x3F98];
	_ =	sdelay $0x3  }
0x37: {  	[smem:$0x3F98] =	sst s10  }
0x38: {  	s10 =	sld [smem:$0x3F99]  }
0x39: {  	_ = 	snop;
	(pc) =	sbr.ind lr, $3  }
0x3a: {  	_ = 	snop  }
0x3b: {  	_ = 	snop  }
0x3c: {  	p2 =	seq.s32 s10, $0x1;
	s10 =	sld [smem:$0x3F98]  }
0x3d: {  	_ =	shalt  }
0x3e: {  	_ =	shalt  }
0x3f: {  	_ =	shalt  }
0x40: {  	_ =	shalt  }
0x41: {  	_ =	shalt  }
0x42: {  	_ =	shalt  }
0x43: {  	_ =	shalt  }
0x44: {  	_ =	shalt  }
0x45: {  	_ =	shalt  }
0x46: {  	_ =	shalt  }
0x47: {  	_ =	shalt  }
0x48: {  	_ =	shalt  }
0x49: {  	_ =	shalt  }
0x4a: {  	_ =	shalt  }
0x4b: {  	_ =	shalt  }
0x4c: {  	_ =	shalt  }
0x4d: {  	_ =	shalt  }
0x4e: {  	_ =	shalt  }
0x4f: {  	_ =	shalt  }
0x50: {  	_ =	shalt  }
0x51: {  	_ =	shalt  }
0x52: {  	_ =	shalt  }
0x53: {  	_ =	shalt  }
0x54: {  	_ =	shalt  }
0x55: {  	_ =	shalt  }
0x56: {  	_ =	shalt  }
0x57: {  	_ =	shalt  }
0x58: {  	_ =	shalt  }
0x59: {  	_ =	shalt  }
0x5a: {  	_ =	shalt  }
0x5b: {  	_ =	shalt  }
0x5c: {  	_ =	shalt  }
0x5d: {  	_ =	shalt  }
0x5e: {  	_ =	shalt  }
0x5f: {  	_ =	shalt  }
0x60: {  	_ =	shalt  }
0x61: {  	_ =	shalt  }
0x62: {  	_ =	shalt  }
0x63: {  	_ =	shalt  }
0x64: {  	_ =	shalt  }
0x65: {  	_ =	shalt  }
0x66: {  	_ =	shalt  }
0x67: {  	_ =	shalt  }
0x68: {  	_ =	shalt  }
0x69: {  	_ =	shalt  }
0x6a: {  	_ =	shalt  }
0x6b: {  	_ =	shalt  }
0x6c: {  	_ =	shalt  }
0x6d: {  	_ =	shalt  }
0x6e: {  	_ =	shalt  }
0x6f: {  	_ =	shalt  }
0x70: {  	_ =	shalt  }
0x71: {  	_ =	shalt  }
0x72: {  	_ =	shalt  }
0x73: {  	_ =	shalt  }
0x74: {  	_ =	shalt  }
0x75: {  	_ =	shalt  }
0x76: {  	_ =	shalt  }
0x77: {  	_ =	shalt  }
0x78: {  	_ =	shalt  }
0x79: {  	_ =	shalt  }
0x7a: {  	_ =	shalt  }
0x7b: {  	_ =	shalt  }
0x7c: {  	_ =	shalt  }
0x7d: {  	_ =	shalt  }
0x7e: {  	_ =	shalt  }
0x7f: {  	_ =	shalt  }
0x80: {  	_ =	shalt  }
0x81: {  	_ =	shalt  }
0x82: {  	_ =	shalt  }
0x83: {  	_ =	shalt  }
0x84: {  	_ =	shalt  }
0x85: {  	_ =	shalt  }
0x86: {  	_ =	shalt  }
0x87: {  	_ =	shalt  }
.Lfunc_end0:
.L_simem_size_0:
called_computation.1_lowered:
.L_overlay_start_0:
0x88: {  	s2 =	sld [smem:$0x3FD9]  }
0x89: {  	s3 =	sld [smem:$0x3FFE];
	_ =	sdelay $0x1  }
0x8a: {  	s1 =	srdreg.scid  }
0x8b: {  	s0 =	sand.u32 $0x1, s1  }
0x8c: {  	s16 =	sshll.u32 s0, $0xA;
	s2 =	sadd.s32 s3, s2  }
0x8d: {  	s2 =	sadd.s32 s2, s16  }
0x8e: {  	[smem:$0x3FA4] =	sst s2  }
0x8f: {  	_ = 	snop  }
0x90: {  	(tm) =	ssettm $0x1  }
0x91: {  	s17 =	sld [smem:$0x3FFB];
	_ =	sdelay $0x3  }
0x92: {  	_ =	strace s17  }
0x93: {  	s2 =	sld [smem:$0x3FFC];
	_ =	sdelay $0x3  }
0x94: {  	_ =	strace s2  }
0x95: {  	s2 =	sld [smem:$0x3FFD];
	_ =	sdelay $0x3  }
0x96: {  	_ =	strace s2  }
0x97: {  	_ =	strace $0x8FFFFFFF  }
0x98: {  	s18 =	sld [smem:$0x3FDB];
	_ =	sdelay $0x1  }
0x99: {  	s19 =	simm.s32 $_scs_section_size  }
0x9a: {  	s4 =	simm.s32 $_size__tile_overlayer_lowered;
	s5 =	simm.s32 $_tile_overlayer_lowered  }
0x9b: {  	s22 =	simm.s32 $0x1BFF;
	s21 =	sshll.u32 s5, $0x1;
	s2 =	sadd.s32 s19, s18  }
0x9c: {  	s6 =	simm.s32 $0x0;
	s20 =	sshll.u32 s4, $0x1;
	s4 =	sadd.s32 s21, s2  }
0x9d: {  	[timem:s6], [sflag:s22] =	dma.local [hbm:s4], s20  }
0x9e: {  	_ =	swait.ge [sflag:s22], s20  }
0x9f: {  	s3 =	ssub.s32 $0x0, s20;
	[sflag:s22] =	ssyncset.done $0x0  }
0xa0: {  	[sflag:s22] =	ssyncadd.s32 s3;
	_ =	sdelay $0x1  }
0xa1: {  	s23 =	simm.s32 $0x1B8B  }
0xa2: {  	_ =	swait.ge [sflag:s23], $0x1  }
0xa3: {  	[sflag:s23] =	ssyncset.done $0x0  }
0xa4: {  	s25 =	simm.s32 $0x1B8E;
	s24 =	sld [smem:$0x3FFE];
	[sflag:s23] =	ssyncadd.s32 $0xFFFFFFFF  }
0xa5: {  	s26 =	simm.s32 $execute0_lowered;
	[smem:$0x3FD2] =	sst s25  }
0xa6: {  	s4 =	sshll.u32 s26, $0x1;
	_ =	strace $0x80000046;
	[dreg:$0x1] =	wrdreg $0xFFFFFFFF  }
0xa7: {  	s28 =	simm.s32 $_size_execute0_lowered;
	s2 =	sadd.s32 s2, s4;
	[dreg:$0x0] =	wrdreg $0x0  }
0xa8: {  	s4 =	sshll.u32 s28, $0x1;
	[dreg:$0x2] =	wrdreg s2  }
0xa9: {  	[dreg:$0x3] =	wrdreg s4  }
0xaa: {  	[dreg:$0x4] =	wrdreg $0xC0  }
0xab: {  	_ =	task [dreg:s6], $0x5FFFF  }
0xac: {  	[dreg:$0x1] =	wrdreg $0xFFFFFFFF  }
0xad: {  	[dreg:$0x0] =	wrdreg $0x60  }
0xae: {  	[dreg:$0x2] =	wrdreg s24  }
0xaf: {  	[dreg:$0x3] =	wrdreg $0x9  }
0xb0: {  	_ =	task.clear_ibuf [dreg:s6], $0x4FFFF;
	_ =	strace $0x90000046  }
0xb1: {  	s29 =	simm.s32 $0x9;
	_ =	strace $0x80000048  }
0xb2: {  	_ =	swait.ge [sflag:s29], $0x1  }
0xb3: {  	[sflag:s29] =	ssyncadd.s32 $0xFFFFFFFF  }
0xb4: {  	_ =	strace $0x90000048  }
0xb5: {  	_ =	sfence  }
0xb6: {  	s30 =	sld [smem:$0x0];
	_ =	sdelay $0x2  }
0xb7: {  	s31 =	sshll.u32 s1, $0xD;
	s1 =	sshrl.u32 s1, $0x2  }
0xb8: {  	s3 =	sand.u32 $0x4000, s31;
	s1 =	sadd.s32 s1, s30  }
0xb9: {  	s0 =	sor.u32 s3, s0;
	s1 =	sshll.u32 s1, $0x11  }
0xba: {  	s0 =	sor.u32 s1, s0  }
0xbb: {  	s0 =	sadd.s32 $0x8F2B, s0  }
0xbc: {  	[sflag:s0] =	ssyncadd.remote.s32 $0x1  }
0xbd: {  	_ =	sfence.sel $0xFFFF  }
0xbe: {  	[dreg:$0x0] =	wrdreg $0xFFFFFFFF;
	(pc) =	sbr.abs _section_cstart, $3  }
0xbf: {  	[dreg:$0x1] =	wrdreg $0xFFFFFFFF  }
0xc0: {  	_ =	task.clear_ibuf [dreg:s6], $0x2FFFF;
	_ =	strace $0x9FFFFFFF  }
0xc1: {  	(tm) =	ssettm $0x7FFFFFFF  }
tec
execute0_lowered:
.L_overlay_start_1:
0x0: {  	(tag) =	ssettag $0x1  }
0x1: {  	s8 =	rddreg [dreg:$0x0]  }
0x2: {  	s0 =	rddreg [dreg:$0x1];
	_ =	strace $0x80000047;
	s1 =	stileid.u32  }
0x3: {  	s3 =	srdreg.scid;
	s4 =	simm.s32 $0x1;
	s7 =	simm.s32 $0x1  }
0x4: {  	s9 =	simm.s32 $0x1;
	s10 =	simm.s32 $0x3;
	s13 =	simm.s32 $0x0  }
0x5: {  	s12 =	simm.s32 $0x0;
	s5 =	sand.u32 $0x1, s3;
	s6 =	sshll.u32 s1, $0x1  }
0x6: {  	s2 =	sadd.s32 $0xD200, s8;
	s3 =	sadd.s32 $0x17000, s8;
	s5 =	sor.u32 s6, s5  }
.Ltmp0:
0x7: {  	[sflag:s4] =	ssyncpa.u1 $0x0;
	p0 =	slt.u32 s5, $0x9;
	(pc) =	sbr.rel .LBB2_1-.Ltmp0, $4  }
0x8: {  	s6 =	simm.s32 $0x2;
	s7 =	simm.s32 @!p0 $0x0;
	p0 =	sne.s32 s5, $0x8  }
0x9: {  	[sflag:s6] =	ssyncpa.u1 $0x0;
	s5 =	smul.u32 $0x1F40, s5;
	s9 =	simm.s32 @!p0 $0x0  }
0xa: {  	s8 =	sadd.s32 $0x20E00, s8;
	[sflag:s10] =	ssyncpa.u1 $0x0;
	s7 =	sadd.s32 s9, s7  }
0xb: {  	vm0 =	vmmov $0xffff;
	s10 =	simm.s32 $0x0;
	s11 =	smov.u32 s5;
	s9 =	sadd.s32 $0x1, s7  }
.LBB2_4:
0xc: {  	v2 =	vnsel vm1, $0x0, v2  }
0xd: {  	vm1 =	vgt.s32 v0, $0x0;
	v2 =	vmin.u32 v2, $0x4E1FF  }
0xe: {  	v0 =	vnsel vm1, $0x0, v0  }
0xf: {  	v0 =	vmin.u32 v0, $0x4E1FF  }
0x10: {  	[tilespmem:s18], [sflag:$0x1] =	stream.indirect_vreg.gather [hbm4b:s2+s10], $0x1, v1, vm0, $0x4038;
	[tilespmem:$0x7D00] =	vst v63  }
0x11: {  	(ifvalue) =	ssetifvalue $0x7FFFFFFF  }
0x12: {  	[tilespmem:s15], [sflag:$0x1] =	stream.indirect_vreg.gather [hbm4b:s2+s10], $0x1, v2, vm0, $0x4038;
	[tilespmem:$0x7D00] =	vst v63  }
0x13: {  	s29 =	sadd.s32 $0x10, s15;
	(ifvalue) =	ssetifvalue $0x7FFFFFFF  }
0x14: {  	[tilespmem:s29], [sflag:$0x1] =	stream.indirect_vreg.gather [hbm4b:s2+s10], $0x1, v0, vm0, $0x4038;
	[tilespmem:$0x7D00] =	vst v63  }
0x15: {  	_ =	swait.ge [sflag:s4], $0x1F40  }
0x16: {  	s30 =	sshrl.u32 s13, $0x3;
	[sflag:s4] =	ssyncset.done $0x0  }
0x17: {  	s31 =	sand.u32 $0x7, s13;
	s15 =	sadd.s32 s8, s30;
	[sflag:s4] =	ssyncadd.s32 $0xFFFFE0C0  }
0x18: {  	[hbm4b:s15+s31] =	stream.linear.scatter [tilespmem:s14], [sflag:$0x3], $0x1F40, $0x38;
	[tilespmem:$0x7D00] =	vst v63  }
.LBB2_5:
0x19: {  	s15 =	sadd.s32 $0x3E800, s11  }
0x1a: {  	p1 =	sgt.s32 s15, $0x4E1FF  }
0x1b: {  	s15 =	smov.u32 @p1 s5;
	p1 =	sne.s32 s12, s9  }
.Ltmp1:
0x1c: {  	p0 =	slt.u32 s12, $0x2;
	(pc) =	sbr.rel @!p1 .LBB2_6-.Ltmp1, $4  }
0x1d: {  	s14 =	simm.s32 @!p0 $0x3  }
0x1e: {  	_ =	swait.ge @!p0 [sflag:s14], $0x1F40  }
0x1f: {  	s16 =	sadd.s32 $0x1, s12;
	s13 =	smov.u32 s11;
	[sflag:s14] =	ssyncset.done @!p0 $0x0  }
0x20: {  	s12 =	smov.u32 s16;
	s11 =	smov.u32 s15;
	[sflag:s14] =	ssyncadd.s32 @!p0 $0xFFFFE0C0  }
.LBB2_1:
0x21: {  	p0 =	sge.u32 s12, s7  }
0x22: {  	s14 =	sxor.u32 @!p0 $0x1, s12  }
0x23: {  	s14 =	smul.u32 @!p0 $0x7D00, s14  }
0x24: {  	s31 =	sadd.s32 $0xFFFFFFFF, s12;
	s15 =	sshrl.u32 @!p0 s11, $0x3  }
0x25: {  	s16 =	sand.u32 @!p0 $0x7, s11;
	s15 =	sadd.s32 @!p0 s3, s15;
	s14 =	sshra.s32 @!p0 s14, $0x2  }
0x26: {  	[tilespmem:s14], [sflag:$0x2] =	stream.linear.gather @!p0 [hbm4b:s15+s16], $0x1F40, $0x38;
	[tilespmem:$0x7D00] =	vst v63  }
0x27: {  	p0 =	sge.u32 s31, s7  }
.Ltmp2:
0x28: {  	_ = 	snop;
	(pc) =	sbr.rel @p0 .LBB2_5-.Ltmp2, $1  }
0x29: {  	_ =	sdelay $0x3  }
0x2a: {  	s14 =	sand.u32 $0x1, s12  }
0x2b: {  	_ =	swait.ge [sflag:s6], $0x1F40;
	p0 =	seq.s32 s14, $0x1;
	s14 =	simm.s32 $0x1F40  }
0x2c: {  	[sflag:s6] =	ssyncset.done $0x0;
	s14 =	simm.s32 @!p0 $0x0  }
0x2d: {  	[sflag:s6] =	ssyncadd.s32 $0xFFFFE0C0;
	(ifvalue) =	ssetifvalue $0x7FFFFFFF;
	v0 =	vld.msk [tilespmem:s14+$0x0 ss:$0x1], $0xffff;
	_ =	sdelay $0x4  }
0x2e: {  	s15 =	sadd.s32 $0x10, s14;
	vm1 =	vgt.s32 v0, $0x0  }
0x2f: {  	v2 =	vld.msk [tilespmem:s15+$0x0 ss:$0x1], $0xffff;
	v1 =	vnsel vm1, $0x0, v0  }
0x30: {  	v1 =	vmin.u32 v1, $0x4E1FF;
	_ =	sdelay $0x2  }
0x31: {  	s17 =	simm.s32 $0x20;
	s14 =	sadd.s32 $0x3E80, s14;
	s16 =	sadd.s32 $0x10, s15  }
0x32: {  	s15 =	sadd.s32 $0x10, s14;
	s18 =	smov.u32 s14;
	v0 =	vld.msk [tilespmem:s16+$0x0 ss:$0x1], $0xffff;
	vm1 =	vgt.s32 v2, $0x0;
	(ifvalue) =	ssetifvalue $0x7FFFFFFF  }
.LBB2_3:
0x33: {  	[tilespmem:s18], [sflag:$0x1] =	stream.indirect_vreg.gather [hbm4b:s2+s10], $0x1, v1, vm0, $0x4038;
	[tilespmem:$0x7D00] =	vst v63  }
0x34: {  	s17 =	sadd.s32 $0x10, s17  }
0x35: {  	v2 =	vnsel vm1, $0x0, v2;
	p0 =	slt.u32 s17, $0x1F30  }
.Ltmp3:
0x36: {  	s18 =	smov.u32 s15;
	v1 =	vmin.u32 v2, $0x4E1FF;
	(pc) =	sbr.rel @p0 .LBB2_3-.Ltmp3, $3  }
0x37: {  	_ =	sdelay $0x1  }
0x38: {  	s16 =	sadd.s32 $0x10, s16  }
0x39: {  	vm1 =	vgt.s32 v0, $0x0;
	s15 =	sadd.s32 $0x10, s15;
	v2 =	vmov v0;
	(ifvalue) =	ssetifvalue $0x7FFFFFFF;
	v0 =	vld.msk [tilespmem:s16+$0x0 ss:$0x1], $0xffff  }
.Ltmp4:
0x3a: {  	_ = 	snop;
	(pc) =	sbr.rel .LBB2_4-.Ltmp4, $1  }
0x3b: {  	_ =	sdelay $0x3  }
.LBB2_6:
0x3c: {  	_ =	sfence.sel $0x180000  }
0x3d: {  	s2 =	simm.s32 $0x2;
	[bflag:$0x0] =	sbarrier.arrive $0xFFFF  }
0x3e: {  	s30 =	simm.s32 $0x3;
	[sflag:s2] =	ssyncpa.u1 $0x1  }
0x3f: {  	s31 =	simm.s32 $0x1;
	[sflag:s30] =	ssyncpa.u1 $0x1  }
0x40: {  	[sflag:s31] =	ssyncpa.u1 $0x1  }
0x41: {  	p0 =	sne.s32 s1, $0x0;
	_ =	strace $0x90000047  }
0x42: {  	s0 =	sadd.s32 @!p0 $0x100000, s0;
	[bflag:$0x2] =	sbarrier.arrive $0xFFFF  }
0x43: {  	[sflag:s0] =	ssyncadd.tile.s32 @!p0 $0x1;
	_ =	shalt  }
.Lfunc_end2:
_tile_overlayer_lowered:
.L_overlay_start_2:
0x44: {  	(tag) =	ssettag $0x2  }
0x45: {  	s0 =	rddreg [dreg:$0x0];
	s2 =	stileid.u32  }
0x46: {  	s1 =	rddreg [dreg:$0x1];
	p0 =	sne.s32 s2, $0x0  }
0x47: {  	s3 =	rddreg [dreg:$0x2];
	[bflag:$0x3] =	sbarrier.arrive $0xFFFF;
	s2 =	simm.s32 @!p0 $0x1C01  }
0x48: {  	[timem:s3], [sflag:s2] =	dma.local @!p0 [hbm:s0], s1  }
0x49: {  	s0 =	simm.s32 @!p0 $0x1  }
0x4a: {  	_ =	swait.ge @!p0 [sflag:s0], s1  }
0x4b: {  	s1 =	ssub.s32 @!p0 $0x0, s1;
	[sflag:s0] =	ssyncset.done @!p0 $0x0  }
0x4c: {  	[sflag:s0] =	ssyncadd.s32 @!p0 s1  }
0x4d: {  	[bflag:$0x3] =	sbarrier.arrive $0xFFFF  }
0x4e: {  	_ =	shalt  }

// kernel: gather_offload_async_start.2
scs
__scs_entry_jumppad:
0x0: {  	(pc) =	sbr.rel $0x88, $3  }
0x1: {  	(tag) =	ssettag $0x0;
	lr =	simm.s32 $0x1  }
0x2: {  	[smem:$0x3F7D] =	sst lr;
	_ =	strace $0xD0000000  }
0x3: {  	_ = 	snop  }
0x4: {  	_ = 	snop  }
0x5: {  	_ = 	snop  }
0x6: {  	_ = 	snop  }
0x7: {  	_ = 	snop  }
__scs_overlays_trampoline_lowered:
0x8: {  	[smem:$0x3F8C] =	sst s0  }
0x9: {  	[smem:$0x3F8D] =	sst s1  }
0xa: {  	[smem:$0x3F8E] =	sst s2  }
0xb: {  	[smem:$0x3F8F] =	sst s3  }
0xc: {  	[smem:$0x3F90] =	sst s4  }
0xd: {  	[smem:$0x3F91] =	sst s5  }
0xe: {  	[smem:$0x3F92] =	sst s6  }
0xf: {  	[smem:$0x3F93] =	sst s7  }
0x10: {  	[smem:$0x3F94] =	sst s8  }
0x11: {  	[smem:$0x3F95] =	sst s9;
	s0 =	simm.s32 @!p0 $0x0  }
0x12: {  	s1 =	sld [smem:$0x3F7B];
	s0 =	simm.s32 @p0 $0x1  }
0x13: {  	[smem:$0x3F96] =	sst s0;
	s0 =	simm.s32 @!p1 $0x0  }
0x14: {  	s2 =	sld [smem:$0x3F7A];
	s0 =	simm.s32 @p1 $0x1  }
0x15: {  	[smem:$0x3F97] =	sst s0;
	s0 =	simm.s32 @!p2 $0x0  }
0x16: {  	s3 =	sld [smem:$0x3FDB];
	s0 =	simm.s32 @p2 $0x1  }
0x17: {  	s4 =	simm.s32 $0x1BF5;
	[smem:$0x3F99] =	sst s0  }
0x18: {  	s0 =	sld [smem:$0x3F7C];
	_ =	swait.ge [sflag:s4], $0x0  }
0x19: {  	s7 =	sld [smem:$0x3F7D]  }
0x1a: {  	s8 =	sadd.s32 $0xFFFFE003, lr  }
0x1b: {  	s9 =	sadd.s32 $0xFFFFFEF7, lr;
	s5 =	simm.s32 $0xFFFFFFFF;
	p2 =	slt.u32 s8, $0xFFFFF086  }
0x1c: {  	p1 =	slt.u32 s9, $0xF7A;
	s5 =	simm.s32 @!p2 $0x0  }
0x1d: {  	s5 =	simm.s32 @p1 $0x1;
	p0 =	seq.s32 s7, s2  }
0x1e: {  	s7 =	smul.u32 @!p0 $0xF7A, s2;
	p2 =	seq.s32 @!p0 s5, $0x0  }
0x1f: {  	s9 =	smul.u32 $0xF7A, s1;
	s8 =	simm.s32 @!p0 $0x1BF5;
	p2 =	por !p2, p0  }
0x20: {  	[sflag:s8] =	ssyncset.s32 @!p0 $0xFFFFF086;
	s6 =	sadd.s32 @!p0 s3, s7;
	s7 =	simm.s32 @!p0 $0x108  }
0x21: {  	s3 =	sadd.s32 s3, s9;
	s6 =	sadd.s32 @!p0 $0x88, s6;
	s7 =	simm.s32 @p2 $0x1082  }
0x22: {  	[simem:s7], [sflag:s8] =	dma.local @!p0 [hbm:s6], $0xF7A  }
0x23: {  	s9 =	sor.u32 $0xD0000000, s2;
	s6 =	simm.s32 $0x108;
	_ =	swait.ge @!p0 [sflag:s8], $0x0  }
0x24: {  	s3 =	sadd.s32 $0x88, s3;
	s6 =	simm.s32 @!p1 $0x1082;
	[sflag:s4] =	ssyncset.s32 $0xFFFFF086  }
0x25: {  	[simem:s6], [sflag:s4] =	dma.local [hbm:s3], $0xF7A  }
0x26: {  	[smem:$0x3F7D] =	sst s1;
	(tag) =	ssettag s2;
	_ =	strace s9  }
0x27: {  	s1 =	sld [smem:$0x3F8D]  }
0x28: {  	s2 =	sld [smem:$0x3F8E]  }
0x29: {  	s4 =	sld [smem:$0x3F90]  }
0x2a: {  	p0 =	seq.s32 s5, $0x0;
	s5 =	sld [smem:$0x3F91]  }
0x2b: {  	s6 =	sld [smem:$0x3F92]  }
0x2c: {  	s7 =	sld [smem:$0x3F93]  }
0x2d: {  	s3 =	simm.s32 $0x108;
	s8 =	sld [smem:$0x3F94]  }
0x2e: {  	s3 =	simm.s32 @!p0 $0x1082;
	s9 =	sld [smem:$0x3F95]  }
0x2f: {  	lr =	sadd.s32 s0, s3;
	s0 =	sld [smem:$0x3F8C]  }
0x30: {  	s3 =	sld [smem:$0x3F8F]  }
0x31: {  	[smem:$0x3F98] =	sst s10  }
0x32: {  	s10 =	sld [smem:$0x3F96];
	_ =	sdelay $0x3  }
0x33: {  	p0 =	seq.s32 s10, $0x1;
	s10 =	sld [smem:$0x3F98];
	_ =	sdelay $0x3  }
0x34: {  	[smem:$0x3F98] =	sst s10  }
0x35: {  	s10 =	sld [smem:$0x3F97];
	_ =	sdelay $0x3  }
0x36: {  	p1 =	seq.s32 s10, $0x1;
	s10 =	sld [smem:$0x3F98];
	_ =	sdelay $0x3  }
0x37: {  	[smem:$0x3F98] =	sst s10  }
0x38: {  	s10 =	sld [smem:$0x3F99]  }
0x39: {  	_ = 	snop;
	(pc) =	sbr.ind lr, $3  }
0x3a: {  	_ = 	snop  }
0x3b: {  	_ = 	snop  }
0x3c: {  	p2 =	seq.s32 s10, $0x1;
	s10 =	sld [smem:$0x3F98]  }
0x3d: {  	_ =	shalt  }
0x3e: {  	_ =	shalt  }
0x3f: {  	_ =	shalt  }
0x40: {  	_ =	shalt  }
0x41: {  	_ =	shalt  }
0x42: {  	_ =	shalt  }
0x43: {  	_ =	shalt  }
0x44: {  	_ =	shalt  }
0x45: {  	_ =	shalt  }
0x46: {  	_ =	shalt  }
0x47: {  	_ =	shalt  }
0x48: {  	_ =	shalt  }
0x49: {  	_ =	shalt  }
0x4a: {  	_ =	shalt  }
0x4b: {  	_ =	shalt  }
0x4c: {  	_ =	shalt  }
0x4d: {  	_ =	shalt  }
0x4e: {  	_ =	shalt  }
0x4f: {  	_ =	shalt  }
0x50: {  	_ =	shalt  }
0x51: {  	_ =	shalt  }
0x52: {  	_ =	shalt  }
0x53: {  	_ =	shalt  }
0x54: {  	_ =	shalt  }
0x55: {  	_ =	shalt  }
0x56: {  	_ =	shalt  }
0x57: {  	_ =	shalt  }
0x58: {  	_ =	shalt  }
0x59: {  	_ =	shalt  }
0x5a: {  	_ =	shalt  }
0x5b: {  	_ =	shalt  }
0x5c: {  	_ =	shalt  }
0x5d: {  	_ =	shalt  }
0x5e: {  	_ =	shalt  }
0x5f: {  	_ =	shalt  }
0x60: {  	_ =	shalt  }
0x61: {  	_ =	shalt  }
0x62: {  	_ =	shalt  }
0x63: {  	_ =	shalt  }
0x64: {  	_ =	shalt  }
0x65: {  	_ =	shalt  }
0x66: {  	_ =	shalt  }
0x67: {  	_ =	shalt  }
0x68: {  	_ =	shalt  }
0x69: {  	_ =	shalt  }
0x6a: {  	_ =	shalt  }
0x6b: {  	_ =	shalt  }
0x6c: {  	_ =	shalt  }
0x6d: {  	_ =	shalt  }
0x6e: {  	_ =	shalt  }
0x6f: {  	_ =	shalt  }
0x70: {  	_ =	shalt  }
0x71: {  	_ =	shalt  }
0x72: {  	_ =	shalt  }
0x73: {  	_ =	shalt  }
0x74: {  	_ =	shalt  }
0x75: {  	_ =	shalt  }
0x76: {  	_ =	shalt  }
0x77: {  	_ =	shalt  }
0x78: {  	_ =	shalt  }
0x79: {  	_ =	shalt  }
0x7a: {  	_ =	shalt  }
0x7b: {  	_ =	shalt  }
0x7c: {  	_ =	shalt  }
0x7d: {  	_ =	shalt  }
0x7e: {  	_ =	shalt  }
0x7f: {  	_ =	shalt  }
0x80: {  	_ =	shalt  }
0x81: {  	_ =	shalt  }
0x82: {  	_ =	shalt  }
0x83: {  	_ =	shalt  }
0x84: {  	_ =	shalt  }
0x85: {  	_ =	shalt  }
0x86: {  	_ =	shalt  }
0x87: {  	_ =	shalt  }
.Lfunc_end0:
.L_simem_size_0:
called_computation.2_lowered:
.L_overlay_start_0:
0x88: {  	s2 =	sld [smem:$0x3FD9]  }
0x89: {  	s3 =	sld [smem:$0x3FFE];
	_ =	sdelay $0x1  }
0x8a: {  	s1 =	srdreg.scid  }
0x8b: {  	s0 =	sand.u32 $0x1, s1  }
0x8c: {  	s16 =	sshll.u32 s0, $0xA;
	s2 =	sadd.s32 s3, s2  }
0x8d: {  	s2 =	sadd.s32 s2, s16  }
0x8e: {  	[smem:$0x3FA4] =	sst s2  }
0x8f: {  	_ = 	snop  }
0x90: {  	(tm) =	ssettm $0x1  }
0x91: {  	s17 =	sld [smem:$0x3FFB];
	_ =	sdelay $0x3  }
0x92: {  	_ =	strace s17  }
0x93: {  	s2 =	sld [smem:$0x3FFC];
	_ =	sdelay $0x3  }
0x94: {  	_ =	strace s2  }
0x95: {  	s2 =	sld [smem:$0x3FFD];
	_ =	sdelay $0x3  }
0x96: {  	_ =	strace s2  }
0x97: {  	_ =	strace $0x8FFFFFFF  }
0x98: {  	s18 =	sld [smem:$0x3FDB];
	_ =	sdelay $0x1  }
0x99: {  	s19 =	simm.s32 $_scs_section_size  }
0x9a: {  	s4 =	simm.s32 $_size__tile_overlayer_lowered;
	s5 =	simm.s32 $_tile_overlayer_lowered  }
0x9b: {  	s22 =	simm.s32 $0x1BFF;
	s21 =	sshll.u32 s5, $0x1;
	s2 =	sadd.s32 s19, s18  }
0x9c: {  	s6 =	simm.s32 $0x0;
	s20 =	sshll.u32 s4, $0x1;
	s4 =	sadd.s32 s21, s2  }
0x9d: {  	[timem:s6], [sflag:s22] =	dma.local [hbm:s4], s20  }
0x9e: {  	_ =	swait.ge [sflag:s22], s20  }
0x9f: {  	s3 =	ssub.s32 $0x0, s20;
	[sflag:s22] =	ssyncset.done $0x0  }
0xa0: {  	[sflag:s22] =	ssyncadd.s32 s3;
	_ =	sdelay $0x1  }
0xa1: {  	s23 =	simm.s32 $0x1B8B  }
0xa2: {  	_ =	swait.ge [sflag:s23], $0x1  }
0xa3: {  	[sflag:s23] =	ssyncset.done $0x0  }
0xa4: {  	s25 =	simm.s32 $0x1B8E;
	s24 =	sld [smem:$0x3FFE];
	[sflag:s23] =	ssyncadd.s32 $0xFFFFFFFF  }
0xa5: {  	s26 =	simm.s32 $execute0_lowered;
	[smem:$0x3FD2] =	sst s25  }
0xa6: {  	s4 =	sshll.u32 s26, $0x1;
	_ =	strace $0x8000004C;
	[dreg:$0x1] =	wrdreg $0xFFFFFFFF  }
0xa7: {  	s28 =	simm.s32 $_size_execute0_lowered;
	s2 =	sadd.s32 s2, s4;
	[dreg:$0x0] =	wrdreg $0x0  }
0xa8: {  	s4 =	sshll.u32 s28, $0x1;
	[dreg:$0x2] =	wrdreg s2  }
0xa9: {  	[dreg:$0x3] =	wrdreg s4  }
0xaa: {  	[dreg:$0x4] =	wrdreg $0xC0  }
0xab: {  	_ =	task [dreg:s6], $0x5FFFF  }
0xac: {  	[dreg:$0x1] =	wrdreg $0xFFFFFFFF  }
0xad: {  	[dreg:$0x0] =	wrdreg $0x60  }
0xae: {  	[dreg:$0x2] =	wrdreg s24  }
0xaf: {  	[dreg:$0x3] =	wrdreg $0x9  }
0xb0: {  	_ =	task.clear_ibuf [dreg:s6], $0x4FFFF;
	_ =	strace $0x9000004C  }
0xb1: {  	s29 =	simm.s32 $0x9;
	_ =	strace $0x8000004E  }
0xb2: {  	_ =	swait.ge [sflag:s29], $0x1  }
0xb3: {  	[sflag:s29] =	ssyncadd.s32 $0xFFFFFFFF  }
0xb4: {  	_ =	strace $0x9000004E  }
0xb5: {  	_ =	sfence  }
0xb6: {  	s30 =	sld [smem:$0x0];
	_ =	sdelay $0x2  }
0xb7: {  	s31 =	sshll.u32 s1, $0xD;
	s1 =	sshrl.u32 s1, $0x2  }
0xb8: {  	s3 =	sand.u32 $0x4000, s31;
	s1 =	sadd.s32 s1, s30  }
0xb9: {  	s0 =	sor.u32 s3, s0;
	s1 =	sshll.u32 s1, $0x11  }
0xba: {  	s0 =	sor.u32 s1, s0  }
0xbb: {  	s0 =	sadd.s32 $0x8F2B, s0  }
0xbc: {  	[sflag:s0] =	ssyncadd.remote.s32 $0x1  }
0xbd: {  	_ =	sfence.sel $0xFFFF  }
0xbe: {  	[dreg:$0x0] =	wrdreg $0xFFFFFFFF;
	(pc) =	sbr.abs _section_cstart, $3  }
0xbf: {  	[dreg:$0x1] =	wrdreg $0xFFFFFFFF  }
0xc0: {  	_ =	task.clear_ibuf [dreg:s6], $0x2FFFF;
	_ =	strace $0x9FFFFFFF  }
0xc1: {  	(tm) =	ssettm $0x7FFFFFFF  }
tec
execute0_lowered:
.L_overlay_start_1:
0x0: {  	(tag) =	ssettag $0x1  }
0x1: {  	s0 =	srdreg.scid;
	s5 =	rddreg [dreg:$0x0]  }
0x2: {  	s1 =	stileid.u32;
	s6 =	simm.s32 $0x1;
	s9 =	simm.s32 $0x1  }
0x3: {  	s10 =	simm.s32 $0x3;
	s13 =	simm.s32 $0x0;
	s2 =	sshll.u32 s0, $0xD  }
0x4: {  	s12 =	simm.s32 $0x0;
	s3 =	sshll.u32 s1, $0xE;
	s2 =	sand.u32 $0x2000, s2  }
0x5: {  	s0 =	rddreg [dreg:$0x1];
	_ =	strace $0x8000004D;
	s2 =	sor.u32 s3, s2  }
0x6: {  	s4 =	sadd.s32 $0x20E00, s5;
	[sflag:s6] =	ssyncpa.u1 $0x0;
	s8 =	ssub.s32 $0x54000, s2  }
.Ltmp0:
0x7: {  	s3 =	sadd.s32 $0xD200, s5;
	s7 =	sand.u32 $0x3E000, s8;
	(pc) =	sbr.rel .LBB2_1-.Ltmp0, $4  }
0x8: {  	s5 =	sadd.s32 $0x2B800, s5;
	s11 =	smov.u32 s2;
	p0 =	sne.s32 s7, $0x0  }
0x9: {  	s8 =	sshrl.u32 s8, $0x12;
	s7 =	simm.s32 $0x2;
	s9 =	simm.s32 @!p0 $0x0  }
0xa: {  	[sflag:s7] =	ssyncpa.u1 $0x0;
	p0 =	por $0x0, $0x0;
	s8 =	sadd.s32 s9, s8  }
0xb: {  	vm0 =	vmmov $0xffff;
	[sflag:s10] =	ssyncpa.u1 $0x0;
	s10 =	simm.s32 $0x0;
	s9 =	sadd.s32 $0x1, s8  }
.LBB2_4:
0xc: {  	v2 =	vnsel vm1, $0x0, v2  }
0xd: {  	vm1 =	vgt.s32 v0, $0x0;
	v2 =	vmin.u32 v2, $0x4E1FF  }
0xe: {  	v0 =	vnsel vm1, $0x0, v0  }
0xf: {  	v0 =	vmin.u32 v0, $0x4E1FF  }
0x10: {  	[tilespmem:s15], [sflag:$0x1] =	stream.indirect_vreg.gather [hbm4b:s3+s10], $0x1, v1, vm0, $0x4038;
	[tilespmem:$0x8000] =	vst v63  }
0x11: {  	(ifvalue) =	ssetifvalue $0x7FFFFFFF  }
0x12: {  	[tilespmem:s16], [sflag:$0x1] =	stream.indirect_vreg.gather [hbm4b:s3+s10], $0x1, v2, vm0, $0x4038;
	[tilespmem:$0x8000] =	vst v63  }
0x13: {  	s29 =	sadd.s32 $0x10, s16;
	(ifvalue) =	ssetifvalue $0x7FFFFFFF  }
0x14: {  	[tilespmem:s29], [sflag:$0x1] =	stream.indirect_vreg.gather [hbm4b:s3+s10], $0x1, v0, vm0, $0x4038;
	[tilespmem:$0x8000] =	vst v63  }
0x15: {  	_ =	swait.ge [sflag:s6], $0x2000  }
0x16: {  	s30 =	sshrl.u32 s13, $0x3;
	[sflag:s6] =	ssyncset.done $0x0  }
0x17: {  	s31 =	sand.u32 $0x7, s13;
	s15 =	sadd.s32 s5, s30;
	[sflag:s6] =	ssyncadd.s32 $0xFFFFE000  }
0x18: {  	[hbm4b:s15+s31] =	stream.linear.scatter [tilespmem:s14], [sflag:$0x3], $0x2000, $0x38;
	[tilespmem:$0x8000] =	vst v63  }
.LBB2_5:
0x19: {  	s15 =	sadd.s32 $0x40000, s11  }
0x1a: {  	p2 =	sgt.s32 s15, $0x53FFF  }
0x1b: {  	s15 =	smov.u32 @p2 s2;
	p2 =	sne.s32 s12, s9  }
.Ltmp1:
0x1c: {  	p1 =	slt.u32 s12, $0x2;
	(pc) =	sbr.rel @!p2 .LBB2_6-.Ltmp1, $4  }
0x1d: {  	s14 =	simm.s32 @!p1 $0x3  }
0x1e: {  	s16 =	sadd.s32 $0x1, s12;
	_ =	swait.ge @!p1 [sflag:s14], $0x2000  }
0x1f: {  	s13 =	smov.u32 s11;
	p0 =	por !p0, !p0;
	[sflag:s14] =	ssyncset.done @!p1 $0x0  }
0x20: {  	s12 =	smov.u32 s16;
	s11 =	smov.u32 s15;
	[sflag:s14] =	ssyncadd.s32 @!p1 $0xFFFFE000  }
.LBB2_1:
0x21: {  	p1 =	sge.u32 s12, s8  }
0x22: {  	s14 =	sxor.u32 @!p1 $0xFFFFFFFF, s12  }
0x23: {  	s31 =	sadd.s32 $0xFFFFFFFF, s12;
	s15 =	sshrl.u32 @!p1 s11, $0x3;
	s14 =	sshll.u32 @!p1 s14, $0xD  }
0x24: {  	s16 =	sand.u32 @!p1 $0x7, s11;
	s15 =	sadd.s32 @!p1 s4, s15;
	s14 =	sand.u32 @!p1 $0x2000, s14  }
0x25: {  	[tilespmem:s14], [sflag:$0x2] =	stream.linear.gather @!p1 [hbm4b:s15+s16], $0x2000, $0x38;
	[tilespmem:$0x8000] =	vst v63  }
0x26: {  	p1 =	sge.u32 s31, s8  }
.Ltmp2:
0x27: {  	_ = 	snop;
	(pc) =	sbr.rel @p1 .LBB2_5-.Ltmp2, $1  }
0x28: {  	_ =	sdelay $0x3  }
0x29: {  	s14 =	simm.s32 $0x1  }
0x2a: {  	_ =	swait.ge [sflag:s7], $0x2000;
	s14 =	simm.s32 @!p0 $0x0  }
0x2b: {  	[sflag:s7] =	ssyncset.done $0x0;
	s14 =	sshll.u32 s14, $0xD  }
0x2c: {  	[sflag:s7] =	ssyncadd.s32 $0xFFFFE000;
	(ifvalue) =	ssetifvalue $0x7FFFFFFF;
	v0 =	vld.msk [tilespmem:s14+$0x0 ss:$0x1], $0xffff;
	_ =	sdelay $0x4  }
0x2d: {  	s15 =	sadd.s32 $0x10, s14;
	vm1 =	vgt.s32 v0, $0x0  }
0x2e: {  	v2 =	vld.msk [tilespmem:s15+$0x0 ss:$0x1], $0xffff;
	v1 =	vnsel vm1, $0x0, v0  }
0x2f: {  	v1 =	vmin.u32 v1, $0x4E1FF;
	_ =	sdelay $0x1  }
0x30: {  	s16 =	sshll.u32 s12, $0xD;
	s18 =	simm.s32 $0x20  }
0x31: {  	s16 =	sand.u32 $0x2000, s16;
	s17 =	sadd.s32 $0x10, s15;
	s15 =	sor.u32 $0x4000, s14  }
0x32: {  	s14 =	sor.u32 $0x4000, s16;
	s16 =	sadd.s32 $0x10, s15;
	v0 =	vld.msk [tilespmem:s17+$0x0 ss:$0x1], $0xffff;
	vm1 =	vgt.s32 v2, $0x0;
	(ifvalue) =	ssetifvalue $0x7FFFFFFF  }
.LBB2_3:
0x33: {  	[tilespmem:s15], [sflag:$0x1] =	stream.indirect_vreg.gather [hbm4b:s3+s10], $0x1, v1, vm0, $0x4038;
	[tilespmem:$0x8000] =	vst v63  }
0x34: {  	s18 =	sadd.s32 $0x10, s18  }
0x35: {  	v2 =	vnsel vm1, $0x0, v2;
	p1 =	slt.u32 s18, $0x1FF0  }
.Ltmp3:
0x36: {  	s15 =	smov.u32 s16;
	v1 =	vmin.u32 v2, $0x4E1FF;
	(pc) =	sbr.rel @p1 .LBB2_3-.Ltmp3, $3  }
0x37: {  	_ =	sdelay $0x1  }
0x38: {  	s17 =	sadd.s32 $0x10, s17  }
0x39: {  	vm1 =	vgt.s32 v0, $0x0;
	s16 =	sadd.s32 $0x10, s16;
	v2 =	vmov v0;
	(ifvalue) =	ssetifvalue $0x7FFFFFFF;
	v0 =	vld.msk [tilespmem:s17+$0x0 ss:$0x1], $0xffff  }
.Ltmp4:
0x3a: {  	_ = 	snop;
	(pc) =	sbr.rel .LBB2_4-.Ltmp4, $1  }
0x3b: {  	_ =	sdelay $0x3  }
.LBB2_6:
0x3c: {  	_ =	sfence.sel $0x180000  }
0x3d: {  	s2 =	simm.s32 $0x2;
	[bflag:$0x0] =	sbarrier.arrive $0xFFFF  }
0x3e: {  	s30 =	simm.s32 $0x3;
	[sflag:s2] =	ssyncpa.u1 $0x1  }
0x3f: {  	s31 =	simm.s32 $0x1;
	[sflag:s30] =	ssyncpa.u1 $0x1  }
0x40: {  	[sflag:s31] =	ssyncpa.u1 $0x1  }
0x41: {  	p0 =	sne.s32 s1, $0x0;
	_ =	strace $0x9000004D  }
0x42: {  	s0 =	sadd.s32 @!p0 $0x100000, s0;
	[bflag:$0x2] =	sbarrier.arrive $0xFFFF  }
0x43: {  	[sflag:s0] =	ssyncadd.tile.s32 @!p0 $0x1;
	_ =	shalt  }
.Lfunc_end2:
_tile_overlayer_lowered:
.L_overlay_start_2:
0x44: {  	(tag) =	ssettag $0x2  }
0x45: {  	s0 =	rddreg [dreg:$0x0];
	s2 =	stileid.u32  }
0x46: {  	s1 =	rddreg [dreg:$0x1];
	p0 =	sne.s32 s2, $0x0  }
0x47: {  	s3 =	rddreg [dreg:$0x2];
	[bflag:$0x3] =	sbarrier.arrive $0xFFFF;
	s2 =	simm.s32 @!p0 $0x1C01  }
0x48: {  	[timem:s3], [sflag:s2] =	dma.local @!p0 [hbm:s0], s1  }
0x49: {  	s0 =	simm.s32 @!p0 $0x1  }
0x4a: {  	_ =	swait.ge @!p0 [sflag:s0], s1  }
0x4b: {  	s1 =	ssub.s32 @!p0 $0x0, s1;
	[sflag:s0] =	ssyncset.done @!p0 $0x0  }
0x4c: {  	[sflag:s0] =	ssyncadd.s32 @!p0 s1  }
0x4d: {  	[bflag:$0x3] =	sbarrier.arrive $0xFFFF  }
0x4e: {  	_ =	shalt  }

// kernel: gather_offload_async_start.3
scs
__scs_entry_jumppad:
0x0: {  	(pc) =	sbr.rel $0x88, $3  }
0x1: {  	(tag) =	ssettag $0x0;
	lr =	simm.s32 $0x1  }
0x2: {  	[smem:$0x3F7D] =	sst lr;
	_ =	strace $0xD0000000  }
0x3: {  	_ = 	snop  }
0x4: {  	_ = 	snop  }
0x5: {  	_ = 	snop  }
0x6: {  	_ = 	snop  }
0x7: {  	_ = 	snop  }
__scs_overlays_trampoline_lowered:
0x8: {  	[smem:$0x3F8C] =	sst s0  }
0x9: {  	[smem:$0x3F8D] =	sst s1  }
0xa: {  	[smem:$0x3F8E] =	sst s2  }
0xb: {  	[smem:$0x3F8F] =	sst s3  }
0xc: {  	[smem:$0x3F90] =	sst s4  }
0xd: {  	[smem:$0x3F91] =	sst s5  }
0xe: {  	[smem:$0x3F92] =	sst s6  }
0xf: {  	[smem:$0x3F93] =	sst s7  }
0x10: {  	[smem:$0x3F94] =	sst s8  }
0x11: {  	[smem:$0x3F95] =	sst s9;
	s0 =	simm.s32 @!p0 $0x0  }
0x12: {  	s1 =	sld [smem:$0x3F7B];
	s0 =	simm.s32 @p0 $0x1  }
0x13: {  	[smem:$0x3F96] =	sst s0;
	s0 =	simm.s32 @!p1 $0x0  }
0x14: {  	s2 =	sld [smem:$0x3F7A];
	s0 =	simm.s32 @p1 $0x1  }
0x15: {  	[smem:$0x3F97] =	sst s0;
	s0 =	simm.s32 @!p2 $0x0  }
0x16: {  	s3 =	sld [smem:$0x3FDB];
	s0 =	simm.s32 @p2 $0x1  }
0x17: {  	s4 =	simm.s32 $0x1BF5;
	[smem:$0x3F99] =	sst s0  }
0x18: {  	s0 =	sld [smem:$0x3F7C];
	_ =	swait.ge [sflag:s4], $0x0  }
0x19: {  	s7 =	sld [smem:$0x3F7D]  }
0x1a: {  	s8 =	sadd.s32 $0xFFFFE003, lr  }
0x1b: {  	s9 =	sadd.s32 $0xFFFFFEF7, lr;
	s5 =	simm.s32 $0xFFFFFFFF;
	p2 =	slt.u32 s8, $0xFFFFF086  }
0x1c: {  	p1 =	slt.u32 s9, $0xF7A;
	s5 =	simm.s32 @!p2 $0x0  }
0x1d: {  	s5 =	simm.s32 @p1 $0x1;
	p0 =	seq.s32 s7, s2  }
0x1e: {  	s7 =	smul.u32 @!p0 $0xF7A, s2;
	p2 =	seq.s32 @!p0 s5, $0x0  }
0x1f: {  	s9 =	smul.u32 $0xF7A, s1;
	s8 =	simm.s32 @!p0 $0x1BF5;
	p2 =	por !p2, p0  }
0x20: {  	[sflag:s8] =	ssyncset.s32 @!p0 $0xFFFFF086;
	s6 =	sadd.s32 @!p0 s3, s7;
	s7 =	simm.s32 @!p0 $0x108  }
0x21: {  	s3 =	sadd.s32 s3, s9;
	s6 =	sadd.s32 @!p0 $0x88, s6;
	s7 =	simm.s32 @p2 $0x1082  }
0x22: {  	[simem:s7], [sflag:s8] =	dma.local @!p0 [hbm:s6], $0xF7A  }
0x23: {  	s9 =	sor.u32 $0xD0000000, s2;
	s6 =	simm.s32 $0x108;
	_ =	swait.ge @!p0 [sflag:s8], $0x0  }
0x24: {  	s3 =	sadd.s32 $0x88, s3;
	s6 =	simm.s32 @!p1 $0x1082;
	[sflag:s4] =	ssyncset.s32 $0xFFFFF086  }
0x25: {  	[simem:s6], [sflag:s4] =	dma.local [hbm:s3], $0xF7A  }
0x26: {  	[smem:$0x3F7D] =	sst s1;
	(tag) =	ssettag s2;
	_ =	strace s9  }
0x27: {  	s1 =	sld [smem:$0x3F8D]  }
0x28: {  	s2 =	sld [smem:$0x3F8E]  }
0x29: {  	s4 =	sld [smem:$0x3F90]  }
0x2a: {  	p0 =	seq.s32 s5, $0x0;
	s5 =	sld [smem:$0x3F91]  }
0x2b: {  	s6 =	sld [smem:$0x3F92]  }
0x2c: {  	s7 =	sld [smem:$0x3F93]  }
0x2d: {  	s3 =	simm.s32 $0x108;
	s8 =	sld [smem:$0x3F94]  }
0x2e: {  	s3 =	simm.s32 @!p0 $0x1082;
	s9 =	sld [smem:$0x3F95]  }
0x2f: {  	lr =	sadd.s32 s0, s3;
	s0 =	sld [smem:$0x3F8C]  }
0x30: {  	s3 =	sld [smem:$0x3F8F]  }
0x31: {  	[smem:$0x3F98] =	sst s10  }
0x32: {  	s10 =	sld [smem:$0x3F96];
	_ =	sdelay $0x3  }
0x33: {  	p0 =	seq.s32 s10, $0x1;
	s10 =	sld [smem:$0x3F98];
	_ =	sdelay $0x3  }
0x34: {  	[smem:$0x3F98] =	sst s10  }
0x35: {  	s10 =	sld [smem:$0x3F97];
	_ =	sdelay $0x3  }
0x36: {  	p1 =	seq.s32 s10, $0x1;
	s10 =	sld [smem:$0x3F98];
	_ =	sdelay $0x3  }
0x37: {  	[smem:$0x3F98] =	sst s10  }
0x38: {  	s10 =	sld [smem:$0x3F99]  }
0x39: {  	_ = 	snop;
	(pc) =	sbr.ind lr, $3  }
0x3a: {  	_ = 	snop  }
0x3b: {  	_ = 	snop  }
0x3c: {  	p2 =	seq.s32 s10, $0x1;
	s10 =	sld [smem:$0x3F98]  }
0x3d: {  	_ =	shalt  }
0x3e: {  	_ =	shalt  }
0x3f: {  	_ =	shalt  }
0x40: {  	_ =	shalt  }
0x41: {  	_ =	shalt  }
0x42: {  	_ =	shalt  }
0x43: {  	_ =	shalt  }
0x44: {  	_ =	shalt  }
0x45: {  	_ =	shalt  }
0x46: {  	_ =	shalt  }
0x47: {  	_ =	shalt  }
0x48: {  	_ =	shalt  }
0x49: {  	_ =	shalt  }
0x4a: {  	_ =	shalt  }
0x4b: {  	_ =	shalt  }
0x4c: {  	_ =	shalt  }
0x4d: {  	_ =	shalt  }
0x4e: {  	_ =	shalt  }
0x4f: {  	_ =	shalt  }
0x50: {  	_ =	shalt  }
0x51: {  	_ =	shalt  }
0x52: {  	_ =	shalt  }
0x53: {  	_ =	shalt  }
0x54: {  	_ =	shalt  }
0x55: {  	_ =	shalt  }
0x56: {  	_ =	shalt  }
0x57: {  	_ =	shalt  }
0x58: {  	_ =	shalt  }
0x59: {  	_ =	shalt  }
0x5a: {  	_ =	shalt  }
0x5b: {  	_ =	shalt  }
0x5c: {  	_ =	shalt  }
0x5d: {  	_ =	shalt  }
0x5e: {  	_ =	shalt  }
0x5f: {  	_ =	shalt  }
0x60: {  	_ =	shalt  }
0x61: {  	_ =	shalt  }
0x62: {  	_ =	shalt  }
0x63: {  	_ =	shalt  }
0x64: {  	_ =	shalt  }
0x65: {  	_ =	shalt  }
0x66: {  	_ =	shalt  }
0x67: {  	_ =	shalt  }
0x68: {  	_ =	shalt  }
0x69: {  	_ =	shalt  }
0x6a: {  	_ =	shalt  }
0x6b: {  	_ =	shalt  }
0x6c: {  	_ =	shalt  }
0x6d: {  	_ =	shalt  }
0x6e: {  	_ =	shalt  }
0x6f: {  	_ =	shalt  }
0x70: {  	_ =	shalt  }
0x71: {  	_ =	shalt  }
0x72: {  	_ =	shalt  }
0x73: {  	_ =	shalt  }
0x74: {  	_ =	shalt  }
0x75: {  	_ =	shalt  }
0x76: {  	_ =	shalt  }
0x77: {  	_ =	shalt  }
0x78: {  	_ =	shalt  }
0x79: {  	_ =	shalt  }
0x7a: {  	_ =	shalt  }
0x7b: {  	_ =	shalt  }
0x7c: {  	_ =	shalt  }
0x7d: {  	_ =	shalt  }
0x7e: {  	_ =	shalt  }
0x7f: {  	_ =	shalt  }
0x80: {  	_ =	shalt  }
0x81: {  	_ =	shalt  }
0x82: {  	_ =	shalt  }
0x83: {  	_ =	shalt  }
0x84: {  	_ =	shalt  }
0x85: {  	_ =	shalt  }
0x86: {  	_ =	shalt  }
0x87: {  	_ =	shalt  }
.Lfunc_end0:
.L_simem_size_0:
called_computation.3_lowered:
.L_overlay_start_0:
0x88: {  	s2 =	sld [smem:$0x3FD9]  }
0x89: {  	s3 =	sld [smem:$0x3FFE];
	_ =	sdelay $0x1  }
0x8a: {  	s1 =	srdreg.scid  }
0x8b: {  	s0 =	sand.u32 $0x1, s1  }
0x8c: {  	s17 =	sshll.u32 s0, $0xA;
	s2 =	sadd.s32 s3, s2  }
0x8d: {  	s2 =	sadd.s32 s2, s17  }
0x8e: {  	[smem:$0x3FA4] =	sst s2  }
0x8f: {  	_ = 	snop  }
0x90: {  	s2 =	sld [smem:$0x3FC7];
	(tm) =	ssettm $0x1  }
0x91: {  	s18 =	sld [smem:$0x3FFB];
	_ =	sdelay $0x3  }
0x92: {  	_ =	strace s18  }
0x93: {  	s3 =	sld [smem:$0x3FFC];
	_ =	sdelay $0x3  }
0x94: {  	_ =	strace s3  }
0x95: {  	s3 =	sld [smem:$0x3FFD];
	_ =	sdelay $0x3  }
0x96: {  	_ =	strace s3  }
0x97: {  	_ =	strace $0x8FFFFFFF  }
0x98: {  	s19 =	sld [smem:$0x3FDB];
	_ =	sdelay $0x1  }
0x99: {  	s4 =	simm.s32 $_scs_section_size  }
0x9a: {  	s5 =	simm.s32 $_size__tile_overlayer_lowered;
	s6 =	simm.s32 $_tile_overlayer_lowered  }
0x9b: {  	s22 =	simm.s32 $0x1BFF;
	s21 =	sshll.u32 s6, $0x1;
	s3 =	sadd.s32 s4, s19  }
0x9c: {  	s7 =	simm.s32 $0x0;
	s20 =	sshll.u32 s5, $0x1;
	s5 =	sadd.s32 s21, s3  }
0x9d: {  	[timem:s7], [sflag:s22] =	dma.local [hbm:s5], s20  }
0x9e: {  	_ =	swait.ge [sflag:s22], s20  }
0x9f: {  	s4 =	ssub.s32 $0x0, s20;
	[sflag:s22] =	ssyncset.done $0x0  }
0xa0: {  	[sflag:s22] =	ssyncadd.s32 s4;
	_ =	sdelay $0x1  }
0xa1: {  	s23 =	simm.s32 $0x1B8B  }
0xa2: {  	_ =	swait.ge [sflag:s23], $0x1  }
0xa3: {  	[sflag:s23] =	ssyncset.done $0x0  }
0xa4: {  	s25 =	simm.s32 $0x1B8E;
	s24 =	sld [smem:$0x3FFE];
	[sflag:s23] =	ssyncadd.s32 $0xFFFFFFFF  }
0xa5: {  	s26 =	simm.s32 $execute0_lowered;
	[smem:$0x3FD2] =	sst s25  }
0xa6: {  	s5 =	sshll.u32 s26, $0x1;
	_ =	strace $0x80000055;
	[dreg:$0x1] =	wrdreg $0xFFFFFFFF  }
0xa7: {  	s28 =	simm.s32 $_size_execute0_lowered;
	s3 =	sadd.s32 s3, s5;
	[dreg:$0x0] =	wrdreg $0x0  }
0xa8: {  	s5 =	sshll.u32 s28, $0x1;
	[dreg:$0x2] =	wrdreg s3  }
0xa9: {  	[dreg:$0x3] =	wrdreg s5  }
0xaa: {  	[dreg:$0x4] =	wrdreg $0xC0  }
0xab: {  	_ =	task [dreg:s7], $0x5FFFF  }
0xac: {  	[dreg:$0x1] =	wrdreg $0xFFFFFFFF  }
0xad: {  	[dreg:$0x0] =	wrdreg $0x60  }
0xae: {  	[dreg:$0x2] =	wrdreg s2  }
0xaf: {  	[dreg:$0x3] =	wrdreg s24  }
0xb0: {  	[dreg:$0x4] =	wrdreg $0x9  }
0xb1: {  	_ =	task.clear_ibuf [dreg:s7], $0x5FFFF;
	_ =	strace $0x90000055  }
0xb2: {  	s29 =	simm.s32 $0x9;
	_ =	strace $0x80000057  }
0xb3: {  	_ =	swait.ge [sflag:s29], $0x1  }
0xb4: {  	[sflag:s29] =	ssyncadd.s32 $0xFFFFFFFF  }
0xb5: {  	_ =	strace $0x90000057  }
0xb6: {  	_ =	sfence  }
0xb7: {  	s30 =	sld [smem:$0x0];
	_ =	sdelay $0x2  }
0xb8: {  	s31 =	sshll.u32 s1, $0xD;
	s1 =	sshrl.u32 s1, $0x2  }
0xb9: {  	s3 =	sand.u32 $0x4000, s31;
	s1 =	sadd.s32 s1, s30  }
0xba: {  	s0 =	sor.u32 s3, s0;
	s1 =	sshll.u32 s1, $0x11  }
0xbb: {  	s0 =	sor.u32 s1, s0  }
0xbc: {  	s0 =	sadd.s32 $0x8F2B, s0  }
0xbd: {  	[sflag:s0] =	ssyncadd.remote.s32 $0x1  }
0xbe: {  	_ =	sfence.sel $0xFFFF  }
0xbf: {  	[dreg:$0x0] =	wrdreg $0xFFFFFFFF;
	(pc) =	sbr.abs _section_cstart, $3  }
0xc0: {  	[dreg:$0x1] =	wrdreg $0xFFFFFFFF  }
0xc1: {  	_ =	task.clear_ibuf [dreg:s7], $0x2FFFF;
	_ =	strace $0x9FFFFFFF  }
0xc2: {  	(tm) =	ssettm $0x7FFFFFFF  }
0xc3: {  	_ =	shalt  }
tec
execute0_lowered:
.L_overlay_start_1:
0x0: {  	(tag) =	ssettag $0x1  }
0x1: {  	s1 =	srdreg.scid;
	s2 =	rddreg [dreg:$0x0]  }
0x2: {  	s0 =	stileid.u32;
	s5 =	rddreg [dreg:$0x1];
	s6 =	simm.s32 $0x1  }
0x3: {  	s9 =	simm.s32 $0x1;
	s10 =	simm.s32 $0x3;
	s1 =	sshll.u32 s1, $0x8  }
0x4: {  	s13 =	simm.s32 $0x0;
	s3 =	sshll.u32 s0, $0x9;
	s4 =	sand.u32 $0x100, s1  }
0x5: {  	s12 =	simm.s32 $0x0;
	s1 =	rddreg [dreg:$0x2];
	s3 =	sor.u32 s3, s4  }
0x6: {  	_ =	strace $0x80000056;
	s4 =	sadd.s32 $0x69000, s5;
	s8 =	ssub.s32 $0x4000, s3  }
.Ltmp0:
0x7: {  	s5 =	sadd.s32 $0x19E00, s5;
	s7 =	sand.u32 $0x1F00, s8;
	(pc) =	sbr.rel .LBB2_1-.Ltmp0, $4  }
0x8: {  	[sflag:s6] =	ssyncpa.u1 $0x0;
	s11 =	smov.u32 s3;
	p0 =	sne.s32 s7, $0x0  }
0x9: {  	s8 =	sshrl.u32 s8, $0xD;
	s7 =	simm.s32 $0x2;
	s9 =	simm.s32 @!p0 $0x0  }
0xa: {  	[sflag:s7] =	ssyncpa.u1 $0x0;
	p0 =	por $0x0, $0x0;
	s8 =	sadd.s32 s9, s8  }
0xb: {  	vm0 =	vmmov $0xffff;
	[sflag:s10] =	ssyncpa.u1 $0x0;
	s10 =	simm.s32 $0x0;
	s9 =	sadd.s32 $0x1, s8  }
.LBB2_4:
0xc: {  	v2 =	vnsel vm1, $0x0, v2  }
0xd: {  	vm1 =	vgt.s32 v0, $0x0;
	v2 =	vmin.u32 v2, $0x270F  }
0xe: {  	v0 =	vnsel vm1, $0x0, v0  }
0xf: {  	v0 =	vmin.u32 v0, $0x270F  }
0x10: {  	[tilespmem:s15], [sflag:$0x1] =	stream.indirect_vreg.gather [hbm4b:s2+s10], $0x1, v1, vm0, $0x4038;
	[tilespmem:$0x400] =	vst v63  }
0x11: {  	(ifvalue) =	ssetifvalue $0x7FFFFFFF  }
0x12: {  	[tilespmem:s16], [sflag:$0x1] =	stream.indirect_vreg.gather [hbm4b:s2+s10], $0x1, v2, vm0, $0x4038;
	[tilespmem:$0x400] =	vst v63  }
0x13: {  	s29 =	sadd.s32 $0x10, s16;
	(ifvalue) =	ssetifvalue $0x7FFFFFFF  }
0x14: {  	[tilespmem:s29], [sflag:$0x1] =	stream.indirect_vreg.gather [hbm4b:s2+s10], $0x1, v0, vm0, $0x4038;
	[tilespmem:$0x400] =	vst v63  }
0x15: {  	_ =	swait.ge [sflag:s6], $0x100  }
0x16: {  	s30 =	sshrl.u32 s13, $0x3;
	[sflag:s6] =	ssyncset.done $0x0  }
0x17: {  	s31 =	sand.u32 $0x7, s13;
	s15 =	sadd.s32 s5, s30;
	[sflag:s6] =	ssyncadd.s32 $0xFFFFFF00  }
0x18: {  	[hbm4b:s15+s31] =	stream.linear.scatter [tilespmem:s14], [sflag:$0x3], $0x100, $0x38;
	[tilespmem:$0x400] =	vst v63  }
.LBB2_5:
0x19: {  	s15 =	sadd.s32 $0x2000, s11  }
0x1a: {  	p2 =	sgt.s32 s15, $0x3FFF  }
0x1b: {  	s15 =	smov.u32 @p2 s3;
	p2 =	sne.s32 s12, s9  }
.Ltmp1:
0x1c: {  	p1 =	slt.u32 s12, $0x2;
	(pc) =	sbr.rel @!p2 .LBB2_6-.Ltmp1, $4  }
0x1d: {  	s14 =	simm.s32 @!p1 $0x3  }
0x1e: {  	s16 =	sadd.s32 $0x1, s12;
	_ =	swait.ge @!p1 [sflag:s14], $0x100  }
0x1f: {  	s13 =	smov.u32 s11;
	p0 =	por !p0, !p0;
	[sflag:s14] =	ssyncset.done @!p1 $0x0  }
0x20: {  	s12 =	smov.u32 s16;
	s11 =	smov.u32 s15;
	[sflag:s14] =	ssyncadd.s32 @!p1 $0xFFFFFF00  }
.LBB2_1:
0x21: {  	p1 =	sge.u32 s12, s8  }
0x22: {  	s14 =	sxor.u32 @!p1 $0xFFFFFFFF, s12  }
0x23: {  	s31 =	sadd.s32 $0xFFFFFFFF, s12;
	s15 =	sshrl.u32 @!p1 s11, $0x3;
	s14 =	sshll.u32 @!p1 s14, $0x8  }
0x24: {  	s16 =	sand.u32 @!p1 $0x7, s11;
	s15 =	sadd.s32 @!p1 s4, s15;
	s14 =	sand.u32 @!p1 $0x100, s14  }
0x25: {  	[tilespmem:s14], [sflag:$0x2] =	stream.linear.gather @!p1 [hbm4b:s15+s16], $0x100, $0x38;
	[tilespmem:$0x400] =	vst v63  }
0x26: {  	p1 =	sge.u32 s31, s8  }
.Ltmp2:
0x27: {  	_ = 	snop;
	(pc) =	sbr.rel @p1 .LBB2_5-.Ltmp2, $1  }
0x28: {  	_ =	sdelay $0x3  }
0x29: {  	s14 =	simm.s32 $0x1  }
0x2a: {  	_ =	swait.ge [sflag:s7], $0x100;
	s14 =	simm.s32 @!p0 $0x0  }
0x2b: {  	[sflag:s7] =	ssyncset.done $0x0;
	s14 =	sshll.u32 s14, $0x8  }
0x2c: {  	[sflag:s7] =	ssyncadd.s32 $0xFFFFFF00;
	(ifvalue) =	ssetifvalue $0x7FFFFFFF;
	v0 =	vld.msk [tilespmem:s14+$0x0 ss:$0x1], $0xffff;
	_ =	sdelay $0x4  }
0x2d: {  	s15 =	sadd.s32 $0x10, s14;
	vm1 =	vgt.s32 v0, $0x0  }
0x2e: {  	v2 =	vld.msk [tilespmem:s15+$0x0 ss:$0x1], $0xffff;
	v1 =	vnsel vm1, $0x0, v0  }
0x2f: {  	v1 =	vmin.u32 v1, $0x270F;
	_ =	sdelay $0x1  }
0x30: {  	s16 =	sshll.u32 s12, $0x8;
	s18 =	simm.s32 $0x20  }
0x31: {  	s16 =	sand.u32 $0x100, s16;
	s17 =	sadd.s32 $0x10, s15;
	s15 =	sor.u32 $0x200, s14  }
0x32: {  	s14 =	sor.u32 $0x200, s16;
	s16 =	sadd.s32 $0x10, s15;
	v0 =	vld.msk [tilespmem:s17+$0x0 ss:$0x1], $0xffff;
	vm1 =	vgt.s32 v2, $0x0;
	(ifvalue) =	ssetifvalue $0x7FFFFFFF  }
.LBB2_3:
0x33: {  	[tilespmem:s15], [sflag:$0x1] =	stream.indirect_vreg.gather [hbm4b:s2+s10], $0x1, v1, vm0, $0x4038;
	[tilespmem:$0x400] =	vst v63  }
0x34: {  	s18 =	sadd.s32 $0x10, s18  }
0x35: {  	v2 =	vnsel vm1, $0x0, v2;
	p1 =	slt.u32 s18, $0xF0  }
.Ltmp3:
0x36: {  	s15 =	smov.u32 s16;
	v1 =	vmin.u32 v2, $0x270F;
	(pc) =	sbr.rel @p1 .LBB2_3-.Ltmp3, $3  }
0x37: {  	_ =	sdelay $0x1  }
0x38: {  	s17 =	sadd.s32 $0x10, s17  }
0x39: {  	vm1 =	vgt.s32 v0, $0x0;
	s16 =	sadd.s32 $0x10, s16;
	v2 =	vmov v0;
	(ifvalue) =	ssetifvalue $0x7FFFFFFF;
	v0 =	vld.msk [tilespmem:s17+$0x0 ss:$0x1], $0xffff  }
.Ltmp4:
0x3a: {  	_ = 	snop;
	(pc) =	sbr.rel .LBB2_4-.Ltmp4, $1  }
0x3b: {  	_ =	sdelay $0x3  }
.LBB2_6:
0x3c: {  	_ =	sfence.sel $0x180000  }
0x3d: {  	s2 =	simm.s32 $0x2;
	[bflag:$0x0] =	sbarrier.arrive $0xFFFF  }
0x3e: {  	s30 =	simm.s32 $0x3;
	[sflag:s2] =	ssyncpa.u1 $0x1  }
0x3f: {  	s31 =	simm.s32 $0x1;
	[sflag:s30] =	ssyncpa.u1 $0x1  }
0x40: {  	[sflag:s31] =	ssyncpa.u1 $0x1  }
0x41: {  	p0 =	sne.s32 s0, $0x0;
	_ =	strace $0x90000056  }
0x42: {  	s0 =	sadd.s32 @!p0 $0x100000, s1;
	[bflag:$0x2] =	sbarrier.arrive $0xFFFF  }
0x43: {  	[sflag:s0] =	ssyncadd.tile.s32 @!p0 $0x1;
	_ =	shalt  }
.Lfunc_end2:
_tile_overlayer_lowered:
.L_overlay_start_2:
0x44: {  	(tag) =	ssettag $0x2  }
0x45: {  	s0 =	rddreg [dreg:$0x0];
	s2 =	stileid.u32  }
0x46: {  	s1 =	rddreg [dreg:$0x1];
	p0 =	sne.s32 s2, $0x0  }
0x47: {  	s3 =	rddreg [dreg:$0x2];
	[bflag:$0x3] =	sbarrier.arrive $0xFFFF;
	s2 =	simm.s32 @!p0 $0x1C01  }
0x48: {  	[timem:s3], [sflag:s2] =	dma.local @!p0 [hbm:s0], s1  }
0x49: {  	s0 =	simm.s32 @!p0 $0x1  }
0x4a: {  	_ =	swait.ge @!p0 [sflag:s0], s1  }
0x4b: {  	s1 =	ssub.s32 @!p0 $0x0, s1;
	[sflag:s0] =	ssyncset.done @!p0 $0x0  }
0x4c: {  	[sflag:s0] =	ssyncadd.s32 @!p0 s1  }
0x4d: {  	[bflag:$0x3] =	sbarrier.arrive $0xFFFF  }
0x4e: {  	_ =	shalt  }

// kernel: gather_offload_async_start
scs
__scs_entry_jumppad:
0x0: {  	(pc) =	sbr.rel $0x88, $3  }
0x1: {  	(tag) =	ssettag $0x0;
	lr =	simm.s32 $0x1  }
0x2: {  	[smem:$0x3F7D] =	sst lr;
	_ =	strace $0xD0000000  }
0x3: {  	_ = 	snop  }
0x4: {  	_ = 	snop  }
0x5: {  	_ = 	snop  }
0x6: {  	_ = 	snop  }
0x7: {  	_ = 	snop  }
__scs_overlays_trampoline_lowered:
0x8: {  	[smem:$0x3F8C] =	sst s0  }
0x9: {  	[smem:$0x3F8D] =	sst s1  }
0xa: {  	[smem:$0x3F8E] =	sst s2  }
0xb: {  	[smem:$0x3F8F] =	sst s3  }
0xc: {  	[smem:$0x3F90] =	sst s4  }
0xd: {  	[smem:$0x3F91] =	sst s5  }
0xe: {  	[smem:$0x3F92] =	sst s6  }
0xf: {  	[smem:$0x3F93] =	sst s7  }
0x10: {  	[smem:$0x3F94] =	sst s8  }
0x11: {  	[smem:$0x3F95] =	sst s9;
	s0 =	simm.s32 @!p0 $0x0  }
0x12: {  	s1 =	sld [smem:$0x3F7B];
	s0 =	simm.s32 @p0 $0x1  }
0x13: {  	[smem:$0x3F96] =	sst s0;
	s0 =	simm.s32 @!p1 $0x0  }
0x14: {  	s2 =	sld [smem:$0x3F7A];
	s0 =	simm.s32 @p1 $0x1  }
0x15: {  	[smem:$0x3F97] =	sst s0;
	s0 =	simm.s32 @!p2 $0x0  }
0x16: {  	s3 =	sld [smem:$0x3FDB];
	s0 =	simm.s32 @p2 $0x1  }
0x17: {  	s4 =	simm.s32 $0x1BF5;
	[smem:$0x3F99] =	sst s0  }
0x18: {  	s0 =	sld [smem:$0x3F7C];
	_ =	swait.ge [sflag:s4], $0x0  }
0x19: {  	s7 =	sld [smem:$0x3F7D]  }
0x1a: {  	s8 =	sadd.s32 $0xFFFFE003, lr  }
0x1b: {  	s9 =	sadd.s32 $0xFFFFFEF7, lr;
	s5 =	simm.s32 $0xFFFFFFFF;
	p2 =	slt.u32 s8, $0xFFFFF086  }
0x1c: {  	p1 =	slt.u32 s9, $0xF7A;
	s5 =	simm.s32 @!p2 $0x0  }
0x1d: {  	s5 =	simm.s32 @p1 $0x1;
	p0 =	seq.s32 s7, s2  }
0x1e: {  	s7 =	smul.u32 @!p0 $0xF7A, s2;
	p2 =	seq.s32 @!p0 s5, $0x0  }
0x1f: {  	s9 =	smul.u32 $0xF7A, s1;
	s8 =	simm.s32 @!p0 $0x1BF5;
	p2 =	por !p2, p0  }
0x20: {  	[sflag:s8] =	ssyncset.s32 @!p0 $0xFFFFF086;
	s6 =	sadd.s32 @!p0 s3, s7;
	s7 =	simm.s32 @!p0 $0x108  }
0x21: {  	s3 =	sadd.s32 s3, s9;
	s6 =	sadd.s32 @!p0 $0x88, s6;
	s7 =	simm.s32 @p2 $0x1082  }
0x22: {  	[simem:s7], [sflag:s8] =	dma.local @!p0 [hbm:s6], $0xF7A  }
0x23: {  	s9 =	sor.u32 $0xD0000000, s2;
	s6 =	simm.s32 $0x108;
	_ =	swait.ge @!p0 [sflag:s8], $0x0  }
0x24: {  	s3 =	sadd.s32 $0x88, s3;
	s6 =	simm.s32 @!p1 $0x1082;
	[sflag:s4] =	ssyncset.s32 $0xFFFFF086  }
0x25: {  	[simem:s6], [sflag:s4] =	dma.local [hbm:s3], $0xF7A  }
0x26: {  	[smem:$0x3F7D] =	sst s1;
	(tag) =	ssettag s2;
	_ =	strace s9  }
0x27: {  	s1 =	sld [smem:$0x3F8D]  }
0x28: {  	s2 =	sld [smem:$0x3F8E]  }
0x29: {  	s4 =	sld [smem:$0x3F90]  }
0x2a: {  	p0 =	seq.s32 s5, $0x0;
	s5 =	sld [smem:$0x3F91]  }
0x2b: {  	s6 =	sld [smem:$0x3F92]  }
0x2c: {  	s7 =	sld [smem:$0x3F93]  }
0x2d: {  	s3 =	simm.s32 $0x108;
	s8 =	sld [smem:$0x3F94]  }
0x2e: {  	s3 =	simm.s32 @!p0 $0x1082;
	s9 =	sld [smem:$0x3F95]  }
0x2f: {  	lr =	sadd.s32 s0, s3;
	s0 =	sld [smem:$0x3F8C]  }
0x30: {  	s3 =	sld [smem:$0x3F8F]  }
0x31: {  	[smem:$0x3F98] =	sst s10  }
0x32: {  	s10 =	sld [smem:$0x3F96];
	_ =	sdelay $0x3  }
0x33: {  	p0 =	seq.s32 s10, $0x1;
	s10 =	sld [smem:$0x3F98];
	_ =	sdelay $0x3  }
0x34: {  	[smem:$0x3F98] =	sst s10  }
0x35: {  	s10 =	sld [smem:$0x3F97];
	_ =	sdelay $0x3  }
0x36: {  	p1 =	seq.s32 s10, $0x1;
	s10 =	sld [smem:$0x3F98];
	_ =	sdelay $0x3  }
0x37: {  	[smem:$0x3F98] =	sst s10  }
0x38: {  	s10 =	sld [smem:$0x3F99]  }
0x39: {  	_ = 	snop;
	(pc) =	sbr.ind lr, $3  }
0x3a: {  	_ = 	snop  }
0x3b: {  	_ = 	snop  }
0x3c: {  	p2 =	seq.s32 s10, $0x1;
	s10 =	sld [smem:$0x3F98]  }
0x3d: {  	_ =	shalt  }
0x3e: {  	_ =	shalt  }
0x3f: {  	_ =	shalt  }
0x40: {  	_ =	shalt  }
0x41: {  	_ =	shalt  }
0x42: {  	_ =	shalt  }
0x43: {  	_ =	shalt  }
0x44: {  	_ =	shalt  }
0x45: {  	_ =	shalt  }
0x46: {  	_ =	shalt  }
0x47: {  	_ =	shalt  }
0x48: {  	_ =	shalt  }
0x49: {  	_ =	shalt  }
0x4a: {  	_ =	shalt  }
0x4b: {  	_ =	shalt  }
0x4c: {  	_ =	shalt  }
0x4d: {  	_ =	shalt  }
0x4e: {  	_ =	shalt  }
0x4f: {  	_ =	shalt  }
0x50: {  	_ =	shalt  }
0x51: {  	_ =	shalt  }
0x52: {  	_ =	shalt  }
0x53: {  	_ =	shalt  }
0x54: {  	_ =	shalt  }
0x55: {  	_ =	shalt  }
0x56: {  	_ =	shalt  }
0x57: {  	_ =	shalt  }
0x58: {  	_ =	shalt  }
0x59: {  	_ =	shalt  }
0x5a: {  	_ =	shalt  }
0x5b: {  	_ =	shalt  }
0x5c: {  	_ =	shalt  }
0x5d: {  	_ =	shalt  }
0x5e: {  	_ =	shalt  }
0x5f: {  	_ =	shalt  }
0x60: {  	_ =	shalt  }
0x61: {  	_ =	shalt  }
0x62: {  	_ =	shalt  }
0x63: {  	_ =	shalt  }
0x64: {  	_ =	shalt  }
0x65: {  	_ =	shalt  }
0x66: {  	_ =	shalt  }
0x67: {  	_ =	shalt  }
0x68: {  	_ =	shalt  }
0x69: {  	_ =	shalt  }
0x6a: {  	_ =	shalt  }
0x6b: {  	_ =	shalt  }
0x6c: {  	_ =	shalt  }
0x6d: {  	_ =	shalt  }
0x6e: {  	_ =	shalt  }
0x6f: {  	_ =	shalt  }
0x70: {  	_ =	shalt  }
0x71: {  	_ =	shalt  }
0x72: {  	_ =	shalt  }
0x73: {  	_ =	shalt  }
0x74: {  	_ =	shalt  }
0x75: {  	_ =	shalt  }
0x76: {  	_ =	shalt  }
0x77: {  	_ =	shalt  }
0x78: {  	_ =	shalt  }
0x79: {  	_ =	shalt  }
0x7a: {  	_ =	shalt  }
0x7b: {  	_ =	shalt  }
0x7c: {  	_ =	shalt  }
0x7d: {  	_ =	shalt  }
0x7e: {  	_ =	shalt  }
0x7f: {  	_ =	shalt  }
0x80: {  	_ =	shalt  }
0x81: {  	_ =	shalt  }
0x82: {  	_ =	shalt  }
0x83: {  	_ =	shalt  }
0x84: {  	_ =	shalt  }
0x85: {  	_ =	shalt  }
0x86: {  	_ =	shalt  }
0x87: {  	_ =	shalt  }
.Lfunc_end0:
.L_simem_size_0:
called_computation_lowered:
.L_overlay_start_0:
0x88: {  	s2 =	sld [smem:$0x3FD9]  }
0x89: {  	s3 =	sld [smem:$0x3FFE];
	_ =	sdelay $0x1  }
0x8a: {  	s1 =	srdreg.scid  }
0x8b: {  	s0 =	sand.u32 $0x1, s1  }
0x8c: {  	s16 =	sshll.u32 s0, $0xA;
	s2 =	sadd.s32 s3, s2  }
0x8d: {  	s2 =	sadd.s32 s2, s16  }
0x8e: {  	[smem:$0x3FA4] =	sst s2  }
0x8f: {  	_ = 	snop  }
0x90: {  	(tm) =	ssettm $0x1  }
0x91: {  	s17 =	sld [smem:$0x3FFB];
	_ =	sdelay $0x3  }
0x92: {  	_ =	strace s17  }
0x93: {  	s2 =	sld [smem:$0x3FFC];
	_ =	sdelay $0x3  }
0x94: {  	_ =	strace s2  }
0x95: {  	s2 =	sld [smem:$0x3FFD];
	_ =	sdelay $0x3  }
0x96: {  	_ =	strace s2  }
0x97: {  	_ =	strace $0x8FFFFFFF  }
0x98: {  	s18 =	sld [smem:$0x3FDB];
	_ =	sdelay $0x1  }
0x99: {  	s19 =	simm.s32 $_scs_section_size  }
0x9a: {  	s4 =	simm.s32 $_size__tile_overlayer_lowered;
	s5 =	simm.s32 $_tile_overlayer_lowered  }
0x9b: {  	s22 =	simm.s32 $0x1BFF;
	s21 =	sshll.u32 s5, $0x1;
	s2 =	sadd.s32 s19, s18  }
0x9c: {  	s6 =	simm.s32 $0x0;
	s20 =	sshll.u32 s4, $0x1;
	s4 =	sadd.s32 s21, s2  }
0x9d: {  	[timem:s6], [sflag:s22] =	dma.local [hbm:s4], s20  }
0x9e: {  	_ =	swait.ge [sflag:s22], s20  }
0x9f: {  	s3 =	ssub.s32 $0x0, s20;
	[sflag:s22] =	ssyncset.done $0x0  }
0xa0: {  	[sflag:s22] =	ssyncadd.s32 s3;
	_ =	sdelay $0x1  }
0xa1: {  	s23 =	simm.s32 $0x1B8B  }
0xa2: {  	_ =	swait.ge [sflag:s23], $0x1  }
0xa3: {  	[sflag:s23] =	ssyncset.done $0x0  }
0xa4: {  	s25 =	simm.s32 $0x1B8E;
	s24 =	sld [smem:$0x3FFE];
	[sflag:s23] =	ssyncadd.s32 $0xFFFFFFFF  }
0xa5: {  	s26 =	simm.s32 $execute0_lowered;
	[smem:$0x3FD2] =	sst s25  }
0xa6: {  	s4 =	sshll.u32 s26, $0x1;
	_ =	strace $0x80000049;
	[dreg:$0x1] =	wrdreg $0xFFFFFFFF  }
0xa7: {  	s28 =	simm.s32 $_size_execute0_lowered;
	s2 =	sadd.s32 s2, s4;
	[dreg:$0x0] =	wrdreg $0x0  }
0xa8: {  	s4 =	sshll.u32 s28, $0x1;
	[dreg:$0x2] =	wrdreg s2  }
0xa9: {  	[dreg:$0x3] =	wrdreg s4  }
0xaa: {  	[dreg:$0x4] =	wrdreg $0xC0  }
0xab: {  	_ =	task [dreg:s6], $0x5FFFF  }
0xac: {  	[dreg:$0x1] =	wrdreg $0xFFFFFFFF  }
0xad: {  	[dreg:$0x0] =	wrdreg $0x60  }
0xae: {  	[dreg:$0x2] =	wrdreg s24  }
0xaf: {  	[dreg:$0x3] =	wrdreg $0x9  }
0xb0: {  	_ =	task.clear_ibuf [dreg:s6], $0x4FFFF;
	_ =	strace $0x90000049  }
0xb1: {  	s29 =	simm.s32 $0x9;
	_ =	strace $0x8000004B  }
0xb2: {  	_ =	swait.ge [sflag:s29], $0x1  }
0xb3: {  	[sflag:s29] =	ssyncadd.s32 $0xFFFFFFFF  }
0xb4: {  	_ =	strace $0x9000004B  }
0xb5: {  	_ =	sfence  }
0xb6: {  	s30 =	sld [smem:$0x0];
	_ =	sdelay $0x2  }
0xb7: {  	s31 =	sshll.u32 s1, $0xD;
	s1 =	sshrl.u32 s1, $0x2  }
0xb8: {  	s3 =	sand.u32 $0x4000, s31;
	s1 =	sadd.s32 s1, s30  }
0xb9: {  	s0 =	sor.u32 s3, s0;
	s1 =	sshll.u32 s1, $0x11  }
0xba: {  	s0 =	sor.u32 s1, s0  }
0xbb: {  	s0 =	sadd.s32 $0x8F2B, s0  }
0xbc: {  	[sflag:s0] =	ssyncadd.remote.s32 $0x1  }
0xbd: {  	_ =	sfence.sel $0xFFFF  }
0xbe: {  	[dreg:$0x0] =	wrdreg $0xFFFFFFFF;
	(pc) =	sbr.abs _section_cstart, $3  }
0xbf: {  	[dreg:$0x1] =	wrdreg $0xFFFFFFFF  }
0xc0: {  	_ =	task.clear_ibuf [dreg:s6], $0x2FFFF;
	_ =	strace $0x9FFFFFFF  }
0xc1: {  	(tm) =	ssettm $0x7FFFFFFF  }
tec
execute0_lowered:
.L_overlay_start_1:
0x0: {  	(tag) =	ssettag $0x1  }
0x1: {  	s8 =	rddreg [dreg:$0x0]  }
0x2: {  	s0 =	rddreg [dreg:$0x1];
	_ =	strace $0x8000004A;
	s1 =	stileid.u32  }
0x3: {  	s3 =	srdreg.scid;
	s4 =	simm.s32 $0x1;
	s7 =	simm.s32 $0x1  }
0x4: {  	s9 =	simm.s32 $0x1;
	s10 =	simm.s32 $0x3;
	s13 =	simm.s32 $0x0  }
0x5: {  	s12 =	simm.s32 $0x0;
	s5 =	sand.u32 $0x1, s3;
	s6 =	sshll.u32 s1, $0x1  }
0x6: {  	s2 =	sadd.s32 $0x2A00, s8;
	s3 =	sadd.s32 $0x17000, s8;
	s5 =	sor.u32 s6, s5  }
.Ltmp0:
0x7: {  	[sflag:s4] =	ssyncpa.u1 $0x0;
	p0 =	slt.u32 s5, $0x9;
	(pc) =	sbr.rel .LBB2_1-.Ltmp0, $4  }
0x8: {  	s6 =	simm.s32 $0x2;
	s7 =	simm.s32 @!p0 $0x0;
	p0 =	sne.s32 s5, $0x8  }
0x9: {  	[sflag:s6] =	ssyncpa.u1 $0x0;
	s5 =	smul.u32 $0x1F40, s5;
	s9 =	simm.s32 @!p0 $0x0  }
0xa: {  	s8 =	sadd.s32 $0xD200, s8;
	[sflag:s10] =	ssyncpa.u1 $0x0;
	s7 =	sadd.s32 s9, s7  }
0xb: {  	vm0 =	vmmov $0xffff;
	s10 =	simm.s32 $0x0;
	s11 =	smov.u32 s5;
	s9 =	sadd.s32 $0x1, s7  }
.LBB2_4:
0xc: {  	v2 =	vnsel vm1, $0x0, v2  }
0xd: {  	vm1 =	vgt.s32 v0, $0x0;
	v2 =	vmin.u32 v2, $0x4E1FF  }
0xe: {  	v0 =	vnsel vm1, $0x0, v0  }
0xf: {  	v0 =	vmin.u32 v0, $0x4E1FF  }
0x10: {  	[tilespmem:s18], [sflag:$0x1] =	stream.indirect_vreg.gather [hbm4b:s2+s10], $0x1, v1, vm0, $0x4038;
	[tilespmem:$0x7D00] =	vst v63  }
0x11: {  	(ifvalue) =	ssetifvalue $0x7FFFFFFF  }
0x12: {  	[tilespmem:s15], [sflag:$0x1] =	stream.indirect_vreg.gather [hbm4b:s2+s10], $0x1, v2, vm0, $0x4038;
	[tilespmem:$0x7D00] =	vst v63  }
0x13: {  	s29 =	sadd.s32 $0x10, s15;
	(ifvalue) =	ssetifvalue $0x7FFFFFFF  }
0x14: {  	[tilespmem:s29], [sflag:$0x1] =	stream.indirect_vreg.gather [hbm4b:s2+s10], $0x1, v0, vm0, $0x4038;
	[tilespmem:$0x7D00] =	vst v63  }
0x15: {  	_ =	swait.ge [sflag:s4], $0x1F40  }
0x16: {  	s30 =	sshrl.u32 s13, $0x3;
	[sflag:s4] =	ssyncset.done $0x0  }
0x17: {  	s31 =	sand.u32 $0x7, s13;
	s15 =	sadd.s32 s8, s30;
	[sflag:s4] =	ssyncadd.s32 $0xFFFFE0C0  }
0x18: {  	[hbm4b:s15+s31] =	stream.linear.scatter [tilespmem:s14], [sflag:$0x3], $0x1F40, $0x38;
	[tilespmem:$0x7D00] =	vst v63  }
.LBB2_5:
0x19: {  	s15 =	sadd.s32 $0x3E800, s11  }
0x1a: {  	p1 =	sgt.s32 s15, $0x4E1FF  }
0x1b: {  	s15 =	smov.u32 @p1 s5;
	p1 =	sne.s32 s12, s9  }
.Ltmp1:
0x1c: {  	p0 =	slt.u32 s12, $0x2;
	(pc) =	sbr.rel @!p1 .LBB2_6-.Ltmp1, $4  }
0x1d: {  	s14 =	simm.s32 @!p0 $0x3  }
0x1e: {  	_ =	swait.ge @!p0 [sflag:s14], $0x1F40  }
0x1f: {  	s16 =	sadd.s32 $0x1, s12;
	s13 =	smov.u32 s11;
	[sflag:s14] =	ssyncset.done @!p0 $0x0  }
0x20: {  	s12 =	smov.u32 s16;
	s11 =	smov.u32 s15;
	[sflag:s14] =	ssyncadd.s32 @!p0 $0xFFFFE0C0  }
.LBB2_1:
0x21: {  	p0 =	sge.u32 s12, s7  }
0x22: {  	s14 =	sxor.u32 @!p0 $0x1, s12  }
0x23: {  	s14 =	smul.u32 @!p0 $0x7D00, s14  }
0x24: {  	s31 =	sadd.s32 $0xFFFFFFFF, s12;
	s15 =	sshrl.u32 @!p0 s11, $0x3  }
0x25: {  	s16 =	sand.u32 @!p0 $0x7, s11;
	s15 =	sadd.s32 @!p0 s3, s15;
	s14 =	sshra.s32 @!p0 s14, $0x2  }
0x26: {  	[tilespmem:s14], [sflag:$0x2] =	stream.linear.gather @!p0 [hbm4b:s15+s16], $0x1F40, $0x38;
	[tilespmem:$0x7D00] =	vst v63  }
0x27: {  	p0 =	sge.u32 s31, s7  }
.Ltmp2:
0x28: {  	_ = 	snop;
	(pc) =	sbr.rel @p0 .LBB2_5-.Ltmp2, $1  }
0x29: {  	_ =	sdelay $0x3  }
0x2a: {  	s14 =	sand.u32 $0x1, s12  }
0x2b: {  	_ =	swait.ge [sflag:s6], $0x1F40;
	p0 =	seq.s32 s14, $0x1;
	s14 =	simm.s32 $0x1F40  }
0x2c: {  	[sflag:s6] =	ssyncset.done $0x0;
	s14 =	simm.s32 @!p0 $0x0  }
0x2d: {  	[sflag:s6] =	ssyncadd.s32 $0xFFFFE0C0;
	(ifvalue) =	ssetifvalue $0x7FFFFFFF;
	v0 =	vld.msk [tilespmem:s14+$0x0 ss:$0x1], $0xffff;
	_ =	sdelay $0x4  }
0x2e: {  	s15 =	sadd.s32 $0x10, s14;
	vm1 =	vgt.s32 v0, $0x0  }
0x2f: {  	v2 =	vld.msk [tilespmem:s15+$0x0 ss:$0x1], $0xffff;
	v1 =	vnsel vm1, $0x0, v0  }
0x30: {  	v1 =	vmin.u32 v1, $0x4E1FF;
	_ =	sdelay $0x2  }
0x31: {  	s17 =	simm.s32 $0x20;
	s14 =	sadd.s32 $0x3E80, s14;
	s16 =	sadd.s32 $0x10, s15  }
0x32: {  	s15 =	sadd.s32 $0x10, s14;
	s18 =	smov.u32 s14;
	v0 =	vld.msk [tilespmem:s16+$0x0 ss:$0x1], $0xffff;
	vm1 =	vgt.s32 v2, $0x0;
	(ifvalue) =	ssetifvalue $0x7FFFFFFF  }
.LBB2_3:
0x33: {  	[tilespmem:s18], [sflag:$0x1] =	stream.indirect_vreg.gather [hbm4b:s2+s10], $0x1, v1, vm0, $0x4038;
	[tilespmem:$0x7D00] =	vst v63  }
0x34: {  	s17 =	sadd.s32 $0x10, s17  }
0x35: {  	v2 =	vnsel vm1, $0x0, v2;
	p0 =	slt.u32 s17, $0x1F30  }
.Ltmp3:
0x36: {  	s18 =	smov.u32 s15;
	v1 =	vmin.u32 v2, $0x4E1FF;
	(pc) =	sbr.rel @p0 .LBB2_3-.Ltmp3, $3  }
0x37: {  	_ =	sdelay $0x1  }
0x38: {  	s16 =	sadd.s32 $0x10, s16  }
0x39: {  	vm1 =	vgt.s32 v0, $0x0;
	s15 =	sadd.s32 $0x10, s15;
	v2 =	vmov v0;
	(ifvalue) =	ssetifvalue $0x7FFFFFFF;
	v0 =	vld.msk [tilespmem:s16+$0x0 ss:$0x1], $0xffff  }
.Ltmp4:
0x3a: {  	_ = 	snop;
	(pc) =	sbr.rel .LBB2_4-.Ltmp4, $1  }
0x3b: {  	_ =	sdelay $0x3  }
.LBB2_6:
0x3c: {  	_ =	sfence.sel $0x180000  }
0x3d: {  	s2 =	simm.s32 $0x2;
	[bflag:$0x0] =	sbarrier.arrive $0xFFFF  }
0x3e: {  	s30 =	simm.s32 $0x3;
	[sflag:s2] =	ssyncpa.u1 $0x1  }
0x3f: {  	s31 =	simm.s32 $0x1;
	[sflag:s30] =	ssyncpa.u1 $0x1  }
0x40: {  	[sflag:s31] =	ssyncpa.u1 $0x1  }
0x41: {  	p0 =	sne.s32 s1, $0x0;
	_ =	strace $0x9000004A  }
0x42: {  	s0 =	sadd.s32 @!p0 $0x100000, s0;
	[bflag:$0x2] =	sbarrier.arrive $0xFFFF  }
0x43: {  	[sflag:s0] =	ssyncadd.tile.s32 @!p0 $0x1;
	_ =	shalt  }
.Lfunc_end2:
_tile_overlayer_lowered:
.L_overlay_start_2:
0x44: {  	(tag) =	ssettag $0x2  }
0x45: {  	s0 =	rddreg [dreg:$0x0];
	s2 =	stileid.u32  }
0x46: {  	s1 =	rddreg [dreg:$0x1];
	p0 =	sne.s32 s2, $0x0  }
0x47: {  	s3 =	rddreg [dreg:$0x2];
	[bflag:$0x3] =	sbarrier.arrive $0xFFFF;
	s2 =	simm.s32 @!p0 $0x1C01  }
0x48: {  	[timem:s3], [sflag:s2] =	dma.local @!p0 [hbm:s0], s1  }
0x49: {  	s0 =	simm.s32 @!p0 $0x1  }
0x4a: {  	_ =	swait.ge @!p0 [sflag:s0], s1  }
0x4b: {  	s1 =	ssub.s32 @!p0 $0x0, s1;
	[sflag:s0] =	ssyncset.done @!p0 $0x0  }
0x4c: {  	[sflag:s0] =	ssyncadd.s32 @!p0 s1  }
0x4d: {  	[bflag:$0x3] =	sbarrier.arrive $0xFFFF  }
0x4e: {  	_ =	shalt  }

// kernel: kernel.14.cloned.1.call-start
scs
__scs_entry_jumppad:
0x0: {  	(pc) =	sbr.rel $0x88, $3  }
0x1: {  	(tag) =	ssettag $0x0;
	lr =	simm.s32 $0x1  }
0x2: {  	[smem:$0x3F7D] =	sst lr;
	_ =	strace $0xD0000000  }
0x3: {  	_ = 	snop  }
0x4: {  	_ = 	snop  }
0x5: {  	_ = 	snop  }
0x6: {  	_ = 	snop  }
0x7: {  	_ = 	snop  }
__scs_overlays_trampoline_lowered:
0x8: {  	[smem:$0x3F8C] =	sst s0  }
0x9: {  	[smem:$0x3F8D] =	sst s1  }
0xa: {  	[smem:$0x3F8E] =	sst s2  }
0xb: {  	[smem:$0x3F8F] =	sst s3  }
0xc: {  	[smem:$0x3F90] =	sst s4  }
0xd: {  	[smem:$0x3F91] =	sst s5  }
0xe: {  	[smem:$0x3F92] =	sst s6  }
0xf: {  	[smem:$0x3F93] =	sst s7  }
0x10: {  	[smem:$0x3F94] =	sst s8  }
0x11: {  	[smem:$0x3F95] =	sst s9;
	s0 =	simm.s32 @!p0 $0x0  }
0x12: {  	s1 =	sld [smem:$0x3F7B];
	s0 =	simm.s32 @p0 $0x1  }
0x13: {  	[smem:$0x3F96] =	sst s0;
	s0 =	simm.s32 @!p1 $0x0  }
0x14: {  	s2 =	sld [smem:$0x3F7A];
	s0 =	simm.s32 @p1 $0x1  }
0x15: {  	[smem:$0x3F97] =	sst s0;
	s0 =	simm.s32 @!p2 $0x0  }
0x16: {  	s3 =	sld [smem:$0x3FDB];
	s0 =	simm.s32 @p2 $0x1  }
0x17: {  	s4 =	simm.s32 $0x1BF5;
	[smem:$0x3F99] =	sst s0  }
0x18: {  	s0 =	sld [smem:$0x3F7C];
	_ =	swait.ge [sflag:s4], $0x0  }
0x19: {  	s7 =	sld [smem:$0x3F7D]  }
0x1a: {  	s8 =	sadd.s32 $0xFFFFE003, lr  }
0x1b: {  	s9 =	sadd.s32 $0xFFFFFEF7, lr;
	s5 =	simm.s32 $0xFFFFFFFF;
	p2 =	slt.u32 s8, $0xFFFFF086  }
0x1c: {  	p1 =	slt.u32 s9, $0xF7A;
	s5 =	simm.s32 @!p2 $0x0  }
0x1d: {  	s5 =	simm.s32 @p1 $0x1;
	p0 =	seq.s32 s7, s2  }
0x1e: {  	s7 =	smul.u32 @!p0 $0xF7A, s2;
	p2 =	seq.s32 @!p0 s5, $0x0  }
0x1f: {  	s9 =	smul.u32 $0xF7A, s1;
	s8 =	simm.s32 @!p0 $0x1BF5;
	p2 =	por !p2, p0  }
0x20: {  	[sflag:s8] =	ssyncset.s32 @!p0 $0xFFFFF086;
	s6 =	sadd.s32 @!p0 s3, s7;
	s7 =	simm.s32 @!p0 $0x108  }
0x21: {  	s3 =	sadd.s32 s3, s9;
	s6 =	sadd.s32 @!p0 $0x88, s6;
	s7 =	simm.s32 @p2 $0x1082  }
0x22: {  	[simem:s7], [sflag:s8] =	dma.local @!p0 [hbm:s6], $0xF7A  }
0x23: {  	s9 =	sor.u32 $0xD0000000, s2;
	s6 =	simm.s32 $0x108;
	_ =	swait.ge @!p0 [sflag:s8], $0x0  }
0x24: {  	s3 =	sadd.s32 $0x88, s3;
	s6 =	simm.s32 @!p1 $0x1082;
	[sflag:s4] =	ssyncset.s32 $0xFFFFF086  }
0x25: {  	[simem:s6], [sflag:s4] =	dma.local [hbm:s3], $0xF7A  }
0x26: {  	[smem:$0x3F7D] =	sst s1;
	(tag) =	ssettag s2;
	_ =	strace s9  }
0x27: {  	s1 =	sld [smem:$0x3F8D]  }
0x28: {  	s2 =	sld [smem:$0x3F8E]  }
0x29: {  	s4 =	sld [smem:$0x3F90]  }
0x2a: {  	p0 =	seq.s32 s5, $0x0;
	s5 =	sld [smem:$0x3F91]  }
0x2b: {  	s6 =	sld [smem:$0x3F92]  }
0x2c: {  	s7 =	sld [smem:$0x3F93]  }
0x2d: {  	s3 =	simm.s32 $0x108;
	s8 =	sld [smem:$0x3F94]  }
0x2e: {  	s3 =	simm.s32 @!p0 $0x1082;
	s9 =	sld [smem:$0x3F95]  }
0x2f: {  	lr =	sadd.s32 s0, s3;
	s0 =	sld [smem:$0x3F8C]  }
0x30: {  	s3 =	sld [smem:$0x3F8F]  }
0x31: {  	[smem:$0x3F98] =	sst s10  }
0x32: {  	s10 =	sld [smem:$0x3F96];
	_ =	sdelay $0x3  }
0x33: {  	p0 =	seq.s32 s10, $0x1;
	s10 =	sld [smem:$0x3F98];
	_ =	sdelay $0x3  }
0x34: {  	[smem:$0x3F98] =	sst s10  }
0x35: {  	s10 =	sld [smem:$0x3F97];
	_ =	sdelay $0x3  }
0x36: {  	p1 =	seq.s32 s10, $0x1;
	s10 =	sld [smem:$0x3F98];
	_ =	sdelay $0x3  }
0x37: {  	[smem:$0x3F98] =	sst s10  }
0x38: {  	s10 =	sld [smem:$0x3F99]  }
0x39: {  	_ = 	snop;
	(pc) =	sbr.ind lr, $3  }
0x3a: {  	_ = 	snop  }
0x3b: {  	_ = 	snop  }
0x3c: {  	p2 =	seq.s32 s10, $0x1;
	s10 =	sld [smem:$0x3F98]  }
0x3d: {  	_ =	shalt  }
0x3e: {  	_ =	shalt  }
0x3f: {  	_ =	shalt  }
0x40: {  	_ =	shalt  }
0x41: {  	_ =	shalt  }
0x42: {  	_ =	shalt  }
0x43: {  	_ =	shalt  }
0x44: {  	_ =	shalt  }
0x45: {  	_ =	shalt  }
0x46: {  	_ =	shalt  }
0x47: {  	_ =	shalt  }
0x48: {  	_ =	shalt  }
0x49: {  	_ =	shalt  }
0x4a: {  	_ =	shalt  }
0x4b: {  	_ =	shalt  }
0x4c: {  	_ =	shalt  }
0x4d: {  	_ =	shalt  }
0x4e: {  	_ =	shalt  }
0x4f: {  	_ =	shalt  }
0x50: {  	_ =	shalt  }
0x51: {  	_ =	shalt  }
0x52: {  	_ =	shalt  }
0x53: {  	_ =	shalt  }
0x54: {  	_ =	shalt  }
0x55: {  	_ =	shalt  }
0x56: {  	_ =	shalt  }
0x57: {  	_ =	shalt  }
0x58: {  	_ =	shalt  }
0x59: {  	_ =	shalt  }
0x5a: {  	_ =	shalt  }
0x5b: {  	_ =	shalt  }
0x5c: {  	_ =	shalt  }
0x5d: {  	_ =	shalt  }
0x5e: {  	_ =	shalt  }
0x5f: {  	_ =	shalt  }
0x60: {  	_ =	shalt  }
0x61: {  	_ =	shalt  }
0x62: {  	_ =	shalt  }
0x63: {  	_ =	shalt  }
0x64: {  	_ =	shalt  }
0x65: {  	_ =	shalt  }
0x66: {  	_ =	shalt  }
0x67: {  	_ =	shalt  }
0x68: {  	_ =	shalt  }
0x69: {  	_ =	shalt  }
0x6a: {  	_ =	shalt  }
0x6b: {  	_ =	shalt  }
0x6c: {  	_ =	shalt  }
0x6d: {  	_ =	shalt  }
0x6e: {  	_ =	shalt  }
0x6f: {  	_ =	shalt  }
0x70: {  	_ =	shalt  }
0x71: {  	_ =	shalt  }
0x72: {  	_ =	shalt  }
0x73: {  	_ =	shalt  }
0x74: {  	_ =	shalt  }
0x75: {  	_ =	shalt  }
0x76: {  	_ =	shalt  }
0x77: {  	_ =	shalt  }
0x78: {  	_ =	shalt  }
0x79: {  	_ =	shalt  }
0x7a: {  	_ =	shalt  }
0x7b: {  	_ =	shalt  }
0x7c: {  	_ =	shalt  }
0x7d: {  	_ =	shalt  }
0x7e: {  	_ =	shalt  }
0x7f: {  	_ =	shalt  }
0x80: {  	_ =	shalt  }
0x81: {  	_ =	shalt  }
0x82: {  	_ =	shalt  }
0x83: {  	_ =	shalt  }
0x84: {  	_ =	shalt  }
0x85: {  	_ =	shalt  }
0x86: {  	_ =	shalt  }
0x87: {  	_ =	shalt  }
.Lfunc_end0:
.L_simem_size_0:
called_computation.4_lowered:
.L_overlay_start_0:
0x88: {  	s2 =	sld [smem:$0x3FD9]  }
0x89: {  	s3 =	sld [smem:$0x3FFE];
	_ =	sdelay $0x1  }
0x8a: {  	s1 =	srdreg.scid  }
0x8b: {  	s0 =	sand.u32 $0x1, s1  }
0x8c: {  	s17 =	sshll.u32 s0, $0xA;
	s2 =	sadd.s32 s3, s2  }
0x8d: {  	s2 =	sadd.s32 s2, s17  }
0x8e: {  	[smem:$0x3FA4] =	sst s2  }
0x8f: {  	_ = 	snop  }
0x90: {  	s2 =	sld [smem:$0x3FC9];
	(tm) =	ssettm $0x1  }
0x91: {  	s18 =	sld [smem:$0x3FFB];
	_ =	sdelay $0x3  }
0x92: {  	_ =	strace s18  }
0x93: {  	s3 =	sld [smem:$0x3FFC];
	_ =	sdelay $0x3  }
0x94: {  	_ =	strace s3  }
0x95: {  	s3 =	sld [smem:$0x3FFD];
	_ =	sdelay $0x3  }
0x96: {  	_ =	strace s3  }
0x97: {  	_ =	strace $0x8FFFFFFF  }
0x98: {  	s19 =	sld [smem:$0x3FDB];
	_ =	sdelay $0x1  }
0x99: {  	s4 =	simm.s32 $_scs_section_size  }
0x9a: {  	s5 =	simm.s32 $_size__tile_overlayer_lowered;
	s6 =	simm.s32 $_tile_overlayer_lowered  }
0x9b: {  	s22 =	simm.s32 $0x1BFF;
	s21 =	sshll.u32 s6, $0x1;
	s3 =	sadd.s32 s4, s19  }
0x9c: {  	s7 =	simm.s32 $0x0;
	s20 =	sshll.u32 s5, $0x1;
	s5 =	sadd.s32 s21, s3  }
0x9d: {  	[timem:s7], [sflag:s22] =	dma.local [hbm:s5], s20  }
0x9e: {  	_ =	swait.ge [sflag:s22], s20  }
0x9f: {  	s4 =	ssub.s32 $0x0, s20;
	[sflag:s22] =	ssyncset.done $0x0  }
0xa0: {  	[sflag:s22] =	ssyncadd.s32 s4;
	_ =	sdelay $0x1  }
0xa1: {  	s23 =	simm.s32 $0x1B8B  }
0xa2: {  	_ =	swait.ge [sflag:s23], $0x1  }
0xa3: {  	[sflag:s23] =	ssyncset.done $0x0  }
0xa4: {  	s25 =	simm.s32 $0x1B8E;
	s24 =	sld [smem:$0x3FFE];
	[sflag:s23] =	ssyncadd.s32 $0xFFFFFFFF  }
0xa5: {  	s26 =	simm.s32 $execute0_lowered;
	[smem:$0x3FD2] =	sst s25  }
0xa6: {  	s5 =	sshll.u32 s26, $0x1;
	_ =	strace $0x8000004F;
	[dreg:$0x1] =	wrdreg $0xFFFFFFFF  }
0xa7: {  	s28 =	simm.s32 $_size_execute0_lowered;
	s3 =	sadd.s32 s3, s5;
	[dreg:$0x0] =	wrdreg $0x0  }
0xa8: {  	s5 =	sshll.u32 s28, $0x1;
	[dreg:$0x2] =	wrdreg s3  }
0xa9: {  	[dreg:$0x3] =	wrdreg s5  }
0xaa: {  	[dreg:$0x4] =	wrdreg $0xC0  }
0xab: {  	_ =	task [dreg:s7], $0x5FFFF  }
0xac: {  	[dreg:$0x1] =	wrdreg $0xFFFFFFFF  }
0xad: {  	[dreg:$0x0] =	wrdreg $0x60  }
0xae: {  	[dreg:$0x2] =	wrdreg s2  }
0xaf: {  	[dreg:$0x3] =	wrdreg s24  }
0xb0: {  	[dreg:$0x4] =	wrdreg $0xD8000  }
0xb1: {  	[dreg:$0x5] =	wrdreg $0x9  }
0xb2: {  	_ =	task.clear_ibuf [dreg:s7], $0x6FFFF;
	_ =	strace $0x9000004F  }
0xb3: {  	s29 =	simm.s32 $0x9;
	_ =	strace $0x80000051  }
0xb4: {  	_ =	swait.ge [sflag:s29], $0x1  }
0xb5: {  	[sflag:s29] =	ssyncadd.s32 $0xFFFFFFFF  }
0xb6: {  	_ =	strace $0x90000051  }
0xb7: {  	_ =	sfence  }
0xb8: {  	s30 =	sld [smem:$0x0];
	_ =	sdelay $0x2  }
0xb9: {  	s31 =	sshll.u32 s1, $0xD;
	s1 =	sshrl.u32 s1, $0x2  }
0xba: {  	s3 =	sand.u32 $0x4000, s31;
	s1 =	sadd.s32 s1, s30  }
0xbb: {  	s0 =	sor.u32 s3, s0;
	s1 =	sshll.u32 s1, $0x11  }
0xbc: {  	s0 =	sor.u32 s1, s0  }
0xbd: {  	s0 =	sadd.s32 $0x8F2B, s0  }
0xbe: {  	[sflag:s0] =	ssyncadd.remote.s32 $0x1  }
0xbf: {  	_ =	sfence.sel $0xFFFF  }
0xc0: {  	[dreg:$0x0] =	wrdreg $0xFFFFFFFF;
	(pc) =	sbr.abs _section_cstart, $3  }
0xc1: {  	[dreg:$0x1] =	wrdreg $0xFFFFFFFF  }
0xc2: {  	_ =	task.clear_ibuf [dreg:s7], $0x2FFFF;
	_ =	strace $0x9FFFFFFF  }
0xc3: {  	(tm) =	ssettm $0x7FFFFFFF  }
tec
execute0_lowered:
.L_overlay_start_1:
0x0: {  	(tag) =	ssettag $0x1  }
0x1: {  	s1 =	rddreg [dreg:$0x0]  }
0x2: {  	s6 =	rddreg [dreg:$0x1]  }
0x3: {  	s3 =	rddreg [dreg:$0x2]  }
0x4: {  	s0 =	srdreg.scid;
	s2 =	rddreg [dreg:$0x3]  }
0x5: {  	s4 =	simm.s32 $0x0;
	s14 =	simm.s32 $0x80;
	s15 =	simm.s32 $0x5800  }
0x6: {  	s16 =	simm.s32 $0x9800;
	s17 =	simm.s32 $0x1;
	s5 =	sand.u32 $0x1, s0  }
0x7: {  	s18 =	simm.s32 $0x2;
	s0 =	stileid.u32;
	s7 =	smul.u32 $0x2C000, s5  }
0x8: {  	s19 =	simm.s32 $0x0;
	[smem:$0x7FF] =	sst s4;
	s8 =	smul.u32 $0x2C00, s0  }
0x9: {  	s9 =	sshll.u32 s5, $0x4;
	_ =	strace $0x80000050;
	s28 =	ssub.s32 $0x2, s5  }
0xa: {  	s10 =	smul.u32 $0x28000, s0;
	s5 =	sadd.s32 $0x18A00, s6;
	s31 =	sshll.u32 s0, $0x6  }
0xb: {  	s25 =	sor.u32 s0, s9;
	s29 =	sshrl.u32 s28, $0x1;
	s7 =	sadd.s32 s8, s7  }
0xc: {  	s8 =	smul.u32 $0x1400, s25;
	s12 =	ssub.s32 s28, s29;
	s30 =	sshrl.u32 s10, $0x2  }
0xd: {  	s7 =	sshrl.u32 s7, $0x3;
	s13 =	sadd.s32 s30, s3;
	s10 =	smax.u32 s12, $0x1  }
0xe: {  	s12 =	simm.s32 $0x3;
	s26 =	sadd.s32 s7, s6;
	s11 =	sadd.s32 s8, s6  }
0xf: {  	s6 =	sor.u32 $0x1C03, s31;
	s7 =	sadd.s32 $0xDA00, s26;
	s8 =	sadd.s32 $0x2A00, s26  }
0x10: {  	s9 =	sadd.s32 $0x19E00, s11;
	s11 =	sshrl.u32 s13, $0x3;
	s13 =	simm.s32 $0x2C00  }
.LBB2_1:
0x11: {  	[spmem:s11], [sflag:s6] =	dma.local [hbm:s5], $0x1400  }
0x12: {  	_ =	swait.ge [sflag:s12], $0x1400  }
0x13: {  	[sflag:s12] =	ssyncset.done $0x0  }
0x14: {  	[sflag:s12] =	ssyncadd.s32 $0xFFFFEC00  }
0x15: {  	[tilespmem:s4], [sflag:$0x3] =	stream.linear.gather [hbm4b:s7+s4], $0x2A00, $0x38;
	[tilespmem:$0x18000] =	vst v63  }
0x16: {  	_ =	swait.ge [sflag:s12], $0x2A00  }
0x17: {  	[sflag:s12] =	ssyncset.done $0x0  }
0x18: {  	[sflag:s12] =	ssyncadd.s32 $0xFFFFD600  }
0x19: {  	[tilespmem:s13], [sflag:$0x3] =	stream.linear.gather [hbm4b:s8+s4], $0x2A00, $0x38;
	[tilespmem:$0x18000] =	vst v63  }
0x1a: {  	_ =	swait.ge [sflag:s12], $0x2A00  }
0x1b: {  	[sflag:s12] =	ssyncset.done $0x0  }
0x1c: {  	[sflag:s12] =	ssyncadd.s32 $0xFFFFD600  }
0x1d: {  	s20 =	simm.s32 $0x0;
	[bflag:$0x0] =	sbarrier.arrive $0xFFFF  }
0x1e: {  	[tilespmem:s15], [sflag:$0x1] =	stream.indirect.gather [hbm4b:s1+s14], $0x80, s20, s14, $0xb8;
	[tilespmem:$0x18000] =	vst v63  }
0x1f: {  	s29 =	simm.s32 $0x80  }
0x20: {  	[tilespmem:s16], [sflag:$0x2] =	stream.indirect.gather [hbm4b:s1+s14], $0x80, s29, s14, $0xb8;
	[tilespmem:$0x18000] =	vst v63  }
0x21: {  	_ =	swait.ge [sflag:s17], $0x4000  }
0x22: {  	[sflag:s17] =	ssyncset.done $0x0  }
0x23: {  	s30 =	simm.s32 $0x2C00;
	[sflag:s17] =	ssyncadd.s32 $0xFFFFC000  }
0x24: {  	[spmem:s3] =	stream.indirect.scatter.add.f32 [tilespmem:s15], [sflag:$0x3], $0x80, s30, s14, $0xb8;
	[tilespmem:$0x18000] =	vst v63  }
0x25: {  	_ =	swait.ge [sflag:s12], $0x4000  }
0x26: {  	[sflag:s12] =	ssyncset.done $0x0  }
0x27: {  	[sflag:s12] =	ssyncadd.s32 $0xFFFFC000  }
0x28: {  	_ =	swait.ge [sflag:s18], $0x4000  }
0x29: {  	[sflag:s18] =	ssyncset.done $0x0  }
0x2a: {  	s31 =	simm.s32 $0x2C80;
	[sflag:s18] =	ssyncadd.s32 $0xFFFFC000  }
0x2b: {  	[spmem:s3] =	stream.indirect.scatter.add.f32 [tilespmem:s16], [sflag:$0x3], $0x80, s31, s14, $0xb8;
	[tilespmem:$0x18000] =	vst v63  }
0x2c: {  	_ =	swait.ge [sflag:s12], $0x4000  }
0x2d: {  	s21 =	simm.s32 $0x800;
	s20 =	simm.s32 $0x400;
	[sflag:s12] =	ssyncset.done $0x0  }
.LBB2_2:
0x2e: {  	s22 =	sshra.s32 s20, $0x2  }
0x2f: {  	[sflag:s12] =	ssyncadd.s32 $0xFFFFC000;
	s20 =	smov.u32 s21;
	s23 =	sadd.s32 $0x400, s21  }
0x30: {  	[tilespmem:s15], [sflag:$0x1] =	stream.indirect.gather [hbm4b:s1+s14], $0x80, s22, s14, $0xb8;
	[tilespmem:$0x18000] =	vst v63  }
0x31: {  	p0 =	sne.s32 s21, $0xA400;
	s21 =	sadd.s32 $0x80, s22  }
0x32: {  	[tilespmem:s16], [sflag:$0x2] =	stream.indirect.gather [hbm4b:s1+s14], $0x80, s21, s14, $0xb8;
	[tilespmem:$0x18000] =	vst v63  }
0x33: {  	_ =	swait.ge [sflag:s17], $0x4000  }
0x34: {  	[sflag:s17] =	ssyncset.done $0x0  }
0x35: {  	s21 =	sadd.s32 $0x2C00, s22;
	[sflag:s17] =	ssyncadd.s32 $0xFFFFC000  }
0x36: {  	[spmem:s3] =	stream.indirect.scatter.add.f32 [tilespmem:s15], [sflag:$0x3], $0x80, s21, s14, $0xb8;
	[tilespmem:$0x18000] =	vst v63  }
0x37: {  	_ =	swait.ge [sflag:s12], $0x4000  }
0x38: {  	[sflag:s12] =	ssyncset.done $0x0  }
0x39: {  	[sflag:s12] =	ssyncadd.s32 $0xFFFFC000  }
0x3a: {  	_ =	swait.ge [sflag:s18], $0x4000  }
.Ltmp0:
0x3b: {  	[sflag:s18] =	ssyncset.done $0x0;
	(pc) =	sbr.rel @p0 .LBB2_2-.Ltmp0, $4  }
0x3c: {  	s21 =	sadd.s32 $0x2C80, s22;
	[sflag:s18] =	ssyncadd.s32 $0xFFFFC000  }
0x3d: {  	[spmem:s3] =	stream.indirect.scatter.add.f32 [tilespmem:s16], [sflag:$0x3], $0x80, s21, s14, $0xb8;
	[tilespmem:$0x18000] =	vst v63  }
0x3e: {  	_ =	swait.ge [sflag:s12], $0x4000  }
0x3f: {  	s21 =	smov.u32 s23;
	[sflag:s12] =	ssyncset.done $0x0  }
0x40: {  	s20 =	sshra.s32 s20, $0x2;
	[sflag:s12] =	ssyncadd.s32 $0xFFFFC000  }
0x41: {  	[tilespmem:s15], [sflag:$0x1] =	stream.indirect.gather [hbm4b:s1+s14], $0x80, s20, s14, $0xb8;
	[tilespmem:$0x18000] =	vst v63  }
0x42: {  	s21 =	sadd.s32 $0x80, s20  }
0x43: {  	[tilespmem:s16], [sflag:$0x2] =	stream.indirect.gather [hbm4b:s1+s14], $0x80, s21, s14, $0xb8;
	[tilespmem:$0x18000] =	vst v63  }
0x44: {  	_ =	swait.ge [sflag:s17], $0x4000  }
0x45: {  	[sflag:s17] =	ssyncset.done $0x0  }
0x46: {  	s31 =	sadd.s32 $0x2C00, s20;
	[sflag:s17] =	ssyncadd.s32 $0xFFFFC000  }
0x47: {  	[spmem:s3] =	stream.indirect.scatter.add.f32 [tilespmem:s15], [sflag:$0x3], $0x80, s31, s14, $0xb8;
	[tilespmem:$0x18000] =	vst v63  }
0x48: {  	_ =	swait.ge [sflag:s12], $0x4000  }
0x49: {  	[sflag:s12] =	ssyncset.done $0x0  }
0x4a: {  	[sflag:s12] =	ssyncadd.s32 $0xFFFFC000  }
0x4b: {  	_ =	swait.ge [sflag:s18], $0x4000  }
0x4c: {  	[sflag:s18] =	ssyncset.done $0x0  }
0x4d: {  	s20 =	sadd.s32 $0x2C80, s20;
	[sflag:s18] =	ssyncadd.s32 $0xFFFFC000  }
0x4e: {  	[spmem:s3] =	stream.indirect.scatter.add.f32 [tilespmem:s16], [sflag:$0x3], $0x80, s20, s14, $0xb8;
	[tilespmem:$0x18000] =	vst v63  }
0x4f: {  	_ =	swait.ge [sflag:s12], $0x4000  }
0x50: {  	s19 =	sadd.s32 $0x1, s19;
	[sflag:s12] =	ssyncset.done $0x0  }
0x51: {  	p0 =	sne.s32 s19, s10;
	[sflag:s12] =	ssyncadd.s32 $0xFFFFC000  }
.Ltmp1:
0x52: {  	[bflag:$0x0] =	sbarrier.arrive $0xFFFF;
	(pc) =	sbr.rel @p0 .LBB2_1-.Ltmp1, $4  }
0x53: {  	[hbm:s9], [sflag:s6] =	dma.local [spmem:s11], $0x1400  }
0x54: {  	_ =	swait.ge [sflag:s12], $0x1400  }
0x55: {  	[sflag:s12] =	ssyncset.done $0x0  }
0x56: {  	[sflag:s12] =	ssyncadd.s32 $0xFFFFEC00  }
0x57: {  	_ =	sfence.sel $0x180000  }
0x58: {  	[bflag:$0x0] =	sbarrier.arrive $0xFFFF  }
0x59: {  	p0 =	sne.s32 s0, $0x0;
	_ =	strace $0x90000050  }
0x5a: {  	s0 =	sadd.s32 @!p0 $0x100000, s2;
	[bflag:$0x2] =	sbarrier.arrive $0xFFFF  }
0x5b: {  	[sflag:s0] =	ssyncadd.tile.s32 @!p0 $0x1;
	_ =	shalt  }
.Lfunc_end2:
_tile_overlayer_lowered:
.L_overlay_start_2:
0x5c: {  	(tag) =	ssettag $0x2  }
0x5d: {  	s0 =	rddreg [dreg:$0x0];
	s2 =	stileid.u32  }
0x5e: {  	s1 =	rddreg [dreg:$0x1];
	p0 =	sne.s32 s2, $0x0  }
0x5f: {  	s3 =	rddreg [dreg:$0x2];
	[bflag:$0x3] =	sbarrier.arrive $0xFFFF;
	s2 =	simm.s32 @!p0 $0x1C03  }
0x60: {  	[timem:s3], [sflag:s2] =	dma.local @!p0 [hbm:s0], s1  }
0x61: {  	s0 =	simm.s32 @!p0 $0x3  }
0x62: {  	_ =	swait.ge @!p0 [sflag:s0], s1  }
0x63: {  	s1 =	ssub.s32 @!p0 $0x0, s1;
	[sflag:s0] =	ssyncset.done @!p0 $0x0  }
0x64: {  	[sflag:s0] =	ssyncadd.s32 @!p0 s1  }
0x65: {  	[bflag:$0x3] =	sbarrier.arrive $0xFFFF  }
0x66: {  	_ =	shalt  }

// kernel: kernel.17.cloned.1.call-start
scs
__scs_entry_jumppad:
0x0: {  	(pc) =	sbr.rel $0x88, $3  }
0x1: {  	(tag) =	ssettag $0x0;
	lr =	simm.s32 $0x1  }
0x2: {  	[smem:$0x3F7D] =	sst lr;
	_ =	strace $0xD0000000  }
0x3: {  	_ = 	snop  }
0x4: {  	_ = 	snop  }
0x5: {  	_ = 	snop  }
0x6: {  	_ = 	snop  }
0x7: {  	_ = 	snop  }
__scs_overlays_trampoline_lowered:
0x8: {  	[smem:$0x3F8C] =	sst s0  }
0x9: {  	[smem:$0x3F8D] =	sst s1  }
0xa: {  	[smem:$0x3F8E] =	sst s2  }
0xb: {  	[smem:$0x3F8F] =	sst s3  }
0xc: {  	[smem:$0x3F90] =	sst s4  }
0xd: {  	[smem:$0x3F91] =	sst s5  }
0xe: {  	[smem:$0x3F92] =	sst s6  }
0xf: {  	[smem:$0x3F93] =	sst s7  }
0x10: {  	[smem:$0x3F94] =	sst s8  }
0x11: {  	[smem:$0x3F95] =	sst s9;
	s0 =	simm.s32 @!p0 $0x0  }
0x12: {  	s1 =	sld [smem:$0x3F7B];
	s0 =	simm.s32 @p0 $0x1  }
0x13: {  	[smem:$0x3F96] =	sst s0;
	s0 =	simm.s32 @!p1 $0x0  }
0x14: {  	s2 =	sld [smem:$0x3F7A];
	s0 =	simm.s32 @p1 $0x1  }
0x15: {  	[smem:$0x3F97] =	sst s0;
	s0 =	simm.s32 @!p2 $0x0  }
0x16: {  	s3 =	sld [smem:$0x3FDB];
	s0 =	simm.s32 @p2 $0x1  }
0x17: {  	s4 =	simm.s32 $0x1BF5;
	[smem:$0x3F99] =	sst s0  }
0x18: {  	s0 =	sld [smem:$0x3F7C];
	_ =	swait.ge [sflag:s4], $0x0  }
0x19: {  	s7 =	sld [smem:$0x3F7D]  }
0x1a: {  	s8 =	sadd.s32 $0xFFFFE003, lr  }
0x1b: {  	s9 =	sadd.s32 $0xFFFFFEF7, lr;
	s5 =	simm.s32 $0xFFFFFFFF;
	p2 =	slt.u32 s8, $0xFFFFF086  }
0x1c: {  	p1 =	slt.u32 s9, $0xF7A;
	s5 =	simm.s32 @!p2 $0x0  }
0x1d: {  	s5 =	simm.s32 @p1 $0x1;
	p0 =	seq.s32 s7, s2  }
0x1e: {  	s7 =	smul.u32 @!p0 $0xF7A, s2;
	p2 =	seq.s32 @!p0 s5, $0x0  }
0x1f: {  	s9 =	smul.u32 $0xF7A, s1;
	s8 =	simm.s32 @!p0 $0x1BF5;
	p2 =	por !p2, p0  }
0x20: {  	[sflag:s8] =	ssyncset.s32 @!p0 $0xFFFFF086;
	s6 =	sadd.s32 @!p0 s3, s7;
	s7 =	simm.s32 @!p0 $0x108  }
0x21: {  	s3 =	sadd.s32 s3, s9;
	s6 =	sadd.s32 @!p0 $0x88, s6;
	s7 =	simm.s32 @p2 $0x1082  }
0x22: {  	[simem:s7], [sflag:s8] =	dma.local @!p0 [hbm:s6], $0xF7A  }
0x23: {  	s9 =	sor.u32 $0xD0000000, s2;
	s6 =	simm.s32 $0x108;
	_ =	swait.ge @!p0 [sflag:s8], $0x0  }
0x24: {  	s3 =	sadd.s32 $0x88, s3;
	s6 =	simm.s32 @!p1 $0x1082;
	[sflag:s4] =	ssyncset.s32 $0xFFFFF086  }
0x25: {  	[simem:s6], [sflag:s4] =	dma.local [hbm:s3], $0xF7A  }
0x26: {  	[smem:$0x3F7D] =	sst s1;
	(tag) =	ssettag s2;
	_ =	strace s9  }
0x27: {  	s1 =	sld [smem:$0x3F8D]  }
0x28: {  	s2 =	sld [smem:$0x3F8E]  }
0x29: {  	s4 =	sld [smem:$0x3F90]  }
0x2a: {  	p0 =	seq.s32 s5, $0x0;
	s5 =	sld [smem:$0x3F91]  }
0x2b: {  	s6 =	sld [smem:$0x3F92]  }
0x2c: {  	s7 =	sld [smem:$0x3F93]  }
0x2d: {  	s3 =	simm.s32 $0x108;
	s8 =	sld [smem:$0x3F94]  }
0x2e: {  	s3 =	simm.s32 @!p0 $0x1082;
	s9 =	sld [smem:$0x3F95]  }
0x2f: {  	lr =	sadd.s32 s0, s3;
	s0 =	sld [smem:$0x3F8C]  }
0x30: {  	s3 =	sld [smem:$0x3F8F]  }
0x31: {  	[smem:$0x3F98] =	sst s10  }
0x32: {  	s10 =	sld [smem:$0x3F96];
	_ =	sdelay $0x3  }
0x33: {  	p0 =	seq.s32 s10, $0x1;
	s10 =	sld [smem:$0x3F98];
	_ =	sdelay $0x3  }
0x34: {  	[smem:$0x3F98] =	sst s10  }
0x35: {  	s10 =	sld [smem:$0x3F97];
	_ =	sdelay $0x3  }
0x36: {  	p1 =	seq.s32 s10, $0x1;
	s10 =	sld [smem:$0x3F98];
	_ =	sdelay $0x3  }
0x37: {  	[smem:$0x3F98] =	sst s10  }
0x38: {  	s10 =	sld [smem:$0x3F99]  }
0x39: {  	_ = 	snop;
	(pc) =	sbr.ind lr, $3  }
0x3a: {  	_ = 	snop  }
0x3b: {  	_ = 	snop  }
0x3c: {  	p2 =	seq.s32 s10, $0x1;
	s10 =	sld [smem:$0x3F98]  }
0x3d: {  	_ =	shalt  }
0x3e: {  	_ =	shalt  }
0x3f: {  	_ =	shalt  }
0x40: {  	_ =	shalt  }
0x41: {  	_ =	shalt  }
0x42: {  	_ =	shalt  }
0x43: {  	_ =	shalt  }
0x44: {  	_ =	shalt  }
0x45: {  	_ =	shalt  }
0x46: {  	_ =	shalt  }
0x47: {  	_ =	shalt  }
0x48: {  	_ =	shalt  }
0x49: {  	_ =	shalt  }
0x4a: {  	_ =	shalt  }
0x4b: {  	_ =	shalt  }
0x4c: {  	_ =	shalt  }
0x4d: {  	_ =	shalt  }
0x4e: {  	_ =	shalt  }
0x4f: {  	_ =	shalt  }
0x50: {  	_ =	shalt  }
0x51: {  	_ =	shalt  }
0x52: {  	_ =	shalt  }
0x53: {  	_ =	shalt  }
0x54: {  	_ =	shalt  }
0x55: {  	_ =	shalt  }
0x56: {  	_ =	shalt  }
0x57: {  	_ =	shalt  }
0x58: {  	_ =	shalt  }
0x59: {  	_ =	shalt  }
0x5a: {  	_ =	shalt  }
0x5b: {  	_ =	shalt  }
0x5c: {  	_ =	shalt  }
0x5d: {  	_ =	shalt  }
0x5e: {  	_ =	shalt  }
0x5f: {  	_ =	shalt  }
0x60: {  	_ =	shalt  }
0x61: {  	_ =	shalt  }
0x62: {  	_ =	shalt  }
0x63: {  	_ =	shalt  }
0x64: {  	_ =	shalt  }
0x65: {  	_ =	shalt  }
0x66: {  	_ =	shalt  }
0x67: {  	_ =	shalt  }
0x68: {  	_ =	shalt  }
0x69: {  	_ =	shalt  }
0x6a: {  	_ =	shalt  }
0x6b: {  	_ =	shalt  }
0x6c: {  	_ =	shalt  }
0x6d: {  	_ =	shalt  }
0x6e: {  	_ =	shalt  }
0x6f: {  	_ =	shalt  }
0x70: {  	_ =	shalt  }
0x71: {  	_ =	shalt  }
0x72: {  	_ =	shalt  }
0x73: {  	_ =	shalt  }
0x74: {  	_ =	shalt  }
0x75: {  	_ =	shalt  }
0x76: {  	_ =	shalt  }
0x77: {  	_ =	shalt  }
0x78: {  	_ =	shalt  }
0x79: {  	_ =	shalt  }
0x7a: {  	_ =	shalt  }
0x7b: {  	_ =	shalt  }
0x7c: {  	_ =	shalt  }
0x7d: {  	_ =	shalt  }
0x7e: {  	_ =	shalt  }
0x7f: {  	_ =	shalt  }
0x80: {  	_ =	shalt  }
0x81: {  	_ =	shalt  }
0x82: {  	_ =	shalt  }
0x83: {  	_ =	shalt  }
0x84: {  	_ =	shalt  }
0x85: {  	_ =	shalt  }
0x86: {  	_ =	shalt  }
0x87: {  	_ =	shalt  }
.Lfunc_end0:
.L_simem_size_0:
called_computation.5_lowered:
.L_overlay_start_0:
0x88: {  	s2 =	sld [smem:$0x3FD9]  }
0x89: {  	s3 =	sld [smem:$0x3FFE];
	_ =	sdelay $0x1  }
0x8a: {  	s1 =	srdreg.scid  }
0x8b: {  	s0 =	sand.u32 $0x1, s1  }
0x8c: {  	s16 =	sshll.u32 s0, $0xA;
	s2 =	sadd.s32 s3, s2  }
0x8d: {  	s2 =	sadd.s32 s2, s16  }
0x8e: {  	[smem:$0x3FA4] =	sst s2  }
0x8f: {  	_ = 	snop  }
0x90: {  	(tm) =	ssettm $0x1  }
0x91: {  	s17 =	sld [smem:$0x3FFB];
	_ =	sdelay $0x3  }
0x92: {  	_ =	strace s17  }
0x93: {  	s2 =	sld [smem:$0x3FFC];
	_ =	sdelay $0x3  }
0x94: {  	_ =	strace s2  }
0x95: {  	s2 =	sld [smem:$0x3FFD];
	_ =	sdelay $0x3  }
0x96: {  	_ =	strace s2  }
0x97: {  	_ =	strace $0x8FFFFFFF  }
0x98: {  	s18 =	sld [smem:$0x3FDB];
	_ =	sdelay $0x1  }
0x99: {  	s19 =	simm.s32 $_scs_section_size  }
0x9a: {  	s4 =	simm.s32 $_size__tile_overlayer_lowered;
	s5 =	simm.s32 $_tile_overlayer_lowered  }
0x9b: {  	s22 =	simm.s32 $0x1BFF;
	s21 =	sshll.u32 s5, $0x1;
	s2 =	sadd.s32 s19, s18  }
0x9c: {  	s6 =	simm.s32 $0x0;
	s20 =	sshll.u32 s4, $0x1;
	s4 =	sadd.s32 s21, s2  }
0x9d: {  	[timem:s6], [sflag:s22] =	dma.local [hbm:s4], s20  }
0x9e: {  	_ =	swait.ge [sflag:s22], s20  }
0x9f: {  	s3 =	ssub.s32 $0x0, s20;
	[sflag:s22] =	ssyncset.done $0x0  }
0xa0: {  	[sflag:s22] =	ssyncadd.s32 s3;
	_ =	sdelay $0x1  }
0xa1: {  	s23 =	simm.s32 $0x1B8B  }
0xa2: {  	_ =	swait.ge [sflag:s23], $0x1  }
0xa3: {  	[sflag:s23] =	ssyncset.done $0x0  }
0xa4: {  	s25 =	simm.s32 $0x1B8E;
	s24 =	sld [smem:$0x3FFE];
	[sflag:s23] =	ssyncadd.s32 $0xFFFFFFFF  }
0xa5: {  	s26 =	simm.s32 $execute0_lowered;
	[smem:$0x3FD2] =	sst s25  }
0xa6: {  	s4 =	sshll.u32 s26, $0x1;
	_ =	strace $0x80000052;
	[dreg:$0x1] =	wrdreg $0xFFFFFFFF  }
0xa7: {  	s28 =	simm.s32 $_size_execute0_lowered;
	s2 =	sadd.s32 s2, s4;
	[dreg:$0x0] =	wrdreg $0x0  }
0xa8: {  	s4 =	sshll.u32 s28, $0x1;
	[dreg:$0x2] =	wrdreg s2  }
0xa9: {  	[dreg:$0x3] =	wrdreg s4  }
0xaa: {  	[dreg:$0x4] =	wrdreg $0xC0  }
0xab: {  	_ =	task [dreg:s6], $0x5FFFF  }
0xac: {  	[dreg:$0x1] =	wrdreg $0xFFFFFFFF  }
0xad: {  	[dreg:$0x0] =	wrdreg $0x60  }
0xae: {  	[dreg:$0x2] =	wrdreg s24  }
0xaf: {  	[dreg:$0x3] =	wrdreg $0xD8000  }
0xb0: {  	[dreg:$0x4] =	wrdreg $0x9  }
0xb1: {  	_ =	task.clear_ibuf [dreg:s6], $0x5FFFF;
	_ =	strace $0x90000052  }
0xb2: {  	s29 =	simm.s32 $0x9;
	_ =	strace $0x80000054  }
0xb3: {  	_ =	swait.ge [sflag:s29], $0x1  }
0xb4: {  	[sflag:s29] =	ssyncadd.s32 $0xFFFFFFFF  }
0xb5: {  	_ =	strace $0x90000054  }
0xb6: {  	_ =	sfence  }
0xb7: {  	s30 =	sld [smem:$0x0];
	_ =	sdelay $0x2  }
0xb8: {  	s31 =	sshll.u32 s1, $0xD;
	s1 =	sshrl.u32 s1, $0x2  }
0xb9: {  	s3 =	sand.u32 $0x4000, s31;
	s1 =	sadd.s32 s1, s30  }
0xba: {  	s0 =	sor.u32 s3, s0;
	s1 =	sshll.u32 s1, $0x11  }
0xbb: {  	s0 =	sor.u32 s1, s0  }
0xbc: {  	s0 =	sadd.s32 $0x8F2B, s0  }
0xbd: {  	[sflag:s0] =	ssyncadd.remote.s32 $0x1  }
0xbe: {  	_ =	sfence.sel $0xFFFF  }
0xbf: {  	[dreg:$0x0] =	wrdreg $0xFFFFFFFF;
	(pc) =	sbr.abs _section_cstart, $3  }
0xc0: {  	[dreg:$0x1] =	wrdreg $0xFFFFFFFF  }
0xc1: {  	_ =	task.clear_ibuf [dreg:s6], $0x2FFFF;
	_ =	strace $0x9FFFFFFF  }
0xc2: {  	(tm) =	ssettm $0x7FFFFFFF  }
0xc3: {  	_ =	shalt  }
tec
execute0_lowered:
.L_overlay_start_1:
0x0: {  	(tag) =	ssettag $0x1  }
0x1: {  	s6 =	rddreg [dreg:$0x0];
	s0 =	srdreg.scid  }
0x2: {  	s2 =	rddreg [dreg:$0x1];
	s1 =	stileid.u32;
	s3 =	simm.s32 $0x0  }
0x3: {  	s14 =	simm.s32 $0x80;
	s15 =	simm.s32 $0x5800;
	s16 =	simm.s32 $0x9800  }
0x4: {  	s17 =	simm.s32 $0x1;
	s18 =	simm.s32 $0x2;
	s19 =	simm.s32 $0x0  }
0x5: {  	s5 =	sand.u32 $0x1, s0;
	s0 =	rddreg [dreg:$0x2];
	s7 =	smul.u32 $0x2C00, s1  }
0x6: {  	[smem:$0x7FF] =	sst s3;
	s10 =	smul.u32 $0x28000, s1;
	s31 =	sshll.u32 s1, $0x6  }
0x7: {  	s4 =	smul.u32 $0x2C000, s5;
	s8 =	sshll.u32 s5, $0x4;
	_ =	strace $0x80000053  }
0x8: {  	s28 =	ssub.s32 $0x2, s5;
	s5 =	sadd.s32 $0x18A00, s6;
	s8 =	sor.u32 s1, s8  }
0x9: {  	s29 =	sshrl.u32 s28, $0x1;
	s30 =	sshrl.u32 s10, $0x2;
	s7 =	sadd.s32 s7, s4  }
0xa: {  	s4 =	sadd.s32 $0x19E00, s6;
	s8 =	smul.u32 $0x1400, s8;
	s12 =	ssub.s32 s28, s29  }
0xb: {  	s13 =	sadd.s32 s30, s2;
	s7 =	sshrl.u32 s7, $0x3;
	s10 =	smax.u32 s12, $0x1  }
0xc: {  	s12 =	simm.s32 $0x3;
	s9 =	sadd.s32 s7, s6;
	s11 =	sadd.s32 s8, s6  }
0xd: {  	s6 =	sor.u32 $0x1C03, s31;
	s7 =	sadd.s32 $0xDA00, s9;
	s8 =	sadd.s32 $0x2A00, s9  }
0xe: {  	s9 =	sadd.s32 $0x41000, s11;
	s11 =	sshrl.u32 s13, $0x3;
	s13 =	simm.s32 $0x2C00  }
.LBB2_1:
0xf: {  	[spmem:s11], [sflag:s6] =	dma.local [hbm:s5], $0x1400  }
0x10: {  	_ =	swait.ge [sflag:s12], $0x1400  }
0x11: {  	[sflag:s12] =	ssyncset.done $0x0  }
0x12: {  	[sflag:s12] =	ssyncadd.s32 $0xFFFFEC00  }
0x13: {  	[tilespmem:s3], [sflag:$0x3] =	stream.linear.gather [hbm4b:s7+s3], $0x2A00, $0x38;
	[tilespmem:$0x18000] =	vst v63  }
0x14: {  	_ =	swait.ge [sflag:s12], $0x2A00  }
0x15: {  	[sflag:s12] =	ssyncset.done $0x0  }
0x16: {  	[sflag:s12] =	ssyncadd.s32 $0xFFFFD600  }
0x17: {  	[tilespmem:s13], [sflag:$0x3] =	stream.linear.gather [hbm4b:s8+s3], $0x2A00, $0x38;
	[tilespmem:$0x18000] =	vst v63  }
0x18: {  	_ =	swait.ge [sflag:s12], $0x2A00  }
0x19: {  	[sflag:s12] =	ssyncset.done $0x0  }
0x1a: {  	[sflag:s12] =	ssyncadd.s32 $0xFFFFD600  }
0x1b: {  	s20 =	simm.s32 $0x0;
	[bflag:$0x0] =	sbarrier.arrive $0xFFFF  }
0x1c: {  	[tilespmem:s15], [sflag:$0x1] =	stream.indirect.gather [hbm4b:s4+s14], $0x80, s20, s14, $0xb8;
	[tilespmem:$0x18000] =	vst v63  }
0x1d: {  	s29 =	simm.s32 $0x80  }
0x1e: {  	[tilespmem:s16], [sflag:$0x2] =	stream.indirect.gather [hbm4b:s4+s14], $0x80, s29, s14, $0xb8;
	[tilespmem:$0x18000] =	vst v63  }
0x1f: {  	_ =	swait.ge [sflag:s17], $0x4000  }
0x20: {  	[sflag:s17] =	ssyncset.done $0x0  }
0x21: {  	s30 =	simm.s32 $0x2C00;
	[sflag:s17] =	ssyncadd.s32 $0xFFFFC000  }
0x22: {  	[spmem:s2] =	stream.indirect.scatter.add.f32 [tilespmem:s15], [sflag:$0x3], $0x80, s30, s14, $0xb8;
	[tilespmem:$0x18000] =	vst v63  }
0x23: {  	_ =	swait.ge [sflag:s12], $0x4000  }
0x24: {  	[sflag:s12] =	ssyncset.done $0x0  }
0x25: {  	[sflag:s12] =	ssyncadd.s32 $0xFFFFC000  }
0x26: {  	_ =	swait.ge [sflag:s18], $0x4000  }
0x27: {  	[sflag:s18] =	ssyncset.done $0x0  }
0x28: {  	s31 =	simm.s32 $0x2C80;
	[sflag:s18] =	ssyncadd.s32 $0xFFFFC000  }
0x29: {  	[spmem:s2] =	stream.indirect.scatter.add.f32 [tilespmem:s16], [sflag:$0x3], $0x80, s31, s14, $0xb8;
	[tilespmem:$0x18000] =	vst v63  }
0x2a: {  	_ =	swait.ge [sflag:s12], $0x4000  }
0x2b: {  	s21 =	simm.s32 $0x800;
	s20 =	simm.s32 $0x400;
	[sflag:s12] =	ssyncset.done $0x0  }
.LBB2_2:
0x2c: {  	s22 =	sshra.s32 s20, $0x2  }
0x2d: {  	[sflag:s12] =	ssyncadd.s32 $0xFFFFC000;
	s20 =	smov.u32 s21;
	s23 =	sadd.s32 $0x400, s21  }
0x2e: {  	[tilespmem:s15], [sflag:$0x1] =	stream.indirect.gather [hbm4b:s4+s14], $0x80, s22, s14, $0xb8;
	[tilespmem:$0x18000] =	vst v63  }
0x2f: {  	p0 =	sne.s32 s21, $0xA400;
	s21 =	sadd.s32 $0x80, s22  }
0x30: {  	[tilespmem:s16], [sflag:$0x2] =	stream.indirect.gather [hbm4b:s4+s14], $0x80, s21, s14, $0xb8;
	[tilespmem:$0x18000] =	vst v63  }
0x31: {  	_ =	swait.ge [sflag:s17], $0x4000  }
0x32: {  	[sflag:s17] =	ssyncset.done $0x0  }
0x33: {  	s21 =	sadd.s32 $0x2C00, s22;
	[sflag:s17] =	ssyncadd.s32 $0xFFFFC000  }
0x34: {  	[spmem:s2] =	stream.indirect.scatter.add.f32 [tilespmem:s15], [sflag:$0x3], $0x80, s21, s14, $0xb8;
	[tilespmem:$0x18000] =	vst v63  }
0x35: {  	_ =	swait.ge [sflag:s12], $0x4000  }
0x36: {  	[sflag:s12] =	ssyncset.done $0x0  }
0x37: {  	[sflag:s12] =	ssyncadd.s32 $0xFFFFC000  }
0x38: {  	_ =	swait.ge [sflag:s18], $0x4000  }
.Ltmp0:
0x39: {  	[sflag:s18] =	ssyncset.done $0x0;
	(pc) =	sbr.rel @p0 .LBB2_2-.Ltmp0, $4  }
0x3a: {  	s21 =	sadd.s32 $0x2C80, s22;
	[sflag:s18] =	ssyncadd.s32 $0xFFFFC000  }
0x3b: {  	[spmem:s2] =	stream.indirect.scatter.add.f32 [tilespmem:s16], [sflag:$0x3], $0x80, s21, s14, $0xb8;
	[tilespmem:$0x18000] =	vst v63  }
0x3c: {  	_ =	swait.ge [sflag:s12], $0x4000  }
0x3d: {  	s21 =	smov.u32 s23;
	[sflag:s12] =	ssyncset.done $0x0  }
0x3e: {  	s20 =	sshra.s32 s20, $0x2;
	[sflag:s12] =	ssyncadd.s32 $0xFFFFC000  }
0x3f: {  	[tilespmem:s15], [sflag:$0x1] =	stream.indirect.gather [hbm4b:s4+s14], $0x80, s20, s14, $0xb8;
	[tilespmem:$0x18000] =	vst v63  }
0x40: {  	s21 =	sadd.s32 $0x80, s20  }
0x41: {  	[tilespmem:s16], [sflag:$0x2] =	stream.indirect.gather [hbm4b:s4+s14], $0x80, s21, s14, $0xb8;
	[tilespmem:$0x18000] =	vst v63  }
0x42: {  	_ =	swait.ge [sflag:s17], $0x4000  }
0x43: {  	[sflag:s17] =	ssyncset.done $0x0  }
0x44: {  	s31 =	sadd.s32 $0x2C00, s20;
	[sflag:s17] =	ssyncadd.s32 $0xFFFFC000  }
0x45: {  	[spmem:s2] =	stream.indirect.scatter.add.f32 [tilespmem:s15], [sflag:$0x3], $0x80, s31, s14, $0xb8;
	[tilespmem:$0x18000] =	vst v63  }
0x46: {  	_ =	swait.ge [sflag:s12], $0x4000  }
0x47: {  	[sflag:s12] =	ssyncset.done $0x0  }
0x48: {  	[sflag:s12] =	ssyncadd.s32 $0xFFFFC000  }
0x49: {  	_ =	swait.ge [sflag:s18], $0x4000  }
0x4a: {  	[sflag:s18] =	ssyncset.done $0x0  }
0x4b: {  	s20 =	sadd.s32 $0x2C80, s20;
	[sflag:s18] =	ssyncadd.s32 $0xFFFFC000  }
0x4c: {  	[spmem:s2] =	stream.indirect.scatter.add.f32 [tilespmem:s16], [sflag:$0x3], $0x80, s20, s14, $0xb8;
	[tilespmem:$0x18000] =	vst v63  }
0x4d: {  	_ =	swait.ge [sflag:s12], $0x4000  }
0x4e: {  	s19 =	sadd.s32 $0x1, s19;
	[sflag:s12] =	ssyncset.done $0x0  }
0x4f: {  	p0 =	sne.s32 s19, s10;
	[sflag:s12] =	ssyncadd.s32 $0xFFFFC000  }
.Ltmp1:
0x50: {  	[bflag:$0x0] =	sbarrier.arrive $0xFFFF;
	(pc) =	sbr.rel @p0 .LBB2_1-.Ltmp1, $4  }
0x51: {  	[hbm:s9], [sflag:s6] =	dma.local [spmem:s11], $0x1400  }
0x52: {  	_ =	swait.ge [sflag:s12], $0x1400  }
0x53: {  	[sflag:s12] =	ssyncset.done $0x0  }
0x54: {  	[sflag:s12] =	ssyncadd.s32 $0xFFFFEC00  }
0x55: {  	_ =	sfence.sel $0x180000  }
0x56: {  	[bflag:$0x0] =	sbarrier.arrive $0xFFFF  }
0x57: {  	p0 =	sne.s32 s1, $0x0;
	_ =	strace $0x90000053  }
0x58: {  	s0 =	sadd.s32 @!p0 $0x100000, s0;
	[bflag:$0x2] =	sbarrier.arrive $0xFFFF  }
0x59: {  	[sflag:s0] =	ssyncadd.tile.s32 @!p0 $0x1;
	_ =	shalt  }
.Lfunc_end2:
_tile_overlayer_lowered:
.L_overlay_start_2:
0x5a: {  	(tag) =	ssettag $0x2  }
0x5b: {  	s0 =	rddreg [dreg:$0x0];
	s2 =	stileid.u32  }
0x5c: {  	s1 =	rddreg [dreg:$0x1];
	p0 =	sne.s32 s2, $0x0  }
0x5d: {  	s3 =	rddreg [dreg:$0x2];
	[bflag:$0x3] =	sbarrier.arrive $0xFFFF;
	s2 =	simm.s32 @!p0 $0x1C03  }
0x5e: {  	[timem:s3], [sflag:s2] =	dma.local @!p0 [hbm:s0], s1  }
0x5f: {  	s0 =	simm.s32 @!p0 $0x3  }
0x60: {  	_ =	swait.ge @!p0 [sflag:s0], s1  }
0x61: {  	s1 =	ssub.s32 @!p0 $0x0, s1;
	[sflag:s0] =	ssyncset.done @!p0 $0x0  }
0x62: {  	[sflag:s0] =	ssyncadd.s32 @!p0 s1  }
0x63: {  	[bflag:$0x3] =	sbarrier.arrive $0xFFFF  }
0x64: {  	_ =	shalt  }

// kernel: kernel.20.cloned.1.call-start
scs
__scs_entry_jumppad:
0x0: {  	(pc) =	sbr.rel $0x88, $3  }
0x1: {  	(tag) =	ssettag $0x0;
	lr =	simm.s32 $0x1  }
0x2: {  	[smem:$0x3F7D] =	sst lr;
	_ =	strace $0xD0000000  }
0x3: {  	_ = 	snop  }
0x4: {  	_ = 	snop  }
0x5: {  	_ = 	snop  }
0x6: {  	_ = 	snop  }
0x7: {  	_ = 	snop  }
__scs_overlays_trampoline_lowered:
0x8: {  	[smem:$0x3F8C] =	sst s0  }
0x9: {  	[smem:$0x3F8D] =	sst s1  }
0xa: {  	[smem:$0x3F8E] =	sst s2  }
0xb: {  	[smem:$0x3F8F] =	sst s3  }
0xc: {  	[smem:$0x3F90] =	sst s4  }
0xd: {  	[smem:$0x3F91] =	sst s5  }
0xe: {  	[smem:$0x3F92] =	sst s6  }
0xf: {  	[smem:$0x3F93] =	sst s7  }
0x10: {  	[smem:$0x3F94] =	sst s8  }
0x11: {  	[smem:$0x3F95] =	sst s9;
	s0 =	simm.s32 @!p0 $0x0  }
0x12: {  	s1 =	sld [smem:$0x3F7B];
	s0 =	simm.s32 @p0 $0x1  }
0x13: {  	[smem:$0x3F96] =	sst s0;
	s0 =	simm.s32 @!p1 $0x0  }
0x14: {  	s2 =	sld [smem:$0x3F7A];
	s0 =	simm.s32 @p1 $0x1  }
0x15: {  	[smem:$0x3F97] =	sst s0;
	s0 =	simm.s32 @!p2 $0x0  }
0x16: {  	s3 =	sld [smem:$0x3FDB];
	s0 =	simm.s32 @p2 $0x1  }
0x17: {  	s4 =	simm.s32 $0x1BF5;
	[smem:$0x3F99] =	sst s0  }
0x18: {  	s0 =	sld [smem:$0x3F7C];
	_ =	swait.ge [sflag:s4], $0x0  }
0x19: {  	s7 =	sld [smem:$0x3F7D]  }
0x1a: {  	s8 =	sadd.s32 $0xFFFFE003, lr  }
0x1b: {  	s9 =	sadd.s32 $0xFFFFFEF7, lr;
	s5 =	simm.s32 $0xFFFFFFFF;
	p2 =	slt.u32 s8, $0xFFFFF086  }
0x1c: {  	p1 =	slt.u32 s9, $0xF7A;
	s5 =	simm.s32 @!p2 $0x0  }
0x1d: {  	s5 =	simm.s32 @p1 $0x1;
	p0 =	seq.s32 s7, s2  }
0x1e: {  	s7 =	smul.u32 @!p0 $0xF7A, s2;
	p2 =	seq.s32 @!p0 s5, $0x0  }
0x1f: {  	s9 =	smul.u32 $0xF7A, s1;
	s8 =	simm.s32 @!p0 $0x1BF5;
	p2 =	por !p2, p0  }
0x20: {  	[sflag:s8] =	ssyncset.s32 @!p0 $0xFFFFF086;
	s6 =	sadd.s32 @!p0 s3, s7;
	s7 =	simm.s32 @!p0 $0x108  }
0x21: {  	s3 =	sadd.s32 s3, s9;
	s6 =	sadd.s32 @!p0 $0x88, s6;
	s7 =	simm.s32 @p2 $0x1082  }
0x22: {  	[simem:s7], [sflag:s8] =	dma.local @!p0 [hbm:s6], $0xF7A  }
0x23: {  	s9 =	sor.u32 $0xD0000000, s2;
	s6 =	simm.s32 $0x108;
	_ =	swait.ge @!p0 [sflag:s8], $0x0  }
0x24: {  	s3 =	sadd.s32 $0x88, s3;
	s6 =	simm.s32 @!p1 $0x1082;
	[sflag:s4] =	ssyncset.s32 $0xFFFFF086  }
0x25: {  	[simem:s6], [sflag:s4] =	dma.local [hbm:s3], $0xF7A  }
0x26: {  	[smem:$0x3F7D] =	sst s1;
	(tag) =	ssettag s2;
	_ =	strace s9  }
0x27: {  	s1 =	sld [smem:$0x3F8D]  }
0x28: {  	s2 =	sld [smem:$0x3F8E]  }
0x29: {  	s4 =	sld [smem:$0x3F90]  }
0x2a: {  	p0 =	seq.s32 s5, $0x0;
	s5 =	sld [smem:$0x3F91]  }
0x2b: {  	s6 =	sld [smem:$0x3F92]  }
0x2c: {  	s7 =	sld [smem:$0x3F93]  }
0x2d: {  	s3 =	simm.s32 $0x108;
	s8 =	sld [smem:$0x3F94]  }
0x2e: {  	s3 =	simm.s32 @!p0 $0x1082;
	s9 =	sld [smem:$0x3F95]  }
0x2f: {  	lr =	sadd.s32 s0, s3;
	s0 =	sld [smem:$0x3F8C]  }
0x30: {  	s3 =	sld [smem:$0x3F8F]  }
0x31: {  	[smem:$0x3F98] =	sst s10  }
0x32: {  	s10 =	sld [smem:$0x3F96];
	_ =	sdelay $0x3  }
0x33: {  	p0 =	seq.s32 s10, $0x1;
	s10 =	sld [smem:$0x3F98];
	_ =	sdelay $0x3  }
0x34: {  	[smem:$0x3F98] =	sst s10  }
0x35: {  	s10 =	sld [smem:$0x3F97];
	_ =	sdelay $0x3  }
0x36: {  	p1 =	seq.s32 s10, $0x1;
	s10 =	sld [smem:$0x3F98];
	_ =	sdelay $0x3  }
0x37: {  	[smem:$0x3F98] =	sst s10  }
0x38: {  	s10 =	sld [smem:$0x3F99]  }
0x39: {  	_ = 	snop;
	(pc) =	sbr.ind lr, $3  }
0x3a: {  	_ = 	snop  }
0x3b: {  	_ = 	snop  }
0x3c: {  	p2 =	seq.s32 s10, $0x1;
	s10 =	sld [smem:$0x3F98]  }
0x3d: {  	_ =	shalt  }
0x3e: {  	_ =	shalt  }
0x3f: {  	_ =	shalt  }
0x40: {  	_ =	shalt  }
0x41: {  	_ =	shalt  }
0x42: {  	_ =	shalt  }
0x43: {  	_ =	shalt  }
0x44: {  	_ =	shalt  }
0x45: {  	_ =	shalt  }
0x46: {  	_ =	shalt  }
0x47: {  	_ =	shalt  }
0x48: {  	_ =	shalt  }
0x49: {  	_ =	shalt  }
0x4a: {  	_ =	shalt  }
0x4b: {  	_ =	shalt  }
0x4c: {  	_ =	shalt  }
0x4d: {  	_ =	shalt  }
0x4e: {  	_ =	shalt  }
0x4f: {  	_ =	shalt  }
0x50: {  	_ =	shalt  }
0x51: {  	_ =	shalt  }
0x52: {  	_ =	shalt  }
0x53: {  	_ =	shalt  }
0x54: {  	_ =	shalt  }
0x55: {  	_ =	shalt  }
0x56: {  	_ =	shalt  }
0x57: {  	_ =	shalt  }
0x58: {  	_ =	shalt  }
0x59: {  	_ =	shalt  }
0x5a: {  	_ =	shalt  }
0x5b: {  	_ =	shalt  }
0x5c: {  	_ =	shalt  }
0x5d: {  	_ =	shalt  }
0x5e: {  	_ =	shalt  }
0x5f: {  	_ =	shalt  }
0x60: {  	_ =	shalt  }
0x61: {  	_ =	shalt  }
0x62: {  	_ =	shalt  }
0x63: {  	_ =	shalt  }
0x64: {  	_ =	shalt  }
0x65: {  	_ =	shalt  }
0x66: {  	_ =	shalt  }
0x67: {  	_ =	shalt  }
0x68: {  	_ =	shalt  }
0x69: {  	_ =	shalt  }
0x6a: {  	_ =	shalt  }
0x6b: {  	_ =	shalt  }
0x6c: {  	_ =	shalt  }
0x6d: {  	_ =	shalt  }
0x6e: {  	_ =	shalt  }
0x6f: {  	_ =	shalt  }
0x70: {  	_ =	shalt  }
0x71: {  	_ =	shalt  }
0x72: {  	_ =	shalt  }
0x73: {  	_ =	shalt  }
0x74: {  	_ =	shalt  }
0x75: {  	_ =	shalt  }
0x76: {  	_ =	shalt  }
0x77: {  	_ =	shalt  }
0x78: {  	_ =	shalt  }
0x79: {  	_ =	shalt  }
0x7a: {  	_ =	shalt  }
0x7b: {  	_ =	shalt  }
0x7c: {  	_ =	shalt  }
0x7d: {  	_ =	shalt  }
0x7e: {  	_ =	shalt  }
0x7f: {  	_ =	shalt  }
0x80: {  	_ =	shalt  }
0x81: {  	_ =	shalt  }
0x82: {  	_ =	shalt  }
0x83: {  	_ =	shalt  }
0x84: {  	_ =	shalt  }
0x85: {  	_ =	shalt  }
0x86: {  	_ =	shalt  }
0x87: {  	_ =	shalt  }
.Lfunc_end0:
.L_simem_size_0:
called_computation.6_lowered:
.L_overlay_start_0:
0x88: {  	s2 =	sld [smem:$0x3FD9]  }
0x89: {  	s3 =	sld [smem:$0x3FFE];
	_ =	sdelay $0x1  }
0x8a: {  	s1 =	srdreg.scid  }
0x8b: {  	s0 =	sand.u32 $0x1, s1  }
0x8c: {  	s17 =	sshll.u32 s0, $0xA;
	s2 =	sadd.s32 s3, s2  }
0x8d: {  	s2 =	sadd.s32 s2, s17  }
0x8e: {  	[smem:$0x3FA4] =	sst s2  }
0x8f: {  	_ = 	snop  }
0x90: {  	(tm) =	ssettm $0x1  }
0x91: {  	s18 =	sld [smem:$0x3FFB];
	_ =	sdelay $0x3  }
0x92: {  	_ =	strace s18  }
0x93: {  	s2 =	sld [smem:$0x3FFC];
	_ =	sdelay $0x3  }
0x94: {  	_ =	strace s2  }
0x95: {  	s2 =	sld [smem:$0x3FFD];
	_ =	sdelay $0x3  }
0x96: {  	_ =	strace s2  }
0x97: {  	_ =	strace $0x8FFFFFFF  }
0x98: {  	s19 =	sld [smem:$0x3FDB];
	_ =	sdelay $0x1  }
0x99: {  	s20 =	simm.s32 $_scs_section_size  }
0x9a: {  	s4 =	simm.s32 $_size__tile_overlayer_lowered;
	s5 =	simm.s32 $_tile_overlayer_lowered  }
0x9b: {  	s6 =	simm.s32 $0x1BFF;
	s21 =	sshll.u32 s5, $0x1;
	s3 =	sadd.s32 s20, s19  }
0x9c: {  	s22 =	simm.s32 $0x0;
	s4 =	sshll.u32 s4, $0x1;
	s5 =	sadd.s32 s21, s3  }
0x9d: {  	[timem:s22], [sflag:s6] =	dma.local [hbm:s5], s4  }
0x9e: {  	_ =	swait.ge [sflag:s6], s4  }
0x9f: {  	s4 =	ssub.s32 $0x0, s4;
	[sflag:s6] =	ssyncset.done $0x0  }
0xa0: {  	[sflag:s6] =	ssyncadd.s32 s4;
	_ =	sdelay $0x1  }
0xa1: {  	s23 =	simm.s32 $0x1B8B  }
0xa2: {  	_ =	swait.ge [sflag:s23], $0x1  }
0xa3: {  	[sflag:s23] =	ssyncset.done $0x0  }
0xa4: {  	[sflag:s23] =	ssyncadd.s32 $0xFFFFFFFF  }
0xa5: {  	s4 =	sld [smem:$0x0]  }
0xa6: {  	s5 =	sand.u32 $0xFFFFFFFE, s1  }
0xa7: {  	p0 =	sne.s32 s1, s5  }
0xa8: {  	s5 =	sshll.u32 @p0 s5, $0xE  }
0xa9: {  	s5 =	sadd.s32 @p0 $0x11B8D, s5;
	s6 =	sshll.u32 @p0 s4, $0x11  }
0xaa: {  	s5 =	sor.u32 @p0 s6, s5  }
0xab: {  	[sflag:s5] =	ssyncadd.remote.s32 @p0 $0x1;
	_ =	sdelay $0x1  }
0xac: {  	s5 =	simm.s32 @p0 $0x1B8D  }
0xad: {  	_ =	swait.eq @p0 [sflag:s5], $0x1  }
0xae: {  	[sflag:s5] =	ssyncadd.s32 @p0 $0xFFFFFFFF  }
0xaf: {  	s6 =	sshll.u32 @!p0 s1, $0xE  }
0xb0: {  	s6 =	sor.u32 @!p0 $0x4000, s6;
	s5 =	simm.s32 @!p0 $0x1B8D  }
0xb1: {  	s4 =	sshll.u32 @!p0 s4, $0x11;
	s6 =	sadd.s32 @!p0 $0x11B8D, s6;
	_ =	swait.eq @!p0 [sflag:s5], $0x1  }
0xb2: {  	s4 =	sor.u32 @!p0 s4, s6;
	[sflag:s5] =	ssyncadd.s32 @!p0 $0xFFFFFFFF  }
0xb3: {  	s25 =	simm.s32 $0x1B8E;
	s24 =	sld [smem:$0x3FFE];
	[sflag:s4] =	ssyncadd.remote.s32 @!p0 $0x1  }
0xb4: {  	s26 =	simm.s32 $execute0_lowered;
	[smem:$0x3FD2] =	sst s25  }
0xb5: {  	s5 =	sshll.u32 s26, $0x1;
	_ =	strace $0x80000058;
	[dreg:$0x1] =	wrdreg $0xFFFFFFFF  }
0xb6: {  	s28 =	simm.s32 $_size_execute0_lowered;
	s3 =	sadd.s32 s3, s5;
	[dreg:$0x0] =	wrdreg $0x0  }
0xb7: {  	s5 =	sshll.u32 s28, $0x1;
	[dreg:$0x2] =	wrdreg s3  }
0xb8: {  	[dreg:$0x3] =	wrdreg s5  }
0xb9: {  	[dreg:$0x4] =	wrdreg $0xC0  }
0xba: {  	_ =	task [dreg:s22], $0x5FFFF  }
0xbb: {  	[dreg:$0x1] =	wrdreg $0xFFFFFFFF  }
0xbc: {  	[dreg:$0x0] =	wrdreg $0x60  }
0xbd: {  	[dreg:$0x2] =	wrdreg s24  }
0xbe: {  	[dreg:$0x3] =	wrdreg $0xD8000  }
0xbf: {  	[dreg:$0x4] =	wrdreg $0xA  }
0xc0: {  	_ =	task.clear_ibuf [dreg:s22], $0x5FFFF;
	_ =	strace $0x90000058  }
0xc1: {  	s29 =	simm.s32 $0xA;
	_ =	strace $0x8000005A  }
0xc2: {  	_ =	swait.ge [sflag:s29], $0x1  }
0xc3: {  	[sflag:s29] =	ssyncadd.s32 $0xFFFFFFFF  }
0xc4: {  	_ =	strace $0x9000005A  }
0xc5: {  	_ =	sfence  }
0xc6: {  	s30 =	sld [smem:$0x0];
	_ =	sdelay $0x2  }
0xc7: {  	s31 =	sshll.u32 s1, $0xD;
	s1 =	sshrl.u32 s1, $0x2  }
0xc8: {  	s4 =	sand.u32 $0x4000, s31;
	s1 =	sadd.s32 s1, s30  }
0xc9: {  	s0 =	sor.u32 s4, s0;
	s1 =	sshll.u32 s1, $0x11  }
0xca: {  	s0 =	sor.u32 s1, s0  }
0xcb: {  	s0 =	sadd.s32 $0x8F2B, s0  }
0xcc: {  	[sflag:s0] =	ssyncadd.remote.s32 $0x1  }
0xcd: {  	_ =	sfence.sel $0xFFFF  }
0xce: {  	[dreg:$0x0] =	wrdreg $0xFFFFFFFF;
	(pc) =	sbr.abs _section_cstart, $3  }
0xcf: {  	[dreg:$0x1] =	wrdreg $0xFFFFFFFF  }
0xd0: {  	_ =	task.clear_ibuf [dreg:s22], $0x2FFFF;
	_ =	strace $0x9FFFFFFF  }
0xd1: {  	(tm) =	ssettm $0x7FFFFFFF  }
tec
execute0_lowered:
.L_overlay_start_1:
0x0: {  	(tag) =	ssettag $0x1  }
0x1: {  	s6 =	rddreg [dreg:$0x0];
	s0 =	srdreg.scid  }
0x2: {  	s2 =	rddreg [dreg:$0x1];
	s1 =	stileid.u32;
	s3 =	simm.s32 $0x0  }
0x3: {  	s14 =	simm.s32 $0x80;
	s15 =	simm.s32 $0x5800;
	s16 =	simm.s32 $0x9800  }
0x4: {  	s17 =	simm.s32 $0x1;
	s18 =	simm.s32 $0x2;
	s19 =	simm.s32 $0x0  }
0x5: {  	s5 =	sand.u32 $0x1, s0;
	s0 =	rddreg [dreg:$0x2];
	s7 =	smul.u32 $0x2C00, s1  }
0x6: {  	[smem:$0x7FF] =	sst s3;
	s10 =	smul.u32 $0x28000, s1;
	s31 =	sshll.u32 s1, $0x6  }
0x7: {  	s4 =	smul.u32 $0x2C000, s5;
	s8 =	sshll.u32 s5, $0x4;
	_ =	strace $0x80000059  }
0x8: {  	s28 =	ssub.s32 $0x2, s5;
	s5 =	sadd.s32 $0x18A00, s6;
	s8 =	sor.u32 s1, s8  }
0x9: {  	s29 =	sshrl.u32 s28, $0x1;
	s30 =	sshrl.u32 s10, $0x2;
	s7 =	sadd.s32 s7, s4  }
0xa: {  	s4 =	sadd.s32 $0x1A600, s6;
	s8 =	smul.u32 $0x1400, s8;
	s12 =	ssub.s32 s28, s29  }
0xb: {  	s13 =	sadd.s32 s30, s2;
	s7 =	sshrl.u32 s7, $0x3;
	s10 =	smax.u32 s12, $0x1  }
0xc: {  	s12 =	simm.s32 $0x3;
	s9 =	sadd.s32 s7, s6;
	s11 =	sadd.s32 s8, s6  }
0xd: {  	s6 =	sor.u32 $0x1C03, s31;
	s7 =	sadd.s32 $0xDA00, s9;
	s8 =	sadd.s32 $0x2A00, s9  }
0xe: {  	s9 =	sadd.s32 $0x69800, s11;
	s11 =	sshrl.u32 s13, $0x3;
	s13 =	simm.s32 $0x2C00  }
.LBB2_1:
0xf: {  	[spmem:s11], [sflag:s6] =	dma.local [hbm:s5], $0x1400  }
0x10: {  	_ =	swait.ge [sflag:s12], $0x1400  }
0x11: {  	[sflag:s12] =	ssyncset.done $0x0  }
0x12: {  	[sflag:s12] =	ssyncadd.s32 $0xFFFFEC00  }
0x13: {  	[tilespmem:s3], [sflag:$0x3] =	stream.linear.gather [hbm4b:s7+s3], $0x2A00, $0x38;
	[tilespmem:$0x18000] =	vst v63  }
0x14: {  	_ =	swait.ge [sflag:s12], $0x2A00  }
0x15: {  	[sflag:s12] =	ssyncset.done $0x0  }
0x16: {  	[sflag:s12] =	ssyncadd.s32 $0xFFFFD600  }
0x17: {  	[tilespmem:s13], [sflag:$0x3] =	stream.linear.gather [hbm4b:s8+s3], $0x2A00, $0x38;
	[tilespmem:$0x18000] =	vst v63  }
0x18: {  	_ =	swait.ge [sflag:s12], $0x2A00  }
0x19: {  	[sflag:s12] =	ssyncset.done $0x0  }
0x1a: {  	[sflag:s12] =	ssyncadd.s32 $0xFFFFD600  }
0x1b: {  	s20 =	simm.s32 $0x0;
	[bflag:$0x0] =	sbarrier.arrive $0xFFFF  }
0x1c: {  	[tilespmem:s15], [sflag:$0x1] =	stream.indirect.gather [hbm4b:s4+s14], $0x80, s20, s14, $0xb8;
	[tilespmem:$0x18000] =	vst v63  }
0x1d: {  	s29 =	simm.s32 $0x80  }
0x1e: {  	[tilespmem:s16], [sflag:$0x2] =	stream.indirect.gather [hbm4b:s4+s14], $0x80, s29, s14, $0xb8;
	[tilespmem:$0x18000] =	vst v63  }
0x1f: {  	_ =	swait.ge [sflag:s17], $0x4000  }
0x20: {  	[sflag:s17] =	ssyncset.done $0x0  }
0x21: {  	s30 =	simm.s32 $0x2C00;
	[sflag:s17] =	ssyncadd.s32 $0xFFFFC000  }
0x22: {  	[spmem:s2] =	stream.indirect.scatter.add.f32 [tilespmem:s15], [sflag:$0x3], $0x80, s30, s14, $0xb8;
	[tilespmem:$0x18000] =	vst v63  }
0x23: {  	_ =	swait.ge [sflag:s12], $0x4000  }
0x24: {  	[sflag:s12] =	ssyncset.done $0x0  }
0x25: {  	[sflag:s12] =	ssyncadd.s32 $0xFFFFC000  }
0x26: {  	_ =	swait.ge [sflag:s18], $0x4000  }
0x27: {  	[sflag:s18] =	ssyncset.done $0x0  }
0x28: {  	s31 =	simm.s32 $0x2C80;
	[sflag:s18] =	ssyncadd.s32 $0xFFFFC000  }
0x29: {  	[spmem:s2] =	stream.indirect.scatter.add.f32 [tilespmem:s16], [sflag:$0x3], $0x80, s31, s14, $0xb8;
	[tilespmem:$0x18000] =	vst v63  }
0x2a: {  	_ =	swait.ge [sflag:s12], $0x4000  }
0x2b: {  	s21 =	simm.s32 $0x800;
	s20 =	simm.s32 $0x400;
	[sflag:s12] =	ssyncset.done $0x0  }
.LBB2_2:
0x2c: {  	s22 =	sshra.s32 s20, $0x2  }
0x2d: {  	[sflag:s12] =	ssyncadd.s32 $0xFFFFC000;
	s20 =	smov.u32 s21;
	s23 =	sadd.s32 $0x400, s21  }
0x2e: {  	[tilespmem:s15], [sflag:$0x1] =	stream.indirect.gather [hbm4b:s4+s14], $0x80, s22, s14, $0xb8;
	[tilespmem:$0x18000] =	vst v63  }
0x2f: {  	p0 =	sne.s32 s21, $0xA400;
	s21 =	sadd.s32 $0x80, s22  }
0x30: {  	[tilespmem:s16], [sflag:$0x2] =	stream.indirect.gather [hbm4b:s4+s14], $0x80, s21, s14, $0xb8;
	[tilespmem:$0x18000] =	vst v63  }
0x31: {  	_ =	swait.ge [sflag:s17], $0x4000  }
0x32: {  	[sflag:s17] =	ssyncset.done $0x0  }
0x33: {  	s21 =	sadd.s32 $0x2C00, s22;
	[sflag:s17] =	ssyncadd.s32 $0xFFFFC000  }
0x34: {  	[spmem:s2] =	stream.indirect.scatter.add.f32 [tilespmem:s15], [sflag:$0x3], $0x80, s21, s14, $0xb8;
	[tilespmem:$0x18000] =	vst v63  }
0x35: {  	_ =	swait.ge [sflag:s12], $0x4000  }
0x36: {  	[sflag:s12] =	ssyncset.done $0x0  }
0x37: {  	[sflag:s12] =	ssyncadd.s32 $0xFFFFC000  }
0x38: {  	_ =	swait.ge [sflag:s18], $0x4000  }
.Ltmp0:
0x39: {  	[sflag:s18] =	ssyncset.done $0x0;
	(pc) =	sbr.rel @p0 .LBB2_2-.Ltmp0, $4  }
0x3a: {  	s21 =	sadd.s32 $0x2C80, s22;
	[sflag:s18] =	ssyncadd.s32 $0xFFFFC000  }
0x3b: {  	[spmem:s2] =	stream.indirect.scatter.add.f32 [tilespmem:s16], [sflag:$0x3], $0x80, s21, s14, $0xb8;
	[tilespmem:$0x18000] =	vst v63  }
0x3c: {  	_ =	swait.ge [sflag:s12], $0x4000  }
0x3d: {  	s21 =	smov.u32 s23;
	[sflag:s12] =	ssyncset.done $0x0  }
0x3e: {  	s20 =	sshra.s32 s20, $0x2;
	[sflag:s12] =	ssyncadd.s32 $0xFFFFC000  }
0x3f: {  	[tilespmem:s15], [sflag:$0x1] =	stream.indirect.gather [hbm4b:s4+s14], $0x80, s20, s14, $0xb8;
	[tilespmem:$0x18000] =	vst v63  }
0x40: {  	s21 =	sadd.s32 $0x80, s20  }
0x41: {  	[tilespmem:s16], [sflag:$0x2] =	stream.indirect.gather [hbm4b:s4+s14], $0x80, s21, s14, $0xb8;
	[tilespmem:$0x18000] =	vst v63  }
0x42: {  	_ =	swait.ge [sflag:s17], $0x4000  }
0x43: {  	[sflag:s17] =	ssyncset.done $0x0  }
0x44: {  	s31 =	sadd.s32 $0x2C00, s20;
	[sflag:s17] =	ssyncadd.s32 $0xFFFFC000  }
0x45: {  	[spmem:s2] =	stream.indirect.scatter.add.f32 [tilespmem:s15], [sflag:$0x3], $0x80, s31, s14, $0xb8;
	[tilespmem:$0x18000] =	vst v63  }
0x46: {  	_ =	swait.ge [sflag:s12], $0x4000  }
0x47: {  	[sflag:s12] =	ssyncset.done $0x0  }
0x48: {  	[sflag:s12] =	ssyncadd.s32 $0xFFFFC000  }
0x49: {  	_ =	swait.ge [sflag:s18], $0x4000  }
0x4a: {  	[sflag:s18] =	ssyncset.done $0x0  }
0x4b: {  	s20 =	sadd.s32 $0x2C80, s20;
	[sflag:s18] =	ssyncadd.s32 $0xFFFFC000  }
0x4c: {  	[spmem:s2] =	stream.indirect.scatter.add.f32 [tilespmem:s16], [sflag:$0x3], $0x80, s20, s14, $0xb8;
	[tilespmem:$0x18000] =	vst v63  }
0x4d: {  	_ =	swait.ge [sflag:s12], $0x4000  }
0x4e: {  	s19 =	sadd.s32 $0x1, s19;
	[sflag:s12] =	ssyncset.done $0x0  }
0x4f: {  	p0 =	sne.s32 s19, s10;
	[sflag:s12] =	ssyncadd.s32 $0xFFFFC000  }
.Ltmp1:
0x50: {  	[bflag:$0x0] =	sbarrier.arrive $0xFFFF;
	(pc) =	sbr.rel @p0 .LBB2_1-.Ltmp1, $4  }
0x51: {  	[hbm:s9], [sflag:s6] =	dma.local [spmem:s11], $0x1400  }
0x52: {  	_ =	swait.ge [sflag:s12], $0x1400  }
0x53: {  	[sflag:s12] =	ssyncset.done $0x0  }
0x54: {  	[sflag:s12] =	ssyncadd.s32 $0xFFFFEC00  }
0x55: {  	_ =	sfence.sel $0x180000  }
0x56: {  	[bflag:$0x0] =	sbarrier.arrive $0xFFFF  }
0x57: {  	p0 =	sne.s32 s1, $0x0;
	_ =	strace $0x90000059  }
0x58: {  	s0 =	sadd.s32 @!p0 $0x100000, s0;
	[bflag:$0x2] =	sbarrier.arrive $0xFFFF  }
0x59: {  	[sflag:s0] =	ssyncadd.tile.s32 @!p0 $0x1;
	_ =	shalt  }
.Lfunc_end2:
_tile_overlayer_lowered:
.L_overlay_start_2:
0x5a: {  	(tag) =	ssettag $0x2  }
0x5b: {  	s0 =	rddreg [dreg:$0x0];
	s2 =	stileid.u32  }
0x5c: {  	s1 =	rddreg [dreg:$0x1];
	p0 =	sne.s32 s2, $0x0  }
0x5d: {  	s3 =	rddreg [dreg:$0x2];
	[bflag:$0x3] =	sbarrier.arrive $0xFFFF;
	s2 =	simm.s32 @!p0 $0x1C03  }
0x5e: {  	[timem:s3], [sflag:s2] =	dma.local @!p0 [hbm:s0], s1  }
0x5f: {  	s0 =	simm.s32 @!p0 $0x3  }
0x60: {  	_ =	swait.ge @!p0 [sflag:s0], s1  }
0x61: {  	s1 =	ssub.s32 @!p0 $0x0, s1;
	[sflag:s0] =	ssyncset.done @!p0 $0x0  }
0x62: {  	[sflag:s0] =	ssyncadd.s32 @!p0 s1  }
0x63: {  	[bflag:$0x3] =	sbarrier.arrive $0xFFFF  }
0x64: {  	_ =	shalt  }

// kernel: kernel.23.cloned.1.call-start
scs
__scs_entry_jumppad:
0x0: {  	(pc) =	sbr.rel $0x88, $3  }
0x1: {  	(tag) =	ssettag $0x0;
	lr =	simm.s32 $0x1  }
0x2: {  	[smem:$0x3F7D] =	sst lr;
	_ =	strace $0xD0000000  }
0x3: {  	_ = 	snop  }
0x4: {  	_ = 	snop  }
0x5: {  	_ = 	snop  }
0x6: {  	_ = 	snop  }
0x7: {  	_ = 	snop  }
__scs_overlays_trampoline_lowered:
0x8: {  	[smem:$0x3F8C] =	sst s0  }
0x9: {  	[smem:$0x3F8D] =	sst s1  }
0xa: {  	[smem:$0x3F8E] =	sst s2  }
0xb: {  	[smem:$0x3F8F] =	sst s3  }
0xc: {  	[smem:$0x3F90] =	sst s4  }
0xd: {  	[smem:$0x3F91] =	sst s5  }
0xe: {  	[smem:$0x3F92] =	sst s6  }
0xf: {  	[smem:$0x3F93] =	sst s7  }
0x10: {  	[smem:$0x3F94] =	sst s8  }
0x11: {  	[smem:$0x3F95] =	sst s9;
	s0 =	simm.s32 @!p0 $0x0  }
0x12: {  	s1 =	sld [smem:$0x3F7B];
	s0 =	simm.s32 @p0 $0x1  }
0x13: {  	[smem:$0x3F96] =	sst s0;
	s0 =	simm.s32 @!p1 $0x0  }
0x14: {  	s2 =	sld [smem:$0x3F7A];
	s0 =	simm.s32 @p1 $0x1  }
0x15: {  	[smem:$0x3F97] =	sst s0;
	s0 =	simm.s32 @!p2 $0x0  }
0x16: {  	s3 =	sld [smem:$0x3FDB];
	s0 =	simm.s32 @p2 $0x1  }
0x17: {  	s4 =	simm.s32 $0x1BF5;
	[smem:$0x3F99] =	sst s0  }
0x18: {  	s0 =	sld [smem:$0x3F7C];
	_ =	swait.ge [sflag:s4], $0x0  }
0x19: {  	s7 =	sld [smem:$0x3F7D]  }
0x1a: {  	s8 =	sadd.s32 $0xFFFFE003, lr  }
0x1b: {  	s9 =	sadd.s32 $0xFFFFFEF7, lr;
	s5 =	simm.s32 $0xFFFFFFFF;
	p2 =	slt.u32 s8, $0xFFFFF086  }
0x1c: {  	p1 =	slt.u32 s9, $0xF7A;
	s5 =	simm.s32 @!p2 $0x0  }
0x1d: {  	s5 =	simm.s32 @p1 $0x1;
	p0 =	seq.s32 s7, s2  }
0x1e: {  	s7 =	smul.u32 @!p0 $0xF7A, s2;
	p2 =	seq.s32 @!p0 s5, $0x0  }
0x1f: {  	s9 =	smul.u32 $0xF7A, s1;
	s8 =	simm.s32 @!p0 $0x1BF5;
	p2 =	por !p2, p0  }
0x20: {  	[sflag:s8] =	ssyncset.s32 @!p0 $0xFFFFF086;
	s6 =	sadd.s32 @!p0 s3, s7;
	s7 =	simm.s32 @!p0 $0x108  }
0x21: {  	s3 =	sadd.s32 s3, s9;
	s6 =	sadd.s32 @!p0 $0x88, s6;
	s7 =	simm.s32 @p2 $0x1082  }
0x22: {  	[simem:s7], [sflag:s8] =	dma.local @!p0 [hbm:s6], $0xF7A  }
0x23: {  	s9 =	sor.u32 $0xD0000000, s2;
	s6 =	simm.s32 $0x108;
	_ =	swait.ge @!p0 [sflag:s8], $0x0  }
0x24: {  	s3 =	sadd.s32 $0x88, s3;
	s6 =	simm.s32 @!p1 $0x1082;
	[sflag:s4] =	ssyncset.s32 $0xFFFFF086  }
0x25: {  	[simem:s6], [sflag:s4] =	dma.local [hbm:s3], $0xF7A  }
0x26: {  	[smem:$0x3F7D] =	sst s1;
	(tag) =	ssettag s2;
	_ =	strace s9  }
0x27: {  	s1 =	sld [smem:$0x3F8D]  }
0x28: {  	s2 =	sld [smem:$0x3F8E]  }
0x29: {  	s4 =	sld [smem:$0x3F90]  }
0x2a: {  	p0 =	seq.s32 s5, $0x0;
	s5 =	sld [smem:$0x3F91]  }
0x2b: {  	s6 =	sld [smem:$0x3F92]  }
0x2c: {  	s7 =	sld [smem:$0x3F93]  }
0x2d: {  	s3 =	simm.s32 $0x108;
	s8 =	sld [smem:$0x3F94]  }
0x2e: {  	s3 =	simm.s32 @!p0 $0x1082;
	s9 =	sld [smem:$0x3F95]  }
0x2f: {  	lr =	sadd.s32 s0, s3;
	s0 =	sld [smem:$0x3F8C]  }
0x30: {  	s3 =	sld [smem:$0x3F8F]  }
0x31: {  	[smem:$0x3F98] =	sst s10  }
0x32: {  	s10 =	sld [smem:$0x3F96];
	_ =	sdelay $0x3  }
0x33: {  	p0 =	seq.s32 s10, $0x1;
	s10 =	sld [smem:$0x3F98];
	_ =	sdelay $0x3  }
0x34: {  	[smem:$0x3F98] =	sst s10  }
0x35: {  	s10 =	sld [smem:$0x3F97];
	_ =	sdelay $0x3  }
0x36: {  	p1 =	seq.s32 s10, $0x1;
	s10 =	sld [smem:$0x3F98];
	_ =	sdelay $0x3  }
0x37: {  	[smem:$0x3F98] =	sst s10  }
0x38: {  	s10 =	sld [smem:$0x3F99]  }
0x39: {  	_ = 	snop;
	(pc) =	sbr.ind lr, $3  }
0x3a: {  	_ = 	snop  }
0x3b: {  	_ = 	snop  }
0x3c: {  	p2 =	seq.s32 s10, $0x1;
	s10 =	sld [smem:$0x3F98]  }
0x3d: {  	_ =	shalt  }
0x3e: {  	_ =	shalt  }
0x3f: {  	_ =	shalt  }
0x40: {  	_ =	shalt  }
0x41: {  	_ =	shalt  }
0x42: {  	_ =	shalt  }
0x43: {  	_ =	shalt  }
0x44: {  	_ =	shalt  }
0x45: {  	_ =	shalt  }
0x46: {  	_ =	shalt  }
0x47: {  	_ =	shalt  }
0x48: {  	_ =	shalt  }
0x49: {  	_ =	shalt  }
0x4a: {  	_ =	shalt  }
0x4b: {  	_ =	shalt  }
0x4c: {  	_ =	shalt  }
0x4d: {  	_ =	shalt  }
0x4e: {  	_ =	shalt  }
0x4f: {  	_ =	shalt  }
0x50: {  	_ =	shalt  }
0x51: {  	_ =	shalt  }
0x52: {  	_ =	shalt  }
0x53: {  	_ =	shalt  }
0x54: {  	_ =	shalt  }
0x55: {  	_ =	shalt  }
0x56: {  	_ =	shalt  }
0x57: {  	_ =	shalt  }
0x58: {  	_ =	shalt  }
0x59: {  	_ =	shalt  }
0x5a: {  	_ =	shalt  }
0x5b: {  	_ =	shalt  }
0x5c: {  	_ =	shalt  }
0x5d: {  	_ =	shalt  }
0x5e: {  	_ =	shalt  }
0x5f: {  	_ =	shalt  }
0x60: {  	_ =	shalt  }
0x61: {  	_ =	shalt  }
0x62: {  	_ =	shalt  }
0x63: {  	_ =	shalt  }
0x64: {  	_ =	shalt  }
0x65: {  	_ =	shalt  }
0x66: {  	_ =	shalt  }
0x67: {  	_ =	shalt  }
0x68: {  	_ =	shalt  }
0x69: {  	_ =	shalt  }
0x6a: {  	_ =	shalt  }
0x6b: {  	_ =	shalt  }
0x6c: {  	_ =	shalt  }
0x6d: {  	_ =	shalt  }
0x6e: {  	_ =	shalt  }
0x6f: {  	_ =	shalt  }
0x70: {  	_ =	shalt  }
0x71: {  	_ =	shalt  }
0x72: {  	_ =	shalt  }
0x73: {  	_ =	shalt  }
0x74: {  	_ =	shalt  }
0x75: {  	_ =	shalt  }
0x76: {  	_ =	shalt  }
0x77: {  	_ =	shalt  }
0x78: {  	_ =	shalt  }
0x79: {  	_ =	shalt  }
0x7a: {  	_ =	shalt  }
0x7b: {  	_ =	shalt  }
0x7c: {  	_ =	shalt  }
0x7d: {  	_ =	shalt  }
0x7e: {  	_ =	shalt  }
0x7f: {  	_ =	shalt  }
0x80: {  	_ =	shalt  }
0x81: {  	_ =	shalt  }
0x82: {  	_ =	shalt  }
0x83: {  	_ =	shalt  }
0x84: {  	_ =	shalt  }
0x85: {  	_ =	shalt  }
0x86: {  	_ =	shalt  }
0x87: {  	_ =	shalt  }
.Lfunc_end0:
.L_simem_size_0:
called_computation.7_lowered:
.L_overlay_start_0:
0x88: {  	s2 =	sld [smem:$0x3FD9]  }
0x89: {  	s3 =	sld [smem:$0x3FFE];
	_ =	sdelay $0x1  }
0x8a: {  	s1 =	srdreg.scid  }
0x8b: {  	s0 =	sand.u32 $0x1, s1  }
0x8c: {  	s16 =	sshll.u32 s0, $0xA;
	s2 =	sadd.s32 s3, s2  }
0x8d: {  	s2 =	sadd.s32 s2, s16  }
0x8e: {  	[smem:$0x3FA4] =	sst s2  }
0x8f: {  	_ = 	snop  }
0x90: {  	(tm) =	ssettm $0x1  }
0x91: {  	s17 =	sld [smem:$0x3FFB];
	_ =	sdelay $0x3  }
0x92: {  	_ =	strace s17  }
0x93: {  	s2 =	sld [smem:$0x3FFC];
	_ =	sdelay $0x3  }
0x94: {  	_ =	strace s2  }
0x95: {  	s2 =	sld [smem:$0x3FFD];
	_ =	sdelay $0x3  }
0x96: {  	_ =	strace s2  }
0x97: {  	_ =	strace $0x8FFFFFFF  }
0x98: {  	s18 =	sld [smem:$0x3FDB];
	_ =	sdelay $0x1  }
0x99: {  	s19 =	simm.s32 $_scs_section_size  }
0x9a: {  	s4 =	simm.s32 $_size__tile_overlayer_lowered;
	s5 =	simm.s32 $_tile_overlayer_lowered  }
0x9b: {  	s22 =	simm.s32 $0x1BFF;
	s21 =	sshll.u32 s5, $0x1;
	s2 =	sadd.s32 s19, s18  }
0x9c: {  	s6 =	simm.s32 $0x0;
	s20 =	sshll.u32 s4, $0x1;
	s4 =	sadd.s32 s21, s2  }
0x9d: {  	[timem:s6], [sflag:s22] =	dma.local [hbm:s4], s20  }
0x9e: {  	_ =	swait.ge [sflag:s22], s20  }
0x9f: {  	s3 =	ssub.s32 $0x0, s20;
	[sflag:s22] =	ssyncset.done $0x0  }
0xa0: {  	[sflag:s22] =	ssyncadd.s32 s3;
	_ =	sdelay $0x1  }
0xa1: {  	s23 =	simm.s32 $0x1B8B  }
0xa2: {  	_ =	swait.ge [sflag:s23], $0x1  }
0xa3: {  	[sflag:s23] =	ssyncset.done $0x0  }
0xa4: {  	s25 =	simm.s32 $0x1B8E;
	s24 =	sld [smem:$0x3FFE];
	[sflag:s23] =	ssyncadd.s32 $0xFFFFFFFF  }
0xa5: {  	s26 =	simm.s32 $execute0_lowered;
	[smem:$0x3FD2] =	sst s25  }
0xa6: {  	s4 =	sshll.u32 s26, $0x1;
	_ =	strace $0x8000005B;
	[dreg:$0x1] =	wrdreg $0xFFFFFFFF  }
0xa7: {  	s28 =	simm.s32 $_size_execute0_lowered;
	s2 =	sadd.s32 s2, s4;
	[dreg:$0x0] =	wrdreg $0x0  }
0xa8: {  	s4 =	sshll.u32 s28, $0x1;
	[dreg:$0x2] =	wrdreg s2  }
0xa9: {  	[dreg:$0x3] =	wrdreg s4  }
0xaa: {  	[dreg:$0x4] =	wrdreg $0xC0  }
0xab: {  	_ =	task [dreg:s6], $0x5FFFF  }
0xac: {  	[dreg:$0x1] =	wrdreg $0xFFFFFFFF  }
0xad: {  	[dreg:$0x0] =	wrdreg $0x60  }
0xae: {  	[dreg:$0x2] =	wrdreg s24  }
0xaf: {  	[dreg:$0x3] =	wrdreg $0x84000  }
0xb0: {  	[dreg:$0x4] =	wrdreg $0x9  }
0xb1: {  	_ =	task.clear_ibuf [dreg:s6], $0x5FFFF;
	_ =	strace $0x9000005B  }
0xb2: {  	s29 =	simm.s32 $0x9;
	_ =	strace $0x8000005D  }
0xb3: {  	_ =	swait.ge [sflag:s29], $0x1  }
0xb4: {  	[sflag:s29] =	ssyncadd.s32 $0xFFFFFFFF  }
0xb5: {  	_ =	strace $0x9000005D  }
0xb6: {  	_ =	sfence  }
0xb7: {  	s30 =	sld [smem:$0x0];
	_ =	sdelay $0x2  }
0xb8: {  	s31 =	sshll.u32 s1, $0xD;
	s1 =	sshrl.u32 s1, $0x2  }
0xb9: {  	s3 =	sand.u32 $0x4000, s31;
	s1 =	sadd.s32 s1, s30  }
0xba: {  	s0 =	sor.u32 s3, s0;
	s1 =	sshll.u32 s1, $0x11  }
0xbb: {  	s0 =	sor.u32 s1, s0  }
0xbc: {  	s0 =	sadd.s32 $0x8F2B, s0  }
0xbd: {  	[sflag:s0] =	ssyncadd.remote.s32 $0x1  }
0xbe: {  	_ =	sfence.sel $0xFFFF  }
0xbf: {  	[dreg:$0x0] =	wrdreg $0xFFFFFFFF;
	(pc) =	sbr.abs _section_cstart, $3  }
0xc0: {  	[dreg:$0x1] =	wrdreg $0xFFFFFFFF  }
0xc1: {  	_ =	task.clear_ibuf [dreg:s6], $0x2FFFF;
	_ =	strace $0x9FFFFFFF  }
0xc2: {  	(tm) =	ssettm $0x7FFFFFFF  }
0xc3: {  	_ =	shalt  }
tec
execute0_lowered:
.L_overlay_start_1:
0x0: {  	(tag) =	ssettag $0x1  }
0x1: {  	s22 =	rddreg [dreg:$0x0]  }
0x2: {  	s2 =	rddreg [dreg:$0x1]  }
0x3: {  	s0 =	rddreg [dreg:$0x2];
	s3 =	simm.s32 $0x0;
	s4 =	srdreg.scid  }
0x4: {  	s1 =	stileid.u32;
	[smem:$0x7FF] =	sst s3;
	s23 =	sand.u32 $0x1, s4  }
0x5: {  	s5 =	sshll.u32 s1, $0xA;
	s9 =	sshll.u32 s1, $0x6;
	s4 =	sadd.s32 $0x18A00, s22  }
0x6: {  	_ =	strace $0x8000005C;
	s8 =	sshll.u32 s23, $0xA;
	s6 =	sadd.s32 s5, s2  }
0x7: {  	s5 =	sor.u32 $0x1C03, s9;
	s7 =	sshrl.u32 s6, $0x3;
	s6 =	simm.s32 $0x3  }
0x8: {  	[spmem:s7], [sflag:s5] =	dma.local [hbm:s4], $0x80  }
0x9: {  	s8 =	sor.u32 s9, s8;
	_ =	swait.ge [sflag:s6], $0x80  }
0xa: {  	s9 =	sadd.s32 s8, s22;
	[sflag:s6] =	ssyncset.done $0x0  }
0xb: {  	s8 =	sadd.s32 $0x42000, s9;
	[sflag:s6] =	ssyncadd.s32 $0xFFFFFF80  }
0xc: {  	[tilespmem:s3], [sflag:$0x3] =	stream.linear.gather [hbm4b:s8+s3], $0x200, $0x38;
	[tilespmem:$0x8800] =	vst v63  }
0xd: {  	_ =	swait.ge [sflag:s6], $0x200  }
0xe: {  	[sflag:s6] =	ssyncset.done $0x0  }
0xf: {  	s10 =	simm.s32 $0x200;
	s9 =	sadd.s32 $0x41800, s9;
	[sflag:s6] =	ssyncadd.s32 $0xFFFFFE00  }
0x10: {  	[tilespmem:s10], [sflag:$0x3] =	stream.linear.gather [hbm4b:s9+s3], $0x200, $0x38;
	[tilespmem:$0x8800] =	vst v63  }
0x11: {  	_ =	swait.ge [sflag:s6], $0x200  }
0x12: {  	[sflag:s6] =	ssyncset.done $0x0  }
0x13: {  	s12 =	simm.s32 $0x80;
	[sflag:s6] =	ssyncadd.s32 $0xFFFFFE00  }
0x14: {  	s13 =	simm.s32 $0x400;
	s11 =	sadd.s32 $0x19E00, s22;
	[bflag:$0x0] =	sbarrier.arrive $0xFFFF  }
0x15: {  	[tilespmem:s13], [sflag:$0x1] =	stream.indirect.gather [hbm4b:s11+s12], $0x80, s3, s12, $0xb8;
	[tilespmem:$0x8800] =	vst v63  }
0x16: {  	s14 =	simm.s32 $0x4400;
	s15 =	simm.s32 $0x1  }
0x17: {  	[tilespmem:s14], [sflag:$0x2] =	stream.indirect.gather [hbm4b:s11+s12], $0x80, s12, s12, $0xb8;
	[tilespmem:$0x8800] =	vst v63  }
0x18: {  	_ =	swait.ge [sflag:s15], $0x4000  }
0x19: {  	[sflag:s15] =	ssyncset.done $0x0  }
0x1a: {  	[sflag:s15] =	ssyncadd.s32 $0xFFFFC000  }
0x1b: {  	[spmem:s2] =	stream.indirect.scatter.add.f32 [tilespmem:s13], [sflag:$0x3], $0x80, s10, s12, $0xb8;
	[tilespmem:$0x8800] =	vst v63  }
0x1c: {  	_ =	swait.ge [sflag:s6], $0x4000  }
0x1d: {  	[sflag:s6] =	ssyncset.done $0x0  }
0x1e: {  	s16 =	simm.s32 $0x2;
	[sflag:s6] =	ssyncadd.s32 $0xFFFFC000  }
0x1f: {  	_ =	swait.ge [sflag:s16], $0x4000  }
0x20: {  	[sflag:s16] =	ssyncset.done $0x0  }
0x21: {  	s17 =	simm.s32 $0x280;
	[sflag:s16] =	ssyncadd.s32 $0xFFFFC000  }
0x22: {  	[spmem:s2] =	stream.indirect.scatter.add.f32 [tilespmem:s14], [sflag:$0x3], $0x80, s17, s12, $0xb8;
	[tilespmem:$0x8800] =	vst v63  }
0x23: {  	_ =	swait.ge [sflag:s6], $0x4000  }
0x24: {  	[sflag:s6] =	ssyncset.done $0x0  }
0x25: {  	s18 =	simm.s32 $0x100;
	[sflag:s6] =	ssyncadd.s32 $0xFFFFC000  }
0x26: {  	[tilespmem:s13], [sflag:$0x1] =	stream.indirect.gather [hbm4b:s11+s12], $0x80, s18, s12, $0xb8;
	[tilespmem:$0x8800] =	vst v63  }
0x27: {  	s19 =	simm.s32 $0x180  }
0x28: {  	[tilespmem:s14], [sflag:$0x2] =	stream.indirect.gather [hbm4b:s11+s12], $0x80, s19, s12, $0xb8;
	[tilespmem:$0x8800] =	vst v63  }
0x29: {  	_ =	swait.ge [sflag:s15], $0x4000  }
0x2a: {  	[sflag:s15] =	ssyncset.done $0x0  }
0x2b: {  	s20 =	simm.s32 $0x300;
	[sflag:s15] =	ssyncadd.s32 $0xFFFFC000  }
0x2c: {  	[spmem:s2] =	stream.indirect.scatter.add.f32 [tilespmem:s13], [sflag:$0x3], $0x80, s20, s12, $0xb8;
	[tilespmem:$0x8800] =	vst v63  }
0x2d: {  	_ =	swait.ge [sflag:s6], $0x4000  }
0x2e: {  	[sflag:s6] =	ssyncset.done $0x0  }
0x2f: {  	[sflag:s6] =	ssyncadd.s32 $0xFFFFC000  }
0x30: {  	s21 =	simm.s32 $0x380;
	s30 =	ssub.s32 $0x2, s23;
	_ =	swait.ge [sflag:s16], $0x4000  }
0x31: {  	s24 =	sshll.u32 s1, $0x7;
	s25 =	sshrl.u32 s30, $0x1;
	[sflag:s16] =	ssyncset.done $0x0  }
0x32: {  	s22 =	sadd.s32 s24, s22;
	s24 =	ssub.s32 s30, s25;
	[sflag:s16] =	ssyncadd.s32 $0xFFFFC000  }
0x33: {  	[spmem:s2] =	stream.indirect.scatter.add.f32 [tilespmem:s14], [sflag:$0x3], $0x80, s21, s12, $0xb8;
	[tilespmem:$0x8800] =	vst v63  }
0x34: {  	s31 =	smax.u32 s24, $0x1;
	_ =	swait.ge [sflag:s6], $0x4000  }
0x35: {  	s23 =	sshll.u32 s23, $0xB;
	p0 =	sne.s32 s31, $0x1;
	[sflag:s6] =	ssyncset.done $0x0  }
.Ltmp0:
0x36: {  	s22 =	sadd.s32 s23, s22;
	[sflag:s6] =	ssyncadd.s32 $0xFFFFC000;
	(pc) =	sbr.rel @!p0 .LBB2_2-.Ltmp0, $4  }
0x37: {  	s22 =	sadd.s32 $0x2A00, s22;
	[bflag:$0x0] =	sbarrier.arrive $0xFFFF  }
0x38: {  	[hbm:s22], [sflag:s5] =	dma.local [spmem:s7], $0x80  }
0x39: {  	_ =	swait.ge [sflag:s6], $0x80  }
0x3a: {  	s23 =	sadd.s32 $0xFFFFFFFF, s31;
	[sflag:s6] =	ssyncset.done $0x0  }
.LBB2_1:
0x3b: {  	p0 =	sne.s32 s23, $0x1;
	s23 =	sadd.s32 $0xFFFFFFFF, s23;
	[sflag:s6] =	ssyncadd.s32 $0xFFFFFF80  }
0x3c: {  	[spmem:s7], [sflag:s5] =	dma.local [hbm:s4], $0x80  }
0x3d: {  	_ =	swait.ge [sflag:s6], $0x80  }
0x3e: {  	[sflag:s6] =	ssyncset.done $0x0  }
0x3f: {  	[sflag:s6] =	ssyncadd.s32 $0xFFFFFF80  }
0x40: {  	[tilespmem:s3], [sflag:$0x3] =	stream.linear.gather [hbm4b:s8+s3], $0x200, $0x38;
	[tilespmem:$0x8800] =	vst v63  }
0x41: {  	_ =	swait.ge [sflag:s6], $0x200  }
0x42: {  	[sflag:s6] =	ssyncset.done $0x0  }
0x43: {  	[sflag:s6] =	ssyncadd.s32 $0xFFFFFE00  }
0x44: {  	[tilespmem:s10], [sflag:$0x3] =	stream.linear.gather [hbm4b:s9+s3], $0x200, $0x38;
	[tilespmem:$0x8800] =	vst v63  }
0x45: {  	_ =	swait.ge [sflag:s6], $0x200  }
0x46: {  	[sflag:s6] =	ssyncset.done $0x0  }
0x47: {  	[sflag:s6] =	ssyncadd.s32 $0xFFFFFE00  }
0x48: {  	[bflag:$0x0] =	sbarrier.arrive $0xFFFF  }
0x49: {  	[tilespmem:s13], [sflag:$0x1] =	stream.indirect.gather [hbm4b:s11+s12], $0x80, s3, s12, $0xb8;
	[tilespmem:$0x8800] =	vst v63  }
0x4a: {  	_ = 	snop  }
0x4b: {  	[tilespmem:s14], [sflag:$0x2] =	stream.indirect.gather [hbm4b:s11+s12], $0x80, s12, s12, $0xb8;
	[tilespmem:$0x8800] =	vst v63  }
0x4c: {  	_ =	swait.ge [sflag:s15], $0x4000  }
0x4d: {  	[sflag:s15] =	ssyncset.done $0x0  }
0x4e: {  	[sflag:s15] =	ssyncadd.s32 $0xFFFFC000  }
0x4f: {  	[spmem:s2] =	stream.indirect.scatter.add.f32 [tilespmem:s13], [sflag:$0x3], $0x80, s10, s12, $0xb8;
	[tilespmem:$0x8800] =	vst v63  }
0x50: {  	_ =	swait.ge [sflag:s6], $0x4000  }
0x51: {  	[sflag:s6] =	ssyncset.done $0x0  }
0x52: {  	[sflag:s6] =	ssyncadd.s32 $0xFFFFC000  }
0x53: {  	_ =	swait.ge [sflag:s16], $0x4000  }
0x54: {  	[sflag:s16] =	ssyncset.done $0x0  }
0x55: {  	[sflag:s16] =	ssyncadd.s32 $0xFFFFC000  }
0x56: {  	[spmem:s2] =	stream.indirect.scatter.add.f32 [tilespmem:s14], [sflag:$0x3], $0x80, s17, s12, $0xb8;
	[tilespmem:$0x8800] =	vst v63  }
0x57: {  	_ =	swait.ge [sflag:s6], $0x4000  }
0x58: {  	[sflag:s6] =	ssyncset.done $0x0  }
0x59: {  	[sflag:s6] =	ssyncadd.s32 $0xFFFFC000  }
0x5a: {  	[tilespmem:s13], [sflag:$0x1] =	stream.indirect.gather [hbm4b:s11+s12], $0x80, s18, s12, $0xb8;
	[tilespmem:$0x8800] =	vst v63  }
0x5b: {  	_ = 	snop  }
0x5c: {  	[tilespmem:s14], [sflag:$0x2] =	stream.indirect.gather [hbm4b:s11+s12], $0x80, s19, s12, $0xb8;
	[tilespmem:$0x8800] =	vst v63  }
0x5d: {  	_ =	swait.ge [sflag:s15], $0x4000  }
0x5e: {  	[sflag:s15] =	ssyncset.done $0x0  }
0x5f: {  	[sflag:s15] =	ssyncadd.s32 $0xFFFFC000  }
0x60: {  	[spmem:s2] =	stream.indirect.scatter.add.f32 [tilespmem:s13], [sflag:$0x3], $0x80, s20, s12, $0xb8;
	[tilespmem:$0x8800] =	vst v63  }
0x61: {  	_ =	swait.ge [sflag:s6], $0x4000  }
0x62: {  	[sflag:s6] =	ssyncset.done $0x0  }
0x63: {  	[sflag:s6] =	ssyncadd.s32 $0xFFFFC000  }
0x64: {  	_ =	swait.ge [sflag:s16], $0x4000  }
0x65: {  	[sflag:s16] =	ssyncset.done $0x0  }
0x66: {  	[sflag:s16] =	ssyncadd.s32 $0xFFFFC000  }
0x67: {  	[spmem:s2] =	stream.indirect.scatter.add.f32 [tilespmem:s14], [sflag:$0x3], $0x80, s21, s12, $0xb8;
	[tilespmem:$0x8800] =	vst v63  }
0x68: {  	_ =	swait.ge [sflag:s6], $0x4000  }
0x69: {  	[sflag:s6] =	ssyncset.done $0x0  }
.Ltmp1:
0x6a: {  	[sflag:s6] =	ssyncadd.s32 $0xFFFFC000;
	(pc) =	sbr.rel @p0 .LBB2_1-.Ltmp1, $4  }
0x6b: {  	[bflag:$0x0] =	sbarrier.arrive $0xFFFF  }
0x6c: {  	[hbm:s22], [sflag:s5] =	dma.local [spmem:s7], $0x80  }
0x6d: {  	_ =	swait.ge [sflag:s6], $0x80  }
0x6e: {  	[sflag:s6] =	ssyncset.done $0x0  }
.LBB2_2:
0x6f: {  	[sflag:s6] =	ssyncadd.s32 $0xFFFFFF80  }
0x70: {  	_ =	sfence.sel $0x180000  }
0x71: {  	[bflag:$0x0] =	sbarrier.arrive $0xFFFF  }
0x72: {  	p0 =	sne.s32 s1, $0x0;
	_ =	strace $0x9000005C  }
0x73: {  	s0 =	sadd.s32 @!p0 $0x100000, s0;
	[bflag:$0x2] =	sbarrier.arrive $0xFFFF  }
0x74: {  	[sflag:s0] =	ssyncadd.tile.s32 @!p0 $0x1;
	_ =	shalt  }
.Lfunc_end2:
_tile_overlayer_lowered:
.L_overlay_start_2:
0x75: {  	(tag) =	ssettag $0x2  }
0x76: {  	s0 =	rddreg [dreg:$0x0];
	s2 =	stileid.u32  }
0x77: {  	s1 =	rddreg [dreg:$0x1];
	p0 =	sne.s32 s2, $0x0  }
0x78: {  	s3 =	rddreg [dreg:$0x2];
	[bflag:$0x3] =	sbarrier.arrive $0xFFFF;
	s2 =	simm.s32 @!p0 $0x1C03  }
0x79: {  	[timem:s3], [sflag:s2] =	dma.local @!p0 [hbm:s0], s1  }
0x7a: {  	s0 =	simm.s32 @!p0 $0x3  }
0x7b: {  	_ =	swait.ge @!p0 [sflag:s0], s1  }
0x7c: {  	s1 =	ssub.s32 @!p0 $0x0, s1;
	[sflag:s0] =	ssyncset.done @!p0 $0x0  }
0x7d: {  	[sflag:s0] =	ssyncadd.s32 @!p0 s1  }
0x7e: {  	[bflag:$0x3] =	sbarrier.arrive $0xFFFF  }
0x7f: {  	_ =	shalt  }

</sc_bundles>
